<compile_context>
chip_gen: v7x
topology: tpu7x:2x2x1
jax: 0.10.2.dev20260603
libtpu: 0.0.44.dev20260713+nightly
codegen_flags: <defaults>
</compile_context>

<pallas_src>
import functools

import jax
import jax.numpy as jnp
from jax import lax
from jax.experimental import pallas as pl
from jax.experimental.pallas import tpu as pltpu
from jax.experimental.pallas import tpu_sc as plsc

_NC = 2
_NS = 16
_NW = _NC * _NS

_GB = 8
_TB = 128


def _transpose_block(in_v, rows_v, iota, rot, sidx):
    def jbody(jl, _):
        j0 = jl * 16
        iota_j = iota + j0
        for d0 in range(0, 64, 16):
            base = j0 * 64 + d0
            for s0 in range(0, 16, 4):
                xs = [
                    plsc.load_gather(in_v, [rot[s0 + i] + d0, iota_j])
                    for i in range(4)
                ]
                for i in range(4):
                    plsc.store_scatter(rows_v, [sidx[s0 + i] + base], xs[i])
        return 0

    lax.fori_loop(0, 8, jbody, 0)


@functools.partial(jax.jit, static_argnames=("vocab", "dim"))
def _sc_detranspose(table_t, rem_flat, *, vocab, dim):
    nblk_full = vocab // _TB
    rem = vocab - nblk_full * _TB
    per_w = (nblk_full + _NW - 1) // _NW

    mesh = plsc.VectorSubcoreMesh(core_axis_name="c", subcore_axis_name="s")

    @functools.partial(
        pl.kernel,
        mesh=mesh,
        compiler_params=pltpu.CompilerParams(needs_layout_passes=False),
        out_type=jax.ShapeDtypeStruct((vocab * dim,), jnp.float32),
        scratch_types=[
            pltpu.VMEM((dim, _TB), jnp.float32),
            pltpu.VMEM((dim, _TB), jnp.float32),
            pltpu.VMEM((_TB * dim,), jnp.float32),
            pltpu.VMEM((_TB * dim,), jnp.float32),
            pltpu.SemaphoreType.DMA,
            pltpu.SemaphoreType.DMA,
            pltpu.SemaphoreType.DMA,
            pltpu.SemaphoreType.DMA,
        ],
    )
    def k(tt_hbm, rem_hbm, out_hbm, in0, in1, rows0, rows1,
          is0, is1, os0, os1):
        wid = lax.axis_index("s") * _NC + lax.axis_index("c")
        ins, rows = (in0, in1), (rows0, rows1)
        isems, osems = (is0, is1), (os0, os1)
        iota = lax.iota(jnp.int32, 16)
        rot = [(iota + s) % 16 for s in range(16)]
        sidx = [iota * 64 + rot[s] for s in range(16)]

        if rem:
            @pl.when(wid == _NW - 1)
            def _tail():
                pltpu.sync_copy(rem_hbm, rows0.at[pl.ds(0, rem * dim)])
                pltpu.sync_copy(
                    rows0.at[pl.ds(0, rem * dim)],
                    out_hbm.at[pl.ds(nblk_full * _TB * dim, rem * dim)],
                )

        def in_copy(g, b):
            bid = g * _NW + wid
            return pltpu.make_async_copy(
                tt_hbm.at[:, pl.ds(bid * _TB, _TB)], ins[b], isems[b]
            )

        def out_copy(g, b):
            bid = g * _NW + wid
            return pltpu.make_async_copy(
                rows[b], out_hbm.at[pl.ds(bid * _TB * dim, _TB * dim)],
                osems[b],
            )

        in_copy(0, 0).start()

        def body(go, _):
            for b in range(2):
                g = go * 2 + b
                bid = g * _NW + wid

                @pl.when(bid < nblk_full)
                def _step(g=g, b=b):
                    @pl.when(bid + _NW < nblk_full)
                    def _pre():
                        in_copy(g + 1, 1 - b).start()
                    in_copy(g, b).wait()

                    @pl.when(g >= 2)
                    def _drain():
                        out_copy(g - 2, b).wait()
                    _transpose_block(ins[b], rows[b], iota, rot, sidx)
                    out_copy(g, b).start()
            return 0

        lax.fori_loop(0, (per_w + 1) // 2, body, 0)

        for gl in (per_w - 3, per_w - 2, per_w - 1):
            if gl >= 0:
                @pl.when(
                    (gl * _NW + wid < nblk_full)
                    & ((gl + 2) * _NW + wid >= nblk_full)
                )
                def _final(gl=gl):
                    out_copy(gl, gl % 2).wait()

    return k(table_t, rem_flat)


_CB = 128


@functools.partial(jax.jit, static_argnames=("batch", "hist", "dim"))
def _sc_gather(table_lin, ids_t, *, batch, hist, dim):
    nchunk = batch // _CB
    units = hist * nchunk
    per_w = units // _NW

    mesh = plsc.VectorSubcoreMesh(core_axis_name="c", subcore_axis_name="s")

    @functools.partial(
        pl.kernel,
        mesh=mesh,
        compiler_params=pltpu.CompilerParams(
            use_tc_tiling_on_sc=False, needs_layout_passes=False
        ),
        out_type=jax.ShapeDtypeStruct((hist, dim, batch), jnp.float32),
        scratch_types=(
            [pltpu.VMEM((_CB,), jnp.int32)] * 4
            + [pltpu.VMEM((_CB, dim), jnp.float32)] * 4
            + [pltpu.VMEM((dim, _CB), jnp.float32)] * 4
            + [pltpu.SemaphoreType.DMA] * 12
        ),
    )
    def k(table_hbm, ids_hbm, out_hbm, *bufs):
        wid = lax.axis_index("s") * _NC + lax.axis_index("c")
        u_base = wid * per_w
        ixs, rws, trs = bufs[0:4], bufs[4:8], bufs[8:12]
        isems, gsems, osems = bufs[12:16], bufs[16:20], bufs[20:24]
        iota = lax.iota(jnp.int32, 16)
        rot = [(iota + s) % 16 for s in range(16)]

        def hc(g):
            u = u_base + g
            return u // nchunk, (u % nchunk) * _CB

        def idx_copy(g, b):
            h, c0 = hc(g)
            return pltpu.make_async_copy(
                ids_hbm.at[h, pl.ds(c0, _CB)], ixs[b], isems[b]
            )

        def gather_copy(g, b):
            return pltpu.make_async_copy(
                table_hbm.at[ixs[b]], rws[b], gsems[b]
            )

        def out_copy(g, b):
            h, c0 = hc(g)
            return pltpu.make_async_copy(
                trs[b], out_hbm.at[h, :, pl.ds(c0, _CB)], osems[b]
            )

        def transpose(b):
            def jbody(jl, _):
                j0 = jl * 16
                for d0 in range(0, dim, 16):
                    iota_d = iota + d0
                    for s0 in range(0, 16, 4):
                        xs = [
                            plsc.load_gather(
                                rws[b], [rot[s0 + i] + j0, iota_d]
                            )
                            for i in range(4)
                        ]
                        for i in range(4):
                            plsc.store_scatter(
                                trs[b], [iota_d, rot[s0 + i] + j0], xs[i]
                            )
                return 0

            lax.fori_loop(0, _CB // 16, jbody, 0)

        for j in range(4):
            idx_copy(j, j).start()
        for j in range(4):
            idx_copy(j, j).wait()
            gather_copy(j, j).start()

        def body(go, _):
            for b in range(4):
                g = go * 4 + b
                gather_copy(g, b).wait()

                @pl.when(g + 4 < per_w)
                def _nexti():
                    idx_copy(g + 4, b).start()

                @pl.when(g >= 4)
                def _draino():
                    out_copy(g - 4, b).wait()
                transpose(b)
                out_copy(g, b).start()

                @pl.when(g + 4 < per_w)
                def _nextg():
                    idx_copy(g + 4, b).wait()
                    gather_copy(g + 4, b).start()
            return 0

        lax.fori_loop(0, per_w // 4, body, 0)
        for j in range(4):
            out_copy(per_w - 4 + j, j).wait()

    return k(table_lin, ids_t)


def kernel(word_ids, table):
    b, h = word_ids.shape
    v, d = table.shape
    main = (v // _TB) * _TB
    rem_flat = table[main:, :].reshape(-1)
    flat = _sc_detranspose(table.T, rem_flat, vocab=v, dim=d)
    out_t = _sc_gather(flat.reshape(v, d), word_ids.T, batch=b, hist=h, dim=d)
    return jnp.transpose(out_t, (2, 0, 1))

# --- scband reference (transcript-rebuilt; emitter-appended) ---
"""Pipeline reference for scband-word-embedding-model-68281390071849 (READ-ONLY COPY).

The authoritative reference and input builder live on the scoring server;
editing this copy changes nothing except your own understanding.
"""

import jax, jax.numpy as jnp
import numpy as np

NUM_WORDS = 1000000
EMBED_DIM = 64
BATCH = 16384
HIST = 50

def setup_inputs(seed: int = 0) -> dict:
    key = jax.random.key(seed)
    k_idx, k_tab = jax.random.split(key)
    word_ids = jax.random.randint(k_idx, (BATCH, HIST), 0, NUM_WORDS, dtype=jnp.int64 if jax.config.jax_enable_x64 else jnp.int32)
    # xavier uniform init for embedding table: bound = sqrt(6 / (fan_in + fan_out))
    bound = float(np.sqrt(6.0 / (NUM_WORDS + EMBED_DIM)))
    table = jax.random.uniform(k_tab, (NUM_WORDS, EMBED_DIM), dtype=jnp.float32, minval=-bound, maxval=bound)
    return {"word_ids": word_ids, "table": table}

def reference(word_ids, table):
    # nn.Embedding lookup: gather rows of table by word_ids
    return jnp.take(table, word_ids, axis=0)

if __name__ == "__main__":
    import jax
    _d = setup_inputs()
    print(jax.jit(kernel)(*tuple(_d.values())))

</pallas_src>

<mosaic_0001>
#map = affine_map<(d0, d1) -> (0, 0)>
#map1 = affine_map<(d0, d1) -> (0)>
module attributes {stable_mosaic.version = 14 : i64} {
  func.func @k(%arg0: i32, %arg1: i32, %arg2: memref<64x1000000xf32, #tpu.memory_space<hbm>>, %arg3: memref<4096xf32, #tpu.memory_space<hbm>>, %arg4: memref<64000000xf32, #tpu.memory_space<hbm>>, %arg5: memref<64x128xf32, #tpu.memory_space<vmem>>, %arg6: memref<64x128xf32, #tpu.memory_space<vmem>>, %arg7: memref<8192xf32, #tpu.memory_space<vmem>>, %arg8: memref<8192xf32, #tpu.memory_space<vmem>>, %arg9: memref<!tpu.dma_semaphore, #tpu.memory_space<semaphore_mem>>, %arg10: memref<!tpu.dma_semaphore, #tpu.memory_space<semaphore_mem>>, %arg11: memref<!tpu.dma_semaphore, #tpu.memory_space<semaphore_mem>>, %arg12: memref<!tpu.dma_semaphore, #tpu.memory_space<semaphore_mem>>) attributes {dimension_semantics = [#tpu.dimension_semantics<core_parallel>, #tpu.dimension_semantics<subcore_parallel>], iteration_bounds = array<i64: 2, 16>, scalar_prefetch = 0 : i64, scratch_operands = 8 : i64, tpu.core_type = #tpu.core_type<sc_vector_subcore>, window_params = [{transform_indices = #map}, {transform_indices = #map1}, {transform_indices = #map1}]} {
    %mul3A = arith.constant 2 : i32
    %mul3A_0 = arith.muli %arg1, %mul3A : i32
    %add3A = arith.addi %mul3A_0, %arg0 : i32
    %iota3A = tpu.iota {dimensions = array<i32: 0>} : vector<16xi32>
    %add3A_1 = arith.constant 0 : i32
    %add3A_2 = vector.broadcast %add3A_1 : i32 to vector<16xi32>
    %add3A_3 = arith.addi %iota3A, %add3A_2 : vector<16xi32>
    %jit3A = arith.constant 16 : i32
    %eq3A = arith.constant 0 : i32
    %eq3A_4 = arith.cmpi eq, %jit3A, %eq3A : i32
    %jit3A_5 = arith.constant 1 : i32
    %select_n3A = arith.select %eq3A_4, %jit3A_5, %jit3A : i32
    %rem3A = vector.broadcast %select_n3A : i32 to vector<16xi32>
    %rem3A_6 = arith.remsi %add3A_3, %rem3A : vector<16xi32>
    %ne3A = arith.constant 0 : i32
    %ne3A_7 = vector.broadcast %ne3A : i32 to vector<16xi32>
    %ne3A_8 = arith.cmpi ne, %rem3A_6, %ne3A_7 : vector<16xi32>
    %lt3A = arith.constant 0 : i32
    %lt3A_9 = vector.broadcast %lt3A : i32 to vector<16xi32>
    %lt3A_10 = arith.cmpi slt, %rem3A_6, %lt3A_9 : vector<16xi32>
    %lt3A_11 = arith.constant 0 : i32
    %lt3A_12 = arith.cmpi slt, %select_n3A, %lt3A_11 : i32
    %ne3A_13 = vector.broadcast %lt3A_12 : i1 to vector<16xi1>
    %ne3A_14 = vector.broadcast %ne3A_13 : vector<16xi1> to vector<16xi1>
    %ne3A_15 = arith.xori %lt3A_10, %ne3A_14 : vector<16xi1>
    %and3A = arith.andi %ne3A_15, %ne3A_8 : vector<16xi1>
    %add3A_16 = vector.broadcast %select_n3A : i32 to vector<16xi32>
    %add3A_17 = arith.addi %rem3A_6, %add3A_16 : vector<16xi32>
    %select_n3A_18 = arith.select %and3A, %add3A_17, %rem3A_6 : vector<16xi1>, vector<16xi32>
    %add3A_19 = arith.constant 1 : i32
    %add3A_20 = vector.broadcast %add3A_19 : i32 to vector<16xi32>
    %add3A_21 = arith.addi %iota3A, %add3A_20 : vector<16xi32>
    %jit3A_22 = arith.constant 16 : i32
    %eq3A_23 = arith.constant 0 : i32
    %eq3A_24 = arith.cmpi eq, %jit3A_22, %eq3A_23 : i32
    %jit3A_25 = arith.constant 1 : i32
    %select_n3A_26 = arith.select %eq3A_24, %jit3A_25, %jit3A_22 : i32
    %rem3A_27 = vector.broadcast %select_n3A_26 : i32 to vector<16xi32>
    %rem3A_28 = arith.remsi %add3A_21, %rem3A_27 : vector<16xi32>
    %ne3A_29 = arith.constant 0 : i32
    %ne3A_30 = vector.broadcast %ne3A_29 : i32 to vector<16xi32>
    %ne3A_31 = arith.cmpi ne, %rem3A_28, %ne3A_30 : vector<16xi32>
    %lt3A_32 = arith.constant 0 : i32
    %lt3A_33 = vector.broadcast %lt3A_32 : i32 to vector<16xi32>
    %lt3A_34 = arith.cmpi slt, %rem3A_28, %lt3A_33 : vector<16xi32>
    %lt3A_35 = arith.constant 0 : i32
    %lt3A_36 = arith.cmpi slt, %select_n3A_26, %lt3A_35 : i32
    %ne3A_37 = vector.broadcast %lt3A_36 : i1 to vector<16xi1>
    %ne3A_38 = vector.broadcast %ne3A_37 : vector<16xi1> to vector<16xi1>
    %ne3A_39 = arith.xori %lt3A_34, %ne3A_38 : vector<16xi1>
    %and3A_40 = arith.andi %ne3A_39, %ne3A_31 : vector<16xi1>
    %add3A_41 = vector.broadcast %select_n3A_26 : i32 to vector<16xi32>
    %add3A_42 = arith.addi %rem3A_28, %add3A_41 : vector<16xi32>
    %select_n3A_43 = arith.select %and3A_40, %add3A_42, %rem3A_28 : vector<16xi1>, vector<16xi32>
    %add3A_44 = arith.constant 2 : i32
    %add3A_45 = vector.broadcast %add3A_44 : i32 to vector<16xi32>
    %add3A_46 = arith.addi %iota3A, %add3A_45 : vector<16xi32>
    %jit3A_47 = arith.constant 16 : i32
    %eq3A_48 = arith.constant 0 : i32
    %eq3A_49 = arith.cmpi eq, %jit3A_47, %eq3A_48 : i32
    %jit3A_50 = arith.constant 1 : i32
    %select_n3A_51 = arith.select %eq3A_49, %jit3A_50, %jit3A_47 : i32
    %rem3A_52 = vector.broadcast %select_n3A_51 : i32 to vector<16xi32>
    %rem3A_53 = arith.remsi %add3A_46, %rem3A_52 : vector<16xi32>
    %ne3A_54 = arith.constant 0 : i32
    %ne3A_55 = vector.broadcast %ne3A_54 : i32 to vector<16xi32>
    %ne3A_56 = arith.cmpi ne, %rem3A_53, %ne3A_55 : vector<16xi32>
    %lt3A_57 = arith.constant 0 : i32
    %lt3A_58 = vector.broadcast %lt3A_57 : i32 to vector<16xi32>
    %lt3A_59 = arith.cmpi slt, %rem3A_53, %lt3A_58 : vector<16xi32>
    %lt3A_60 = arith.constant 0 : i32
    %lt3A_61 = arith.cmpi slt, %select_n3A_51, %lt3A_60 : i32
    %ne3A_62 = vector.broadcast %lt3A_61 : i1 to vector<16xi1>
    %ne3A_63 = vector.broadcast %ne3A_62 : vector<16xi1> to vector<16xi1>
    %ne3A_64 = arith.xori %lt3A_59, %ne3A_63 : vector<16xi1>
    %and3A_65 = arith.andi %ne3A_64, %ne3A_56 : vector<16xi1>
    %add3A_66 = vector.broadcast %select_n3A_51 : i32 to vector<16xi32>
    %add3A_67 = arith.addi %rem3A_53, %add3A_66 : vector<16xi32>
    %select_n3A_68 = arith.select %and3A_65, %add3A_67, %rem3A_53 : vector<16xi1>, vector<16xi32>
    %add3A_69 = arith.constant 3 : i32
    %add3A_70 = vector.broadcast %add3A_69 : i32 to vector<16xi32>
    %add3A_71 = arith.addi %iota3A, %add3A_70 : vector<16xi32>
    %jit3A_72 = arith.constant 16 : i32
    %eq3A_73 = arith.constant 0 : i32
    %eq3A_74 = arith.cmpi eq, %jit3A_72, %eq3A_73 : i32
    %jit3A_75 = arith.constant 1 : i32
    %select_n3A_76 = arith.select %eq3A_74, %jit3A_75, %jit3A_72 : i32
    %rem3A_77 = vector.broadcast %select_n3A_76 : i32 to vector<16xi32>
    %rem3A_78 = arith.remsi %add3A_71, %rem3A_77 : vector<16xi32>
    %ne3A_79 = arith.constant 0 : i32
    %ne3A_80 = vector.broadcast %ne3A_79 : i32 to vector<16xi32>
    %ne3A_81 = arith.cmpi ne, %rem3A_78, %ne3A_80 : vector<16xi32>
    %lt3A_82 = arith.constant 0 : i32
    %lt3A_83 = vector.broadcast %lt3A_82 : i32 to vector<16xi32>
    %lt3A_84 = arith.cmpi slt, %rem3A_78, %lt3A_83 : vector<16xi32>
    %lt3A_85 = arith.constant 0 : i32
    %lt3A_86 = arith.cmpi slt, %select_n3A_76, %lt3A_85 : i32
    %ne3A_87 = vector.broadcast %lt3A_86 : i1 to vector<16xi1>
    %ne3A_88 = vector.broadcast %ne3A_87 : vector<16xi1> to vector<16xi1>
    %ne3A_89 = arith.xori %lt3A_84, %ne3A_88 : vector<16xi1>
    %and3A_90 = arith.andi %ne3A_89, %ne3A_81 : vector<16xi1>
    %add3A_91 = vector.broadcast %select_n3A_76 : i32 to vector<16xi32>
    %add3A_92 = arith.addi %rem3A_78, %add3A_91 : vector<16xi32>
    %select_n3A_93 = arith.select %and3A_90, %add3A_92, %rem3A_78 : vector<16xi1>, vector<16xi32>
    %add3A_94 = arith.constant 4 : i32
    %add3A_95 = vector.broadcast %add3A_94 : i32 to vector<16xi32>
    %add3A_96 = arith.addi %iota3A, %add3A_95 : vector<16xi32>
    %jit3A_97 = arith.constant 16 : i32
    %eq3A_98 = arith.constant 0 : i32
    %eq3A_99 = arith.cmpi eq, %jit3A_97, %eq3A_98 : i32
    %jit3A_100 = arith.constant 1 : i32
    %select_n3A_101 = arith.select %eq3A_99, %jit3A_100, %jit3A_97 : i32
    %rem3A_102 = vector.broadcast %select_n3A_101 : i32 to vector<16xi32>
    %rem3A_103 = arith.remsi %add3A_96, %rem3A_102 : vector<16xi32>
    %ne3A_104 = arith.constant 0 : i32
    %ne3A_105 = vector.broadcast %ne3A_104 : i32 to vector<16xi32>
    %ne3A_106 = arith.cmpi ne, %rem3A_103, %ne3A_105 : vector<16xi32>
    %lt3A_107 = arith.constant 0 : i32
    %lt3A_108 = vector.broadcast %lt3A_107 : i32 to vector<16xi32>
    %lt3A_109 = arith.cmpi slt, %rem3A_103, %lt3A_108 : vector<16xi32>
    %lt3A_110 = arith.constant 0 : i32
    %lt3A_111 = arith.cmpi slt, %select_n3A_101, %lt3A_110 : i32
    %ne3A_112 = vector.broadcast %lt3A_111 : i1 to vector<16xi1>
    %ne3A_113 = vector.broadcast %ne3A_112 : vector<16xi1> to vector<16xi1>
    %ne3A_114 = arith.xori %lt3A_109, %ne3A_113 : vector<16xi1>
    %and3A_115 = arith.andi %ne3A_114, %ne3A_106 : vector<16xi1>
    %add3A_116 = vector.broadcast %select_n3A_101 : i32 to vector<16xi32>
    %add3A_117 = arith.addi %rem3A_103, %add3A_116 : vector<16xi32>
    %select_n3A_118 = arith.select %and3A_115, %add3A_117, %rem3A_103 : vector<16xi1>, vector<16xi32>
    %add3A_119 = arith.constant 5 : i32
    %add3A_120 = vector.broadcast %add3A_119 : i32 to vector<16xi32>
    %add3A_121 = arith.addi %iota3A, %add3A_120 : vector<16xi32>
    %jit3A_122 = arith.constant 16 : i32
    %eq3A_123 = arith.constant 0 : i32
    %eq3A_124 = arith.cmpi eq, %jit3A_122, %eq3A_123 : i32
    %jit3A_125 = arith.constant 1 : i32
    %select_n3A_126 = arith.select %eq3A_124, %jit3A_125, %jit3A_122 : i32
    %rem3A_127 = vector.broadcast %select_n3A_126 : i32 to vector<16xi32>
    %rem3A_128 = arith.remsi %add3A_121, %rem3A_127 : vector<16xi32>
    %ne3A_129 = arith.constant 0 : i32
    %ne3A_130 = vector.broadcast %ne3A_129 : i32 to vector<16xi32>
    %ne3A_131 = arith.cmpi ne, %rem3A_128, %ne3A_130 : vector<16xi32>
    %lt3A_132 = arith.constant 0 : i32
    %lt3A_133 = vector.broadcast %lt3A_132 : i32 to vector<16xi32>
    %lt3A_134 = arith.cmpi slt, %rem3A_128, %lt3A_133 : vector<16xi32>
    %lt3A_135 = arith.constant 0 : i32
    %lt3A_136 = arith.cmpi slt, %select_n3A_126, %lt3A_135 : i32
    %ne3A_137 = vector.broadcast %lt3A_136 : i1 to vector<16xi1>
    %ne3A_138 = vector.broadcast %ne3A_137 : vector<16xi1> to vector<16xi1>
    %ne3A_139 = arith.xori %lt3A_134, %ne3A_138 : vector<16xi1>
    %and3A_140 = arith.andi %ne3A_139, %ne3A_131 : vector<16xi1>
    %add3A_141 = vector.broadcast %select_n3A_126 : i32 to vector<16xi32>
    %add3A_142 = arith.addi %rem3A_128, %add3A_141 : vector<16xi32>
    %select_n3A_143 = arith.select %and3A_140, %add3A_142, %rem3A_128 : vector<16xi1>, vector<16xi32>
    %add3A_144 = arith.constant 6 : i32
    %add3A_145 = vector.broadcast %add3A_144 : i32 to vector<16xi32>
    %add3A_146 = arith.addi %iota3A, %add3A_145 : vector<16xi32>
    %jit3A_147 = arith.constant 16 : i32
    %eq3A_148 = arith.constant 0 : i32
    %eq3A_149 = arith.cmpi eq, %jit3A_147, %eq3A_148 : i32
    %jit3A_150 = arith.constant 1 : i32
    %select_n3A_151 = arith.select %eq3A_149, %jit3A_150, %jit3A_147 : i32
    %rem3A_152 = vector.broadcast %select_n3A_151 : i32 to vector<16xi32>
    %rem3A_153 = arith.remsi %add3A_146, %rem3A_152 : vector<16xi32>
    %ne3A_154 = arith.constant 0 : i32
    %ne3A_155 = vector.broadcast %ne3A_154 : i32 to vector<16xi32>
    %ne3A_156 = arith.cmpi ne, %rem3A_153, %ne3A_155 : vector<16xi32>
    %lt3A_157 = arith.constant 0 : i32
    %lt3A_158 = vector.broadcast %lt3A_157 : i32 to vector<16xi32>
    %lt3A_159 = arith.cmpi slt, %rem3A_153, %lt3A_158 : vector<16xi32>
    %lt3A_160 = arith.constant 0 : i32
    %lt3A_161 = arith.cmpi slt, %select_n3A_151, %lt3A_160 : i32
    %ne3A_162 = vector.broadcast %lt3A_161 : i1 to vector<16xi1>
    %ne3A_163 = vector.broadcast %ne3A_162 : vector<16xi1> to vector<16xi1>
    %ne3A_164 = arith.xori %lt3A_159, %ne3A_163 : vector<16xi1>
    %and3A_165 = arith.andi %ne3A_164, %ne3A_156 : vector<16xi1>
    %add3A_166 = vector.broadcast %select_n3A_151 : i32 to vector<16xi32>
    %add3A_167 = arith.addi %rem3A_153, %add3A_166 : vector<16xi32>
    %select_n3A_168 = arith.select %and3A_165, %add3A_167, %rem3A_153 : vector<16xi1>, vector<16xi32>
    %add3A_169 = arith.constant 7 : i32
    %add3A_170 = vector.broadcast %add3A_169 : i32 to vector<16xi32>
    %add3A_171 = arith.addi %iota3A, %add3A_170 : vector<16xi32>
    %jit3A_172 = arith.constant 16 : i32
    %eq3A_173 = arith.constant 0 : i32
    %eq3A_174 = arith.cmpi eq, %jit3A_172, %eq3A_173 : i32
    %jit3A_175 = arith.constant 1 : i32
    %select_n3A_176 = arith.select %eq3A_174, %jit3A_175, %jit3A_172 : i32
    %rem3A_177 = vector.broadcast %select_n3A_176 : i32 to vector<16xi32>
    %rem3A_178 = arith.remsi %add3A_171, %rem3A_177 : vector<16xi32>
    %ne3A_179 = arith.constant 0 : i32
    %ne3A_180 = vector.broadcast %ne3A_179 : i32 to vector<16xi32>
    %ne3A_181 = arith.cmpi ne, %rem3A_178, %ne3A_180 : vector<16xi32>
    %lt3A_182 = arith.constant 0 : i32
    %lt3A_183 = vector.broadcast %lt3A_182 : i32 to vector<16xi32>
    %lt3A_184 = arith.cmpi slt, %rem3A_178, %lt3A_183 : vector<16xi32>
    %lt3A_185 = arith.constant 0 : i32
    %lt3A_186 = arith.cmpi slt, %select_n3A_176, %lt3A_185 : i32
    %ne3A_187 = vector.broadcast %lt3A_186 : i1 to vector<16xi1>
    %ne3A_188 = vector.broadcast %ne3A_187 : vector<16xi1> to vector<16xi1>
    %ne3A_189 = arith.xori %lt3A_184, %ne3A_188 : vector<16xi1>
    %and3A_190 = arith.andi %ne3A_189, %ne3A_181 : vector<16xi1>
    %add3A_191 = vector.broadcast %select_n3A_176 : i32 to vector<16xi32>
    %add3A_192 = arith.addi %rem3A_178, %add3A_191 : vector<16xi32>
    %select_n3A_193 = arith.select %and3A_190, %add3A_192, %rem3A_178 : vector<16xi1>, vector<16xi32>
    %add3A_194 = arith.constant 8 : i32
    %add3A_195 = vector.broadcast %add3A_194 : i32 to vector<16xi32>
    %add3A_196 = arith.addi %iota3A, %add3A_195 : vector<16xi32>
    %jit3A_197 = arith.constant 16 : i32
    %eq3A_198 = arith.constant 0 : i32
    %eq3A_199 = arith.cmpi eq, %jit3A_197, %eq3A_198 : i32
    %jit3A_200 = arith.constant 1 : i32
    %select_n3A_201 = arith.select %eq3A_199, %jit3A_200, %jit3A_197 : i32
    %rem3A_202 = vector.broadcast %select_n3A_201 : i32 to vector<16xi32>
    %rem3A_203 = arith.remsi %add3A_196, %rem3A_202 : vector<16xi32>
    %ne3A_204 = arith.constant 0 : i32
    %ne3A_205 = vector.broadcast %ne3A_204 : i32 to vector<16xi32>
    %ne3A_206 = arith.cmpi ne, %rem3A_203, %ne3A_205 : vector<16xi32>
    %lt3A_207 = arith.constant 0 : i32
    %lt3A_208 = vector.broadcast %lt3A_207 : i32 to vector<16xi32>
    %lt3A_209 = arith.cmpi slt, %rem3A_203, %lt3A_208 : vector<16xi32>
    %lt3A_210 = arith.constant 0 : i32
    %lt3A_211 = arith.cmpi slt, %select_n3A_201, %lt3A_210 : i32
    %ne3A_212 = vector.broadcast %lt3A_211 : i1 to vector<16xi1>
    %ne3A_213 = vector.broadcast %ne3A_212 : vector<16xi1> to vector<16xi1>
    %ne3A_214 = arith.xori %lt3A_209, %ne3A_213 : vector<16xi1>
    %and3A_215 = arith.andi %ne3A_214, %ne3A_206 : vector<16xi1>
    %add3A_216 = vector.broadcast %select_n3A_201 : i32 to vector<16xi32>
    %add3A_217 = arith.addi %rem3A_203, %add3A_216 : vector<16xi32>
    %select_n3A_218 = arith.select %and3A_215, %add3A_217, %rem3A_203 : vector<16xi1>, vector<16xi32>
    %add3A_219 = arith.constant 9 : i32
    %add3A_220 = vector.broadcast %add3A_219 : i32 to vector<16xi32>
    %add3A_221 = arith.addi %iota3A, %add3A_220 : vector<16xi32>
    %jit3A_222 = arith.constant 16 : i32
    %eq3A_223 = arith.constant 0 : i32
    %eq3A_224 = arith.cmpi eq, %jit3A_222, %eq3A_223 : i32
    %jit3A_225 = arith.constant 1 : i32
    %select_n3A_226 = arith.select %eq3A_224, %jit3A_225, %jit3A_222 : i32
    %rem3A_227 = vector.broadcast %select_n3A_226 : i32 to vector<16xi32>
    %rem3A_228 = arith.remsi %add3A_221, %rem3A_227 : vector<16xi32>
    %ne3A_229 = arith.constant 0 : i32
    %ne3A_230 = vector.broadcast %ne3A_229 : i32 to vector<16xi32>
    %ne3A_231 = arith.cmpi ne, %rem3A_228, %ne3A_230 : vector<16xi32>
    %lt3A_232 = arith.constant 0 : i32
    %lt3A_233 = vector.broadcast %lt3A_232 : i32 to vector<16xi32>
    %lt3A_234 = arith.cmpi slt, %rem3A_228, %lt3A_233 : vector<16xi32>
    %lt3A_235 = arith.constant 0 : i32
    %lt3A_236 = arith.cmpi slt, %select_n3A_226, %lt3A_235 : i32
    %ne3A_237 = vector.broadcast %lt3A_236 : i1 to vector<16xi1>
    %ne3A_238 = vector.broadcast %ne3A_237 : vector<16xi1> to vector<16xi1>
    %ne3A_239 = arith.xori %lt3A_234, %ne3A_238 : vector<16xi1>
    %and3A_240 = arith.andi %ne3A_239, %ne3A_231 : vector<16xi1>
    %add3A_241 = vector.broadcast %select_n3A_226 : i32 to vector<16xi32>
    %add3A_242 = arith.addi %rem3A_228, %add3A_241 : vector<16xi32>
    %select_n3A_243 = arith.select %and3A_240, %add3A_242, %rem3A_228 : vector<16xi1>, vector<16xi32>
    %add3A_244 = arith.constant 10 : i32
    %add3A_245 = vector.broadcast %add3A_244 : i32 to vector<16xi32>
    %add3A_246 = arith.addi %iota3A, %add3A_245 : vector<16xi32>
    %jit3A_247 = arith.constant 16 : i32
    %eq3A_248 = arith.constant 0 : i32
    %eq3A_249 = arith.cmpi eq, %jit3A_247, %eq3A_248 : i32
    %jit3A_250 = arith.constant 1 : i32
    %select_n3A_251 = arith.select %eq3A_249, %jit3A_250, %jit3A_247 : i32
    %rem3A_252 = vector.broadcast %select_n3A_251 : i32 to vector<16xi32>
    %rem3A_253 = arith.remsi %add3A_246, %rem3A_252 : vector<16xi32>
    %ne3A_254 = arith.constant 0 : i32
    %ne3A_255 = vector.broadcast %ne3A_254 : i32 to vector<16xi32>
    %ne3A_256 = arith.cmpi ne, %rem3A_253, %ne3A_255 : vector<16xi32>
    %lt3A_257 = arith.constant 0 : i32
    %lt3A_258 = vector.broadcast %lt3A_257 : i32 to vector<16xi32>
    %lt3A_259 = arith.cmpi slt, %rem3A_253, %lt3A_258 : vector<16xi32>
    %lt3A_260 = arith.constant 0 : i32
    %lt3A_261 = arith.cmpi slt, %select_n3A_251, %lt3A_260 : i32
    %ne3A_262 = vector.broadcast %lt3A_261 : i1 to vector<16xi1>
    %ne3A_263 = vector.broadcast %ne3A_262 : vector<16xi1> to vector<16xi1>
    %ne3A_264 = arith.xori %lt3A_259, %ne3A_263 : vector<16xi1>
    %and3A_265 = arith.andi %ne3A_264, %ne3A_256 : vector<16xi1>
    %add3A_266 = vector.broadcast %select_n3A_251 : i32 to vector<16xi32>
    %add3A_267 = arith.addi %rem3A_253, %add3A_266 : vector<16xi32>
    %select_n3A_268 = arith.select %and3A_265, %add3A_267, %rem3A_253 : vector<16xi1>, vector<16xi32>
    %add3A_269 = arith.constant 11 : i32
    %add3A_270 = vector.broadcast %add3A_269 : i32 to vector<16xi32>
    %add3A_271 = arith.addi %iota3A, %add3A_270 : vector<16xi32>
    %jit3A_272 = arith.constant 16 : i32
    %eq3A_273 = arith.constant 0 : i32
    %eq3A_274 = arith.cmpi eq, %jit3A_272, %eq3A_273 : i32
    %jit3A_275 = arith.constant 1 : i32
    %select_n3A_276 = arith.select %eq3A_274, %jit3A_275, %jit3A_272 : i32
    %rem3A_277 = vector.broadcast %select_n3A_276 : i32 to vector<16xi32>
    %rem3A_278 = arith.remsi %add3A_271, %rem3A_277 : vector<16xi32>
    %ne3A_279 = arith.constant 0 : i32
    %ne3A_280 = vector.broadcast %ne3A_279 : i32 to vector<16xi32>
    %ne3A_281 = arith.cmpi ne, %rem3A_278, %ne3A_280 : vector<16xi32>
    %lt3A_282 = arith.constant 0 : i32
    %lt3A_283 = vector.broadcast %lt3A_282 : i32 to vector<16xi32>
    %lt3A_284 = arith.cmpi slt, %rem3A_278, %lt3A_283 : vector<16xi32>
    %lt3A_285 = arith.constant 0 : i32
    %lt3A_286 = arith.cmpi slt, %select_n3A_276, %lt3A_285 : i32
    %ne3A_287 = vector.broadcast %lt3A_286 : i1 to vector<16xi1>
    %ne3A_288 = vector.broadcast %ne3A_287 : vector<16xi1> to vector<16xi1>
    %ne3A_289 = arith.xori %lt3A_284, %ne3A_288 : vector<16xi1>
    %and3A_290 = arith.andi %ne3A_289, %ne3A_281 : vector<16xi1>
    %add3A_291 = vector.broadcast %select_n3A_276 : i32 to vector<16xi32>
    %add3A_292 = arith.addi %rem3A_278, %add3A_291 : vector<16xi32>
    %select_n3A_293 = arith.select %and3A_290, %add3A_292, %rem3A_278 : vector<16xi1>, vector<16xi32>
    %add3A_294 = arith.constant 12 : i32
    %add3A_295 = vector.broadcast %add3A_294 : i32 to vector<16xi32>
    %add3A_296 = arith.addi %iota3A, %add3A_295 : vector<16xi32>
    %jit3A_297 = arith.constant 16 : i32
    %eq3A_298 = arith.constant 0 : i32
    %eq3A_299 = arith.cmpi eq, %jit3A_297, %eq3A_298 : i32
    %jit3A_300 = arith.constant 1 : i32
    %select_n3A_301 = arith.select %eq3A_299, %jit3A_300, %jit3A_297 : i32
    %rem3A_302 = vector.broadcast %select_n3A_301 : i32 to vector<16xi32>
    %rem3A_303 = arith.remsi %add3A_296, %rem3A_302 : vector<16xi32>
    %ne3A_304 = arith.constant 0 : i32
    %ne3A_305 = vector.broadcast %ne3A_304 : i32 to vector<16xi32>
    %ne3A_306 = arith.cmpi ne, %rem3A_303, %ne3A_305 : vector<16xi32>
    %lt3A_307 = arith.constant 0 : i32
    %lt3A_308 = vector.broadcast %lt3A_307 : i32 to vector<16xi32>
    %lt3A_309 = arith.cmpi slt, %rem3A_303, %lt3A_308 : vector<16xi32>
    %lt3A_310 = arith.constant 0 : i32
    %lt3A_311 = arith.cmpi slt, %select_n3A_301, %lt3A_310 : i32
    %ne3A_312 = vector.broadcast %lt3A_311 : i1 to vector<16xi1>
    %ne3A_313 = vector.broadcast %ne3A_312 : vector<16xi1> to vector<16xi1>
    %ne3A_314 = arith.xori %lt3A_309, %ne3A_313 : vector<16xi1>
    %and3A_315 = arith.andi %ne3A_314, %ne3A_306 : vector<16xi1>
    %add3A_316 = vector.broadcast %select_n3A_301 : i32 to vector<16xi32>
    %add3A_317 = arith.addi %rem3A_303, %add3A_316 : vector<16xi32>
    %select_n3A_318 = arith.select %and3A_315, %add3A_317, %rem3A_303 : vector<16xi1>, vector<16xi32>
    %add3A_319 = arith.constant 13 : i32
    %add3A_320 = vector.broadcast %add3A_319 : i32 to vector<16xi32>
    %add3A_321 = arith.addi %iota3A, %add3A_320 : vector<16xi32>
    %jit3A_322 = arith.constant 16 : i32
    %eq3A_323 = arith.constant 0 : i32
    %eq3A_324 = arith.cmpi eq, %jit3A_322, %eq3A_323 : i32
    %jit3A_325 = arith.constant 1 : i32
    %select_n3A_326 = arith.select %eq3A_324, %jit3A_325, %jit3A_322 : i32
    %rem3A_327 = vector.broadcast %select_n3A_326 : i32 to vector<16xi32>
    %rem3A_328 = arith.remsi %add3A_321, %rem3A_327 : vector<16xi32>
    %ne3A_329 = arith.constant 0 : i32
    %ne3A_330 = vector.broadcast %ne3A_329 : i32 to vector<16xi32>
    %ne3A_331 = arith.cmpi ne, %rem3A_328, %ne3A_330 : vector<16xi32>
    %lt3A_332 = arith.constant 0 : i32
    %lt3A_333 = vector.broadcast %lt3A_332 : i32 to vector<16xi32>
    %lt3A_334 = arith.cmpi slt, %rem3A_328, %lt3A_333 : vector<16xi32>
    %lt3A_335 = arith.constant 0 : i32
    %lt3A_336 = arith.cmpi slt, %select_n3A_326, %lt3A_335 : i32
    %ne3A_337 = vector.broadcast %lt3A_336 : i1 to vector<16xi1>
    %ne3A_338 = vector.broadcast %ne3A_337 : vector<16xi1> to vector<16xi1>
    %ne3A_339 = arith.xori %lt3A_334, %ne3A_338 : vector<16xi1>
    %and3A_340 = arith.andi %ne3A_339, %ne3A_331 : vector<16xi1>
    %add3A_341 = vector.broadcast %select_n3A_326 : i32 to vector<16xi32>
    %add3A_342 = arith.addi %rem3A_328, %add3A_341 : vector<16xi32>
    %select_n3A_343 = arith.select %and3A_340, %add3A_342, %rem3A_328 : vector<16xi1>, vector<16xi32>
    %add3A_344 = arith.constant 14 : i32
    %add3A_345 = vector.broadcast %add3A_344 : i32 to vector<16xi32>
    %add3A_346 = arith.addi %iota3A, %add3A_345 : vector<16xi32>
    %jit3A_347 = arith.constant 16 : i32
    %eq3A_348 = arith.constant 0 : i32
    %eq3A_349 = arith.cmpi eq, %jit3A_347, %eq3A_348 : i32
    %jit3A_350 = arith.constant 1 : i32
    %select_n3A_351 = arith.select %eq3A_349, %jit3A_350, %jit3A_347 : i32
    %rem3A_352 = vector.broadcast %select_n3A_351 : i32 to vector<16xi32>
    %rem3A_353 = arith.remsi %add3A_346, %rem3A_352 : vector<16xi32>
    %ne3A_354 = arith.constant 0 : i32
    %ne3A_355 = vector.broadcast %ne3A_354 : i32 to vector<16xi32>
    %ne3A_356 = arith.cmpi ne, %rem3A_353, %ne3A_355 : vector<16xi32>
    %lt3A_357 = arith.constant 0 : i32
    %lt3A_358 = vector.broadcast %lt3A_357 : i32 to vector<16xi32>
    %lt3A_359 = arith.cmpi slt, %rem3A_353, %lt3A_358 : vector<16xi32>
    %lt3A_360 = arith.constant 0 : i32
    %lt3A_361 = arith.cmpi slt, %select_n3A_351, %lt3A_360 : i32
    %ne3A_362 = vector.broadcast %lt3A_361 : i1 to vector<16xi1>
    %ne3A_363 = vector.broadcast %ne3A_362 : vector<16xi1> to vector<16xi1>
    %ne3A_364 = arith.xori %lt3A_359, %ne3A_363 : vector<16xi1>
    %and3A_365 = arith.andi %ne3A_364, %ne3A_356 : vector<16xi1>
    %add3A_366 = vector.broadcast %select_n3A_351 : i32 to vector<16xi32>
    %add3A_367 = arith.addi %rem3A_353, %add3A_366 : vector<16xi32>
    %select_n3A_368 = arith.select %and3A_365, %add3A_367, %rem3A_353 : vector<16xi1>, vector<16xi32>
    %add3A_369 = arith.constant 15 : i32
    %add3A_370 = vector.broadcast %add3A_369 : i32 to vector<16xi32>
    %add3A_371 = arith.addi %iota3A, %add3A_370 : vector<16xi32>
    %jit3A_372 = arith.constant 16 : i32
    %eq3A_373 = arith.constant 0 : i32
    %eq3A_374 = arith.cmpi eq, %jit3A_372, %eq3A_373 : i32
    %jit3A_375 = arith.constant 1 : i32
    %select_n3A_376 = arith.select %eq3A_374, %jit3A_375, %jit3A_372 : i32
    %rem3A_377 = vector.broadcast %select_n3A_376 : i32 to vector<16xi32>
    %rem3A_378 = arith.remsi %add3A_371, %rem3A_377 : vector<16xi32>
    %ne3A_379 = arith.constant 0 : i32
    %ne3A_380 = vector.broadcast %ne3A_379 : i32 to vector<16xi32>
    %ne3A_381 = arith.cmpi ne, %rem3A_378, %ne3A_380 : vector<16xi32>
    %lt3A_382 = arith.constant 0 : i32
    %lt3A_383 = vector.broadcast %lt3A_382 : i32 to vector<16xi32>
    %lt3A_384 = arith.cmpi slt, %rem3A_378, %lt3A_383 : vector<16xi32>
    %lt3A_385 = arith.constant 0 : i32
    %lt3A_386 = arith.cmpi slt, %select_n3A_376, %lt3A_385 : i32
    %ne3A_387 = vector.broadcast %lt3A_386 : i1 to vector<16xi1>
    %ne3A_388 = vector.broadcast %ne3A_387 : vector<16xi1> to vector<16xi1>
    %ne3A_389 = arith.xori %lt3A_384, %ne3A_388 : vector<16xi1>
    %and3A_390 = arith.andi %ne3A_389, %ne3A_381 : vector<16xi1>
    %add3A_391 = vector.broadcast %select_n3A_376 : i32 to vector<16xi32>
    %add3A_392 = arith.addi %rem3A_378, %add3A_391 : vector<16xi32>
    %select_n3A_393 = arith.select %and3A_390, %add3A_392, %rem3A_378 : vector<16xi1>, vector<16xi32>
    %mul3A_394 = arith.constant 64 : i32
    %mul3A_395 = vector.broadcast %mul3A_394 : i32 to vector<16xi32>
    %mul3A_396 = arith.muli %iota3A, %mul3A_395 : vector<16xi32>
    %add3A_397 = arith.addi %mul3A_396, %select_n3A_18 : vector<16xi32>
    %mul3A_398 = arith.constant 64 : i32
    %mul3A_399 = vector.broadcast %mul3A_398 : i32 to vector<16xi32>
    %mul3A_400 = arith.muli %iota3A, %mul3A_399 : vector<16xi32>
    %add3A_401 = arith.addi %mul3A_400, %select_n3A_43 : vector<16xi32>
    %mul3A_402 = arith.constant 64 : i32
    %mul3A_403 = vector.broadcast %mul3A_402 : i32 to vector<16xi32>
    %mul3A_404 = arith.muli %iota3A, %mul3A_403 : vector<16xi32>
    %add3A_405 = arith.addi %mul3A_404, %select_n3A_68 : vector<16xi32>
    %mul3A_406 = arith.constant 64 : i32
    %mul3A_407 = vector.broadcast %mul3A_406 : i32 to vector<16xi32>
    %mul3A_408 = arith.muli %iota3A, %mul3A_407 : vector<16xi32>
    %add3A_409 = arith.addi %mul3A_408, %select_n3A_93 : vector<16xi32>
    %mul3A_410 = arith.constant 64 : i32
    %mul3A_411 = vector.broadcast %mul3A_410 : i32 to vector<16xi32>
    %mul3A_412 = arith.muli %iota3A, %mul3A_411 : vector<16xi32>
    %add3A_413 = arith.addi %mul3A_412, %select_n3A_118 : vector<16xi32>
    %mul3A_414 = arith.constant 64 : i32
    %mul3A_415 = vector.broadcast %mul3A_414 : i32 to vector<16xi32>
    %mul3A_416 = arith.muli %iota3A, %mul3A_415 : vector<16xi32>
    %add3A_417 = arith.addi %mul3A_416, %select_n3A_143 : vector<16xi32>
    %mul3A_418 = arith.constant 64 : i32
    %mul3A_419 = vector.broadcast %mul3A_418 : i32 to vector<16xi32>
    %mul3A_420 = arith.muli %iota3A, %mul3A_419 : vector<16xi32>
    %add3A_421 = arith.addi %mul3A_420, %select_n3A_168 : vector<16xi32>
    %mul3A_422 = arith.constant 64 : i32
    %mul3A_423 = vector.broadcast %mul3A_422 : i32 to vector<16xi32>
    %mul3A_424 = arith.muli %iota3A, %mul3A_423 : vector<16xi32>
    %add3A_425 = arith.addi %mul3A_424, %select_n3A_193 : vector<16xi32>
    %mul3A_426 = arith.constant 64 : i32
    %mul3A_427 = vector.broadcast %mul3A_426 : i32 to vector<16xi32>
    %mul3A_428 = arith.muli %iota3A, %mul3A_427 : vector<16xi32>
    %add3A_429 = arith.addi %mul3A_428, %select_n3A_218 : vector<16xi32>
    %mul3A_430 = arith.constant 64 : i32
    %mul3A_431 = vector.broadcast %mul3A_430 : i32 to vector<16xi32>
    %mul3A_432 = arith.muli %iota3A, %mul3A_431 : vector<16xi32>
    %add3A_433 = arith.addi %mul3A_432, %select_n3A_243 : vector<16xi32>
    %mul3A_434 = arith.constant 64 : i32
    %mul3A_435 = vector.broadcast %mul3A_434 : i32 to vector<16xi32>
    %mul3A_436 = arith.muli %iota3A, %mul3A_435 : vector<16xi32>
    %add3A_437 = arith.addi %mul3A_436, %select_n3A_268 : vector<16xi32>
    %mul3A_438 = arith.constant 64 : i32
    %mul3A_439 = vector.broadcast %mul3A_438 : i32 to vector<16xi32>
    %mul3A_440 = arith.muli %iota3A, %mul3A_439 : vector<16xi32>
    %add3A_441 = arith.addi %mul3A_440, %select_n3A_293 : vector<16xi32>
    %mul3A_442 = arith.constant 64 : i32
    %mul3A_443 = vector.broadcast %mul3A_442 : i32 to vector<16xi32>
    %mul3A_444 = arith.muli %iota3A, %mul3A_443 : vector<16xi32>
    %add3A_445 = arith.addi %mul3A_444, %select_n3A_318 : vector<16xi32>
    %mul3A_446 = arith.constant 64 : i32
    %mul3A_447 = vector.broadcast %mul3A_446 : i32 to vector<16xi32>
    %mul3A_448 = arith.muli %iota3A, %mul3A_447 : vector<16xi32>
    %add3A_449 = arith.addi %mul3A_448, %select_n3A_343 : vector<16xi32>
    %mul3A_450 = arith.constant 64 : i32
    %mul3A_451 = vector.broadcast %mul3A_450 : i32 to vector<16xi32>
    %mul3A_452 = arith.muli %iota3A, %mul3A_451 : vector<16xi32>
    %add3A_453 = arith.addi %mul3A_452, %select_n3A_368 : vector<16xi32>
    %mul3A_454 = arith.constant 64 : i32
    %mul3A_455 = vector.broadcast %mul3A_454 : i32 to vector<16xi32>
    %mul3A_456 = arith.muli %iota3A, %mul3A_455 : vector<16xi32>
    %add3A_457 = arith.addi %mul3A_456, %select_n3A_393 : vector<16xi32>
    %eq3A_458 = arith.constant 31 : i32
    %eq3A_459 = arith.cmpi eq, %add3A, %eq3A_458 : i32
    %convert_element_type3A = arith.extui %eq3A_459 : i1 to i32
    %cond3A = arith.constant 0 : i32
    %cond3A_460 = arith.cmpi ne, %convert_element_type3A, %cond3A : i32
    scf.if %cond3A_460 {
      "tpu.region"() ({
        %run_scoped3A = tpu.sem_alloc : memref<!tpu.dma_semaphore, #tpu.memory_space<semaphore_mem>>
        %dma_start3A_509 = arith.constant 0 : i32
        %dma_start3A_510 = tpu.memref_slice %arg7[%dma_start3A_509] : memref<8192xf32, #tpu.memory_space<vmem>> -> memref<4096xf32, #tpu.memory_space<vmem>>
        %dma_start3A_511 = arith.constant 0 : i32
        %dma_start3A_512 = tpu.memref_slice %arg7[%dma_start3A_511] : memref<8192xf32, #tpu.memory_space<vmem>> -> memref<4096xf32, #tpu.memory_space<vmem>>
        tpu.enqueue_dma source(%arg3 : memref<4096xf32, #tpu.memory_space<hbm>>) target(%dma_start3A_512 : memref<4096xf32, #tpu.memory_space<vmem>>) target_semaphore(%run_scoped3A : memref<!tpu.dma_semaphore, #tpu.memory_space<semaphore_mem>>)
        %dma_wait3A = arith.constant 0 : i32
        %dma_wait3A_513 = tpu.memref_slice %arg7[%dma_wait3A] : memref<8192xf32, #tpu.memory_space<vmem>> -> memref<4096xf32, #tpu.memory_space<vmem>>
        %dma_wait3A_514 = arith.constant 0 : i32
        %dma_wait3A_515 = tpu.memref_slice %arg7[%dma_wait3A_514] : memref<8192xf32, #tpu.memory_space<vmem>> -> memref<4096xf32, #tpu.memory_space<vmem>>
        tpu.wait_dma2 semaphore(%run_scoped3A : memref<!tpu.dma_semaphore, #tpu.memory_space<semaphore_mem>>) src(%arg3 : memref<4096xf32, #tpu.memory_space<hbm>>) dst(%dma_wait3A_515 : memref<4096xf32, #tpu.memory_space<vmem>>)
        tpu.yield
      }) : () -> ()
      "tpu.region"() ({
        %run_scoped3A = tpu.sem_alloc : memref<!tpu.dma_semaphore, #tpu.memory_space<semaphore_mem>>
        %dma_start3A_509 = arith.constant 0 : i32
        %dma_start3A_510 = tpu.memref_slice %arg7[%dma_start3A_509] : memref<8192xf32, #tpu.memory_space<vmem>> -> memref<4096xf32, #tpu.memory_space<vmem>>
        %dma_start3A_511 = arith.constant 63995904 : i32
        %dma_start3A_512 = tpu.memref_slice %arg4[%dma_start3A_511] : memref<64000000xf32, #tpu.memory_space<hbm>> -> memref<4096xf32, #tpu.memory_space<hbm>>
        %dma_start3A_513 = arith.constant 63995904 : i32
        %dma_start3A_514 = tpu.memref_slice %arg4[%dma_start3A_513] : memref<64000000xf32, #tpu.memory_space<hbm>> -> memref<4096xf32, #tpu.memory_space<hbm>>
        %dma_start3A_515 = arith.constant 0 : i32
        %dma_start3A_516 = tpu.memref_slice %arg7[%dma_start3A_515] : memref<8192xf32, #tpu.memory_space<vmem>> -> memref<4096xf32, #tpu.memory_space<vmem>>
        tpu.enqueue_dma source(%dma_start3A_516 : memref<4096xf32, #tpu.memory_space<vmem>>) target(%dma_start3A_514 : memref<4096xf32, #tpu.memory_space<hbm>>) target_semaphore(%run_scoped3A : memref<!tpu.dma_semaphore, #tpu.memory_space<semaphore_mem>>)
        %dma_wait3A = arith.constant 0 : i32
        %dma_wait3A_517 = tpu.memref_slice %arg7[%dma_wait3A] : memref<8192xf32, #tpu.memory_space<vmem>> -> memref<4096xf32, #tpu.memory_space<vmem>>
        %dma_wait3A_518 = arith.constant 63995904 : i32
        %dma_wait3A_519 = tpu.memref_slice %arg4[%dma_wait3A_518] : memref<64000000xf32, #tpu.memory_space<hbm>> -> memref<4096xf32, #tpu.memory_space<hbm>>
        %dma_wait3A_520 = arith.constant 63995904 : i32
        %dma_wait3A_521 = tpu.memref_slice %arg4[%dma_wait3A_520] : memref<64000000xf32, #tpu.memory_space<hbm>> -> memref<4096xf32, #tpu.memory_space<hbm>>
        %dma_wait3A_522 = arith.constant 0 : i32
        %dma_wait3A_523 = tpu.memref_slice %arg7[%dma_wait3A_522] : memref<8192xf32, #tpu.memory_space<vmem>> -> memref<4096xf32, #tpu.memory_space<vmem>>
        tpu.wait_dma2 semaphore(%run_scoped3A : memref<!tpu.dma_semaphore, #tpu.memory_space<semaphore_mem>>) src(%dma_wait3A_523 : memref<4096xf32, #tpu.memory_space<vmem>>) dst(%dma_wait3A_521 : memref<4096xf32, #tpu.memory_space<hbm>>)
        tpu.yield
      }) : () -> ()
    } else {
    }
    %add3A_461 = arith.constant 0 : i32
    %add3A_462 = arith.addi %add3A_461, %add3A : i32
    %mul3A_463 = arith.constant 128 : i32
    %mul3A_464 = arith.muli %add3A_462, %mul3A_463 : i32
    %dma_start3A = arith.constant 0 : i32
    %dma_start3A_465 = tpu.memref_slice %arg2[%dma_start3A, %mul3A_464] : memref<64x1000000xf32, #tpu.memory_space<hbm>> -> memref<64x128xf32, #tpu.memory_space<hbm>>
    %dma_start3A_466 = arith.constant 0 : i32
    %dma_start3A_467 = tpu.memref_slice %arg2[%dma_start3A_466, %mul3A_464] : memref<64x1000000xf32, #tpu.memory_space<hbm>> -> memref<64x128xf32, #tpu.memory_space<hbm>>
    tpu.enqueue_dma source(%dma_start3A_467 : memref<64x128xf32, #tpu.memory_space<hbm>>) target(%arg5 : memref<64x128xf32, #tpu.memory_space<vmem>>) target_semaphore(%arg9 : memref<!tpu.dma_semaphore, #tpu.memory_space<semaphore_mem>>)
    %scan3A = arith.constant 0 : i32
    %scan3A_468 = arith.constant 0 : i32
    %scan3A_469 = arith.constant 123 : i32
    %scan3A_470 = arith.addi %scan3A_468, %scan3A_469 : i32
    %scan3A_471 = arith.constant 1 : i32
    %scan3A_472 = scf.for %scan3A_509 = %scan3A_468 to %scan3A_470 step %scan3A_471 iter_args(%scan3A_510 = %scan3A) -> (i32)  : i32 {
      %mul3A_511 = arith.constant 2 : i32
      %mul3A_512 = arith.muli %scan3A_509, %mul3A_511 : i32
      %add3A_513 = arith.constant 0 : i32
      %add3A_514 = arith.addi %mul3A_512, %add3A_513 : i32
      %mul3A_515 = arith.constant 32 : i32
      %mul3A_516 = arith.muli %add3A_514, %mul3A_515 : i32
      %add3A_517 = arith.addi %mul3A_516, %add3A : i32
      %lt3A_518 = arith.constant 7812 : i32
      %lt3A_519 = arith.cmpi slt, %add3A_517, %lt3A_518 : i32
      %convert_element_type3A_520 = arith.extui %lt3A_519 : i1 to i32
      %cond3A_521 = arith.constant 0 : i32
      %cond3A_522 = arith.cmpi ne, %convert_element_type3A_520, %cond3A_521 : i32
      scf.if %cond3A_522 {
        %add3A_536 = arith.constant 32 : i32
        %add3A_537 = arith.addi %add3A_517, %add3A_536 : i32
        %lt3A_538 = arith.constant 7812 : i32
        %lt3A_539 = arith.cmpi slt, %add3A_537, %lt3A_538 : i32
        %convert_element_type3A_540 = arith.extui %lt3A_539 : i1 to i32
        %cond3A_541 = arith.constant 0 : i32
        %cond3A_542 = arith.cmpi ne, %convert_element_type3A_540, %cond3A_541 : i32
        scf.if %cond3A_542 {
          %add3A_572 = arith.constant 1 : i32
          %add3A_573 = arith.addi %add3A_514, %add3A_572 : i32
          %mul3A_574 = arith.constant 32 : i32
          %mul3A_575 = arith.muli %add3A_573, %mul3A_574 : i32
          %add3A_576 = arith.addi %mul3A_575, %add3A : i32
          %mul3A_577 = arith.constant 128 : i32
          %mul3A_578 = arith.muli %add3A_576, %mul3A_577 : i32
          %dma_start3A_579 = arith.constant 0 : i32
          %dma_start3A_580 = tpu.memref_slice %arg2[%dma_start3A_579, %mul3A_578] : memref<64x1000000xf32, #tpu.memory_space<hbm>> -> memref<64x128xf32, #tpu.memory_space<hbm>>
          %dma_start3A_581 = arith.constant 0 : i32
          %dma_start3A_582 = tpu.memref_slice %arg2[%dma_start3A_581, %mul3A_578] : memref<64x1000000xf32, #tpu.memory_space<hbm>> -> memref<64x128xf32, #tpu.memory_space<hbm>>
          tpu.enqueue_dma source(%dma_start3A_582 : memref<64x128xf32, #tpu.memory_space<hbm>>) target(%arg6 : memref<64x128xf32, #tpu.memory_space<vmem>>) target_semaphore(%arg10 : memref<!tpu.dma_semaphore, #tpu.memory_space<semaphore_mem>>)
        } else {
        }
        %mul3A_543 = arith.constant 32 : i32
        %mul3A_544 = arith.muli %add3A_514, %mul3A_543 : i32
        %add3A_545 = arith.addi %mul3A_544, %add3A : i32
        %mul3A_546 = arith.constant 128 : i32
        %mul3A_547 = arith.muli %add3A_545, %mul3A_546 : i32
        %dma_wait3A = arith.constant 0 : i32
        %dma_wait3A_548 = tpu.memref_slice %arg2[%dma_wait3A, %mul3A_547] : memref<64x1000000xf32, #tpu.memory_space<hbm>> -> memref<64x128xf32, #tpu.memory_space<hbm>>
        %dma_wait3A_549 = arith.constant 0 : i32
        %dma_wait3A_550 = tpu.memref_slice %arg2[%dma_wait3A_549, %mul3A_547] : memref<64x1000000xf32, #tpu.memory_space<hbm>> -> memref<64x128xf32, #tpu.memory_space<hbm>>
        tpu.wait_dma2 semaphore(%arg9 : memref<!tpu.dma_semaphore, #tpu.memory_space<semaphore_mem>>) src(%dma_wait3A_550 : memref<64x128xf32, #tpu.memory_space<hbm>>) dst(%arg5 : memref<64x128xf32, #tpu.memory_space<vmem>>)
        %ge3A_551 = arith.constant 2 : i32
        %ge3A_552 = arith.cmpi sge, %add3A_514, %ge3A_551 : i32
        %convert_element_type3A_553 = arith.extui %ge3A_552 : i1 to i32
        %cond3A_554 = arith.constant 0 : i32
        %cond3A_555 = arith.cmpi ne, %convert_element_type3A_553, %cond3A_554 : i32
        scf.if %cond3A_555 {
          %sub3A = arith.constant 2 : i32
          %sub3A_572 = arith.subi %add3A_514, %sub3A : i32
          %mul3A_573 = arith.constant 32 : i32
          %mul3A_574 = arith.muli %sub3A_572, %mul3A_573 : i32
          %add3A_575 = arith.addi %mul3A_574, %add3A : i32
          %mul3A_576 = arith.constant 128 : i32
          %mul3A_577 = arith.muli %add3A_575, %mul3A_576 : i32
          %mul3A_578 = arith.constant 64 : i32
          %mul3A_579 = arith.muli %mul3A_577, %mul3A_578 : i32
          %dma_wait3A_580 = tpu.memref_slice %arg4[%mul3A_579] : memref<64000000xf32, #tpu.memory_space<hbm>> -> memref<8192xf32, #tpu.memory_space<hbm>>
          %dma_wait3A_581 = tpu.memref_slice %arg4[%mul3A_579] : memref<64000000xf32, #tpu.memory_space<hbm>> -> memref<8192xf32, #tpu.memory_space<hbm>>
          tpu.wait_dma2 semaphore(%arg11 : memref<!tpu.dma_semaphore, #tpu.memory_space<semaphore_mem>>) src(%arg7 : memref<8192xf32, #tpu.memory_space<vmem>>) dst(%dma_wait3A_581 : memref<8192xf32, #tpu.memory_space<hbm>>)
        } else {
        }
        %scan3A_556 = arith.constant 0 : i32
        %scan3A_557 = arith.constant 0 : i32
        %scan3A_558 = arith.constant 8 : i32
        %scan3A_559 = arith.addi %scan3A_557, %scan3A_558 : i32
        %scan3A_560 = arith.constant 1 : i32
        %scan3A_561 = scf.for %scan3A_572 = %scan3A_557 to %scan3A_559 step %scan3A_560 iter_args(%scan3A_573 = %scan3A_556) -> (i32)  : i32 {
          %mul3A_574 = arith.constant 16 : i32
          %mul3A_575 = arith.muli %scan3A_572, %mul3A_574 : i32
          %add3A_576 = vector.broadcast %mul3A_575 : i32 to vector<16xi32>
          %add3A_577 = arith.addi %iota3A, %add3A_576 : vector<16xi32>
          %mul3A_578 = arith.constant 64 : i32
          %mul3A_579 = arith.muli %mul3A_575, %mul3A_578 : i32
          %add3A_580 = arith.constant 0 : i32
          %add3A_581 = arith.addi %mul3A_579, %add3A_580 : i32
          %add3A_582 = arith.constant 0 : i32
          %add3A_583 = vector.broadcast %add3A_582 : i32 to vector<16xi32>
          %add3A_584 = arith.addi %select_n3A_18, %add3A_583 : vector<16xi32>
          %gather3A = tpu.vector_load_idx %arg5[%add3A_584, %add3A_577] : memref<64x128xf32, #tpu.memory_space<vmem>>[vector<16xi32>, vector<16xi32>], vector<16xf32>,
          %add3A_585 = arith.constant 0 : i32
          %add3A_586 = vector.broadcast %add3A_585 : i32 to vector<16xi32>
          %add3A_587 = arith.addi %select_n3A_43, %add3A_586 : vector<16xi32>
          %gather3A_588 = tpu.vector_load_idx %arg5[%add3A_587, %add3A_577] : memref<64x128xf32, #tpu.memory_space<vmem>>[vector<16xi32>, vector<16xi32>], vector<16xf32>,
          %add3A_589 = arith.constant 0 : i32
          %add3A_590 = vector.broadcast %add3A_589 : i32 to vector<16xi32>
          %add3A_591 = arith.addi %select_n3A_68, %add3A_590 : vector<16xi32>
          %gather3A_592 = tpu.vector_load_idx %arg5[%add3A_591, %add3A_577] : memref<64x128xf32, #tpu.memory_space<vmem>>[vector<16xi32>, vector<16xi32>], vector<16xf32>,
          %add3A_593 = arith.constant 0 : i32
          %add3A_594 = vector.broadcast %add3A_593 : i32 to vector<16xi32>
          %add3A_595 = arith.addi %select_n3A_93, %add3A_594 : vector<16xi32>
          %gather3A_596 = tpu.vector_load_idx %arg5[%add3A_595, %add3A_577] : memref<64x128xf32, #tpu.memory_space<vmem>>[vector<16xi32>, vector<16xi32>], vector<16xf32>,
          %add3A_597 = vector.broadcast %add3A_581 : i32 to vector<16xi32>
          %add3A_598 = arith.addi %add3A_397, %add3A_597 : vector<16xi32>
          tpu.vector_store_idx %arg7[%add3A_598], %gather3A : memref<8192xf32, #tpu.memory_space<vmem>>[vector<16xi32>], vector<16xf32>,
          %add3A_599 = vector.broadcast %add3A_581 : i32 to vector<16xi32>
          %add3A_600 = arith.addi %add3A_401, %add3A_599 : vector<16xi32>
          tpu.vector_store_idx %arg7[%add3A_600], %gather3A_588 : memref<8192xf32, #tpu.memory_space<vmem>>[vector<16xi32>], vector<16xf32>,
          %add3A_601 = vector.broadcast %add3A_581 : i32 to vector<16xi32>
          %add3A_602 = arith.addi %add3A_405, %add3A_601 : vector<16xi32>
          tpu.vector_store_idx %arg7[%add3A_602], %gather3A_592 : memref<8192xf32, #tpu.memory_space<vmem>>[vector<16xi32>], vector<16xf32>,
          %add3A_603 = vector.broadcast %add3A_581 : i32 to vector<16xi32>
          %add3A_604 = arith.addi %add3A_409, %add3A_603 : vector<16xi32>
          tpu.vector_store_idx %arg7[%add3A_604], %gather3A_596 : memref<8192xf32, #tpu.memory_space<vmem>>[vector<16xi32>], vector<16xf32>,
          %add3A_605 = arith.constant 0 : i32
          %add3A_606 = vector.broadcast %add3A_605 : i32 to vector<16xi32>
          %add3A_607 = arith.addi %select_n3A_118, %add3A_606 : vector<16xi32>
          %gather3A_608 = tpu.vector_load_idx %arg5[%add3A_607, %add3A_577] : memref<64x128xf32, #tpu.memory_space<vmem>>[vector<16xi32>, vector<16xi32>], vector<16xf32>,
          %add3A_609 = arith.constant 0 : i32
          %add3A_610 = vector.broadcast %add3A_609 : i32 to vector<16xi32>
          %add3A_611 = arith.addi %select_n3A_143, %add3A_610 : vector<16xi32>
          %gather3A_612 = tpu.vector_load_idx %arg5[%add3A_611, %add3A_577] : memref<64x128xf32, #tpu.memory_space<vmem>>[vector<16xi32>, vector<16xi32>], vector<16xf32>,
          %add3A_613 = arith.constant 0 : i32
          %add3A_614 = vector.broadcast %add3A_613 : i32 to vector<16xi32>
          %add3A_615 = arith.addi %select_n3A_168, %add3A_614 : vector<16xi32>
          %gather3A_616 = tpu.vector_load_idx %arg5[%add3A_615, %add3A_577] : memref<64x128xf32, #tpu.memory_space<vmem>>[vector<16xi32>, vector<16xi32>], vector<16xf32>,
          %add3A_617 = arith.constant 0 : i32
          %add3A_618 = vector.broadcast %add3A_617 : i32 to vector<16xi32>
          %add3A_619 = arith.addi %select_n3A_193, %add3A_618 : vector<16xi32>
          %gather3A_620 = tpu.vector_load_idx %arg5[%add3A_619, %add3A_577] : memref<64x128xf32, #tpu.memory_space<vmem>>[vector<16xi32>, vector<16xi32>], vector<16xf32>,
          %add3A_621 = vector.broadcast %add3A_581 : i32 to vector<16xi32>
          %add3A_622 = arith.addi %add3A_413, %add3A_621 : vector<16xi32>
          tpu.vector_store_idx %arg7[%add3A_622], %gather3A_608 : memref<8192xf32, #tpu.memory_space<vmem>>[vector<16xi32>], vector<16xf32>,
          %add3A_623 = vector.broadcast %add3A_581 : i32 to vector<16xi32>
          %add3A_624 = arith.addi %add3A_417, %add3A_623 : vector<16xi32>
          tpu.vector_store_idx %arg7[%add3A_624], %gather3A_612 : memref<8192xf32, #tpu.memory_space<vmem>>[vector<16xi32>], vector<16xf32>,
          %add3A_625 = vector.broadcast %add3A_581 : i32 to vector<16xi32>
          %add3A_626 = arith.addi %add3A_421, %add3A_625 : vector<16xi32>
          tpu.vector_store_idx %arg7[%add3A_626], %gather3A_616 : memref<8192xf32, #tpu.memory_space<vmem>>[vector<16xi32>], vector<16xf32>,
          %add3A_627 = vector.broadcast %add3A_581 : i32 to vector<16xi32>
          %add3A_628 = arith.addi %add3A_425, %add3A_627 : vector<16xi32>
          tpu.vector_store_idx %arg7[%add3A_628], %gather3A_620 : memref<8192xf32, #tpu.memory_space<vmem>>[vector<16xi32>], vector<16xf32>,
          %add3A_629 = arith.constant 0 : i32
          %add3A_630 = vector.broadcast %add3A_629 : i32 to vector<16xi32>
          %add3A_631 = arith.addi %select_n3A_218, %add3A_630 : vector<16xi32>
          %gather3A_632 = tpu.vector_load_idx %arg5[%add3A_631, %add3A_577] : memref<64x128xf32, #tpu.memory_space<vmem>>[vector<16xi32>, vector<16xi32>], vector<16xf32>,
          %add3A_633 = arith.constant 0 : i32
          %add3A_634 = vector.broadcast %add3A_633 : i32 to vector<16xi32>
          %add3A_635 = arith.addi %select_n3A_243, %add3A_634 : vector<16xi32>
          %gather3A_636 = tpu.vector_load_idx %arg5[%add3A_635, %add3A_577] : memref<64x128xf32, #tpu.memory_space<vmem>>[vector<16xi32>, vector<16xi32>], vector<16xf32>,
          %add3A_637 = arith.constant 0 : i32
          %add3A_638 = vector.broadcast %add3A_637 : i32 to vector<16xi32>
          %add3A_639 = arith.addi %select_n3A_268, %add3A_638 : vector<16xi32>
          %gather3A_640 = tpu.vector_load_idx %arg5[%add3A_639, %add3A_577] : memref<64x128xf32, #tpu.memory_space<vmem>>[vector<16xi32>, vector<16xi32>], vector<16xf32>,
          %add3A_641 = arith.constant 0 : i32
          %add3A_642 = vector.broadcast %add3A_641 : i32 to vector<16xi32>
          %add3A_643 = arith.addi %select_n3A_293, %add3A_642 : vector<16xi32>
          %gather3A_644 = tpu.vector_load_idx %arg5[%add3A_643, %add3A_577] : memref<64x128xf32, #tpu.memory_space<vmem>>[vector<16xi32>, vector<16xi32>], vector<16xf32>,
          %add3A_645 = vector.broadcast %add3A_581 : i32 to vector<16xi32>
          %add3A_646 = arith.addi %add3A_429, %add3A_645 : vector<16xi32>
          tpu.vector_store_idx %arg7[%add3A_646], %gather3A_632 : memref<8192xf32, #tpu.memory_space<vmem>>[vector<16xi32>], vector<16xf32>,
          %add3A_647 = vector.broadcast %add3A_581 : i32 to vector<16xi32>
          %add3A_648 = arith.addi %add3A_433, %add3A_647 : vector<16xi32>
          tpu.vector_store_idx %arg7[%add3A_648], %gather3A_636 : memref<8192xf32, #tpu.memory_space<vmem>>[vector<16xi32>], vector<16xf32>,
          %add3A_649 = vector.broadcast %add3A_581 : i32 to vector<16xi32>
          %add3A_650 = arith.addi %add3A_437, %add3A_649 : vector<16xi32>
          tpu.vector_store_idx %arg7[%add3A_650], %gather3A_640 : memref<8192xf32, #tpu.memory_space<vmem>>[vector<16xi32>], vector<16xf32>,
          %add3A_651 = vector.broadcast %add3A_581 : i32 to vector<16xi32>
          %add3A_652 = arith.addi %add3A_441, %add3A_651 : vector<16xi32>
          tpu.vector_store_idx %arg7[%add3A_652], %gather3A_644 : memref<8192xf32, #tpu.memory_space<vmem>>[vector<16xi32>], vector<16xf32>,
          %add3A_653 = arith.constant 0 : i32
          %add3A_654 = vector.broadcast %add3A_653 : i32 to vector<16xi32>
          %add3A_655 = arith.addi %select_n3A_318, %add3A_654 : vector<16xi32>
          %gather3A_656 = tpu.vector_load_idx %arg5[%add3A_655, %add3A_577] : memref<64x128xf32, #tpu.memory_space<vmem>>[vector<16xi32>, vector<16xi32>], vector<16xf32>,
          %add3A_657 = arith.constant 0 : i32
          %add3A_658 = vector.broadcast %add3A_657 : i32 to vector<16xi32>
          %add3A_659 = arith.addi %select_n3A_343, %add3A_658 : vector<16xi32>
          %gather3A_660 = tpu.vector_load_idx %arg5[%add3A_659, %add3A_577] : memref<64x128xf32, #tpu.memory_space<vmem>>[vector<16xi32>, vector<16xi32>], vector<16xf32>,
          %add3A_661 = arith.constant 0 : i32
          %add3A_662 = vector.broadcast %add3A_661 : i32 to vector<16xi32>
          %add3A_663 = arith.addi %select_n3A_368, %add3A_662 : vector<16xi32>
          %gather3A_664 = tpu.vector_load_idx %arg5[%add3A_663, %add3A_577] : memref<64x128xf32, #tpu.memory_space<vmem>>[vector<16xi32>, vector<16xi32>], vector<16xf32>,
          %add3A_665 = arith.constant 0 : i32
          %add3A_666 = vector.broadcast %add3A_665 : i32 to vector<16xi32>
          %add3A_667 = arith.addi %select_n3A_393, %add3A_666 : vector<16xi32>
          %gather3A_668 = tpu.vector_load_idx %arg5[%add3A_667, %add3A_577] : memref<64x128xf32, #tpu.memory_space<vmem>>[vector<16xi32>, vector<16xi32>], vector<16xf32>,
          %add3A_669 = vector.broadcast %add3A_581 : i32 to vector<16xi32>
          %add3A_670 = arith.addi %add3A_445, %add3A_669 : vector<16xi32>
          tpu.vector_store_idx %arg7[%add3A_670], %gather3A_656 : memref<8192xf32, #tpu.memory_space<vmem>>[vector<16xi32>], vector<16xf32>,
          %add3A_671 = vector.broadcast %add3A_581 : i32 to vector<16xi32>
          %add3A_672 = arith.addi %add3A_449, %add3A_671 : vector<16xi32>
          tpu.vector_store_idx %arg7[%add3A_672], %gather3A_660 : memref<8192xf32, #tpu.memory_space<vmem>>[vector<16xi32>], vector<16xf32>,
          %add3A_673 = vector.broadcast %add3A_581 : i32 to vector<16xi32>
          %add3A_674 = arith.addi %add3A_453, %add3A_673 : vector<16xi32>
          tpu.vector_store_idx %arg7[%add3A_674], %gather3A_664 : memref<8192xf32, #tpu.memory_space<vmem>>[vector<16xi32>], vector<16xf32>,
          %add3A_675 = vector.broadcast %add3A_581 : i32 to vector<16xi32>
          %add3A_676 = arith.addi %add3A_457, %add3A_675 : vector<16xi32>
          tpu.vector_store_idx %arg7[%add3A_676], %gather3A_668 : memref<8192xf32, #tpu.memory_space<vmem>>[vector<16xi32>], vector<16xf32>,
          %mul3A_677 = arith.constant 64 : i32
          %mul3A_678 = arith.muli %mul3A_575, %mul3A_677 : i32
          %add3A_679 = arith.constant 16 : i32
          %add3A_680 = arith.addi %mul3A_678, %add3A_679 : i32
          %add3A_681 = arith.constant 16 : i32
          %add3A_682 = vector.broadcast %add3A_681 : i32 to vector<16xi32>
          %add3A_683 = arith.addi %select_n3A_18, %add3A_682 : vector<16xi32>
          %gather3A_684 = tpu.vector_load_idx %arg5[%add3A_683, %add3A_577] : memref<64x128xf32, #tpu.memory_space<vmem>>[vector<16xi32>, vector<16xi32>], vector<16xf32>,
          %add3A_685 = arith.constant 16 : i32
          %add3A_686 = vector.broadcast %add3A_685 : i32 to vector<16xi32>
          %add3A_687 = arith.addi %select_n3A_43, %add3A_686 : vector<16xi32>
          %gather3A_688 = tpu.vector_load_idx %arg5[%add3A_687, %add3A_577] : memref<64x128xf32, #tpu.memory_space<vmem>>[vector<16xi32>, vector<16xi32>], vector<16xf32>,
          %add3A_689 = arith.constant 16 : i32
          %add3A_690 = vector.broadcast %add3A_689 : i32 to vector<16xi32>
          %add3A_691 = arith.addi %select_n3A_68, %add3A_690 : vector<16xi32>
          %gather3A_692 = tpu.vector_load_idx %arg5[%add3A_691, %add3A_577] : memref<64x128xf32, #tpu.memory_space<vmem>>[vector<16xi32>, vector<16xi32>], vector<16xf32>,
          %add3A_693 = arith.constant 16 : i32
          %add3A_694 = vector.broadcast %add3A_693 : i32 to vector<16xi32>
          %add3A_695 = arith.addi %select_n3A_93, %add3A_694 : vector<16xi32>
          %gather3A_696 = tpu.vector_load_idx %arg5[%add3A_695, %add3A_577] : memref<64x128xf32, #tpu.memory_space<vmem>>[vector<16xi32>, vector<16xi32>], vector<16xf32>,
          %add3A_697 = vector.broadcast %add3A_680 : i32 to vector<16xi32>
          %add3A_698 = arith.addi %add3A_397, %add3A_697 : vector<16xi32>
          tpu.vector_store_idx %arg7[%add3A_698], %gather3A_684 : memref<8192xf32, #tpu.memory_space<vmem>>[vector<16xi32>], vector<16xf32>,
          %add3A_699 = vector.broadcast %add3A_680 : i32 to vector<16xi32>
          %add3A_700 = arith.addi %add3A_401, %add3A_699 : vector<16xi32>
          tpu.vector_store_idx %arg7[%add3A_700], %gather3A_688 : memref<8192xf32, #tpu.memory_space<vmem>>[vector<16xi32>], vector<16xf32>,
          %add3A_701 = vector.broadcast %add3A_680 : i32 to vector<16xi32>
          %add3A_702 = arith.addi %add3A_405, %add3A_701 : vector<16xi32>
          tpu.vector_store_idx %arg7[%add3A_702], %gather3A_692 : memref<8192xf32, #tpu.memory_space<vmem>>[vector<16xi32>], vector<16xf32>,
          %add3A_703 = vector.broadcast %add3A_680 : i32 to vector<16xi32>
          %add3A_704 = arith.addi %add3A_409, %add3A_703 : vector<16xi32>
          tpu.vector_store_idx %arg7[%add3A_704], %gather3A_696 : memref<8192xf32, #tpu.memory_space<vmem>>[vector<16xi32>], vector<16xf32>,
          %add3A_705 = arith.constant 16 : i32
          %add3A_706 = vector.broadcast %add3A_705 : i32 to vector<16xi32>
          %add3A_707 = arith.addi %select_n3A_118, %add3A_706 : vector<16xi32>
          %gather3A_708 = tpu.vector_load_idx %arg5[%add3A_707, %add3A_577] : memref<64x128xf32, #tpu.memory_space<vmem>>[vector<16xi32>, vector<16xi32>], vector<16xf32>,
          %add3A_709 = arith.constant 16 : i32
          %add3A_710 = vector.broadcast %add3A_709 : i32 to vector<16xi32>
          %add3A_711 = arith.addi %select_n3A_143, %add3A_710 : vector<16xi32>
          %gather3A_712 = tpu.vector_load_idx %arg5[%add3A_711, %add3A_577] : memref<64x128xf32, #tpu.memory_space<vmem>>[vector<16xi32>, vector<16xi32>], vector<16xf32>,
          %add3A_713 = arith.constant 16 : i32
          %add3A_714 = vector.broadcast %add3A_713 : i32 to vector<16xi32>
          %add3A_715 = arith.addi %select_n3A_168, %add3A_714 : vector<16xi32>
          %gather3A_716 = tpu.vector_load_idx %arg5[%add3A_715, %add3A_577] : memref<64x128xf32, #tpu.memory_space<vmem>>[vector<16xi32>, vector<16xi32>], vector<16xf32>,
          %add3A_717 = arith.constant 16 : i32
          %add3A_718 = vector.broadcast %add3A_717 : i32 to vector<16xi32>
          %add3A_719 = arith.addi %select_n3A_193, %add3A_718 : vector<16xi32>
          %gather3A_720 = tpu.vector_load_idx %arg5[%add3A_719, %add3A_577] : memref<64x128xf32, #tpu.memory_space<vmem>>[vector<16xi32>, vector<16xi32>], vector<16xf32>,
          %add3A_721 = vector.broadcast %add3A_680 : i32 to vector<16xi32>
          %add3A_722 = arith.addi %add3A_413, %add3A_721 : vector<16xi32>
          tpu.vector_store_idx %arg7[%add3A_722], %gather3A_708 : memref<8192xf32, #tpu.memory_space<vmem>>[vector<16xi32>], vector<16xf32>,
          %add3A_723 = vector.broadcast %add3A_680 : i32 to vector<16xi32>
          %add3A_724 = arith.addi %add3A_417, %add3A_723 : vector<16xi32>
          tpu.vector_store_idx %arg7[%add3A_724], %gather3A_712 : memref<8192xf32, #tpu.memory_space<vmem>>[vector<16xi32>], vector<16xf32>,
          %add3A_725 = vector.broadcast %add3A_680 : i32 to vector<16xi32>
          %add3A_726 = arith.addi %add3A_421, %add3A_725 : vector<16xi32>
          tpu.vector_store_idx %arg7[%add3A_726], %gather3A_716 : memref<8192xf32, #tpu.memory_space<vmem>>[vector<16xi32>], vector<16xf32>,
          %add3A_727 = vector.broadcast %add3A_680 : i32 to vector<16xi32>
          %add3A_728 = arith.addi %add3A_425, %add3A_727 : vector<16xi32>
          tpu.vector_store_idx %arg7[%add3A_728], %gather3A_720 : memref<8192xf32, #tpu.memory_space<vmem>>[vector<16xi32>], vector<16xf32>,
          %add3A_729 = arith.constant 16 : i32
          %add3A_730 = vector.broadcast %add3A_729 : i32 to vector<16xi32>
          %add3A_731 = arith.addi %select_n3A_218, %add3A_730 : vector<16xi32>
          %gather3A_732 = tpu.vector_load_idx %arg5[%add3A_731, %add3A_577] : memref<64x128xf32, #tpu.memory_space<vmem>>[vector<16xi32>, vector<16xi32>], vector<16xf32>,
          %add3A_733 = arith.constant 16 : i32
          %add3A_734 = vector.broadcast %add3A_733 : i32 to vector<16xi32>
          %add3A_735 = arith.addi %select_n3A_243, %add3A_734 : vector<16xi32>
          %gather3A_736 = tpu.vector_load_idx %arg5[%add3A_735, %add3A_577] : memref<64x128xf32, #tpu.memory_space<vmem>>[vector<16xi32>, vector<16xi32>], vector<16xf32>,
          %add3A_737 = arith.constant 16 : i32
          %add3A_738 = vector.broadcast %add3A_737 : i32 to vector<16xi32>
          %add3A_739 = arith.addi %select_n3A_268, %add3A_738 : vector<16xi32>
          %gather3A_740 = tpu.vector_load_idx %arg5[%add3A_739, %add3A_577] : memref<64x128xf32, #tpu.memory_space<vmem>>[vector<16xi32>, vector<16xi32>], vector<16xf32>,
          %add3A_741 = arith.constant 16 : i32
          %add3A_742 = vector.broadcast %add3A_741 : i32 to vector<16xi32>
          %add3A_743 = arith.addi %select_n3A_293, %add3A_742 : vector<16xi32>
          %gather3A_744 = tpu.vector_load_idx %arg5[%add3A_743, %add3A_577] : memref<64x128xf32, #tpu.memory_space<vmem>>[vector<16xi32>, vector<16xi32>], vector<16xf32>,
          %add3A_745 = vector.broadcast %add3A_680 : i32 to vector<16xi32>
          %add3A_746 = arith.addi %add3A_429, %add3A_745 : vector<16xi32>
          tpu.vector_store_idx %arg7[%add3A_746], %gather3A_732 : memref<8192xf32, #tpu.memory_space<vmem>>[vector<16xi32>], vector<16xf32>,
          %add3A_747 = vector.broadcast %add3A_680 : i32 to vector<16xi32>
          %add3A_748 = arith.addi %add3A_433, %add3A_747 : vector<16xi32>
          tpu.vector_store_idx %arg7[%add3A_748], %gather3A_736 : memref<8192xf32, #tpu.memory_space<vmem>>[vector<16xi32>], vector<16xf32>,
          %add3A_749 = vector.broadcast %add3A_680 : i32 to vector<16xi32>
          %add3A_750 = arith.addi %add3A_437, %add3A_749 : vector<16xi32>
          tpu.vector_store_idx %arg7[%add3A_750], %gather3A_740 : memref<8192xf32, #tpu.memory_space<vmem>>[vector<16xi32>], vector<16xf32>,
          %add3A_751 = vector.broadcast %add3A_680 : i32 to vector<16xi32>
          %add3A_752 = arith.addi %add3A_441, %add3A_751 : vector<16xi32>
          tpu.vector_store_idx %arg7[%add3A_752], %gather3A_744 : memref<8192xf32, #tpu.memory_space<vmem>>[vector<16xi32>], vector<16xf32>,
          %add3A_753 = arith.constant 16 : i32
          %add3A_754 = vector.broadcast %add3A_753 : i32 to vector<16xi32>
          %add3A_755 = arith.addi %select_n3A_318, %add3A_754 : vector<16xi32>
          %gather3A_756 = tpu.vector_load_idx %arg5[%add3A_755, %add3A_577] : memref<64x128xf32, #tpu.memory_space<vmem>>[vector<16xi32>, vector<16xi32>], vector<16xf32>,
          %add3A_757 = arith.constant 16 : i32
          %add3A_758 = vector.broadcast %add3A_757 : i32 to vector<16xi32>
          %add3A_759 = arith.addi %select_n3A_343, %add3A_758 : vector<16xi32>
          %gather3A_760 = tpu.vector_load_idx %arg5[%add3A_759, %add3A_577] : memref<64x128xf32, #tpu.memory_space<vmem>>[vector<16xi32>, vector<16xi32>], vector<16xf32>,
          %add3A_761 = arith.constant 16 : i32
          %add3A_762 = vector.broadcast %add3A_761 : i32 to vector<16xi32>
          %add3A_763 = arith.addi %select_n3A_368, %add3A_762 : vector<16xi32>
          %gather3A_764 = tpu.vector_load_idx %arg5[%add3A_763, %add3A_577] : memref<64x128xf32, #tpu.memory_space<vmem>>[vector<16xi32>, vector<16xi32>], vector<16xf32>,
          %add3A_765 = arith.constant 16 : i32
          %add3A_766 = vector.broadcast %add3A_765 : i32 to vector<16xi32>
          %add3A_767 = arith.addi %select_n3A_393, %add3A_766 : vector<16xi32>
          %gather3A_768 = tpu.vector_load_idx %arg5[%add3A_767, %add3A_577] : memref<64x128xf32, #tpu.memory_space<vmem>>[vector<16xi32>, vector<16xi32>], vector<16xf32>,
          %add3A_769 = vector.broadcast %add3A_680 : i32 to vector<16xi32>
          %add3A_770 = arith.addi %add3A_445, %add3A_769 : vector<16xi32>
          tpu.vector_store_idx %arg7[%add3A_770], %gather3A_756 : memref<8192xf32, #tpu.memory_space<vmem>>[vector<16xi32>], vector<16xf32>,
          %add3A_771 = vector.broadcast %add3A_680 : i32 to vector<16xi32>
          %add3A_772 = arith.addi %add3A_449, %add3A_771 : vector<16xi32>
          tpu.vector_store_idx %arg7[%add3A_772], %gather3A_760 : memref<8192xf32, #tpu.memory_space<vmem>>[vector<16xi32>], vector<16xf32>,
          %add3A_773 = vector.broadcast %add3A_680 : i32 to vector<16xi32>
          %add3A_774 = arith.addi %add3A_453, %add3A_773 : vector<16xi32>
          tpu.vector_store_idx %arg7[%add3A_774], %gather3A_764 : memref<8192xf32, #tpu.memory_space<vmem>>[vector<16xi32>], vector<16xf32>,
          %add3A_775 = vector.broadcast %add3A_680 : i32 to vector<16xi32>
          %add3A_776 = arith.addi %add3A_457, %add3A_775 : vector<16xi32>
          tpu.vector_store_idx %arg7[%add3A_776], %gather3A_768 : memref<8192xf32, #tpu.memory_space<vmem>>[vector<16xi32>], vector<16xf32>,
          %mul3A_777 = arith.constant 64 : i32
          %mul3A_778 = arith.muli %mul3A_575, %mul3A_777 : i32
          %add3A_779 = arith.constant 32 : i32
          %add3A_780 = arith.addi %mul3A_778, %add3A_779 : i32
          %add3A_781 = arith.constant 32 : i32
          %add3A_782 = vector.broadcast %add3A_781 : i32 to vector<16xi32>
          %add3A_783 = arith.addi %select_n3A_18, %add3A_782 : vector<16xi32>
          %gather3A_784 = tpu.vector_load_idx %arg5[%add3A_783, %add3A_577] : memref<64x128xf32, #tpu.memory_space<vmem>>[vector<16xi32>, vector<16xi32>], vector<16xf32>,
          %add3A_785 = arith.constant 32 : i32
          %add3A_786 = vector.broadcast %add3A_785 : i32 to vector<16xi32>
          %add3A_787 = arith.addi %select_n3A_43, %add3A_786 : vector<16xi32>
          %gather3A_788 = tpu.vector_load_idx %arg5[%add3A_787, %add3A_577] : memref<64x128xf32, #tpu.memory_space<vmem>>[vector<16xi32>, vector<16xi32>], vector<16xf32>,
          %add3A_789 = arith.constant 32 : i32
          %add3A_790 = vector.broadcast %add3A_789 : i32 to vector<16xi32>
          %add3A_791 = arith.addi %select_n3A_68, %add3A_790 : vector<16xi32>
          %gather3A_792 = tpu.vector_load_idx %arg5[%add3A_791, %add3A_577] : memref<64x128xf32, #tpu.memory_space<vmem>>[vector<16xi32>, vector<16xi32>], vector<16xf32>,
          %add3A_793 = arith.constant 32 : i32
          %add3A_794 = vector.broadcast %add3A_793 : i32 to vector<16xi32>
          %add3A_795 = arith.addi %select_n3A_93, %add3A_794 : vector<16xi32>
          %gather3A_796 = tpu.vector_load_idx %arg5[%add3A_795, %add3A_577] : memref<64x128xf32, #tpu.memory_space<vmem>>[vector<16xi32>, vector<16xi32>], vector<16xf32>,
          %add3A_797 = vector.broadcast %add3A_780 : i32 to vector<16xi32>
          %add3A_798 = arith.addi %add3A_397, %add3A_797 : vector<16xi32>
          tpu.vector_store_idx %arg7[%add3A_798], %gather3A_784 : memref<8192xf32, #tpu.memory_space<vmem>>[vector<16xi32>], vector<16xf32>,
          %add3A_799 = vector.broadcast %add3A_780 : i32 to vector<16xi32>
          %add3A_800 = arith.addi %add3A_401, %add3A_799 : vector<16xi32>
          tpu.vector_store_idx %arg7[%add3A_800], %gather3A_788 : memref<8192xf32, #tpu.memory_space<vmem>>[vector<16xi32>], vector<16xf32>,
          %add3A_801 = vector.broadcast %add3A_780 : i32 to vector<16xi32>
          %add3A_802 = arith.addi %add3A_405, %add3A_801 : vector<16xi32>
          tpu.vector_store_idx %arg7[%add3A_802], %gather3A_792 : memref<8192xf32, #tpu.memory_space<vmem>>[vector<16xi32>], vector<16xf32>,
          %add3A_803 = vector.broadcast %add3A_780 : i32 to vector<16xi32>
          %add3A_804 = arith.addi %add3A_409, %add3A_803 : vector<16xi32>
          tpu.vector_store_idx %arg7[%add3A_804], %gather3A_796 : memref<8192xf32, #tpu.memory_space<vmem>>[vector<16xi32>], vector<16xf32>,
          %add3A_805 = arith.constant 32 : i32
          %add3A_806 = vector.broadcast %add3A_805 : i32 to vector<16xi32>
          %add3A_807 = arith.addi %select_n3A_118, %add3A_806 : vector<16xi32>
          %gather3A_808 = tpu.vector_load_idx %arg5[%add3A_807, %add3A_577] : memref<64x128xf32, #tpu.memory_space<vmem>>[vector<16xi32>, vector<16xi32>], vector<16xf32>,
          %add3A_809 = arith.constant 32 : i32
          %add3A_810 = vector.broadcast %add3A_809 : i32 to vector<16xi32>
          %add3A_811 = arith.addi %select_n3A_143, %add3A_810 : vector<16xi32>
          %gather3A_812 = tpu.vector_load_idx %arg5[%add3A_811, %add3A_577] : memref<64x128xf32, #tpu.memory_space<vmem>>[vector<16xi32>, vector<16xi32>], vector<16xf32>,
          %add3A_813 = arith.constant 32 : i32
          %add3A_814 = vector.broadcast %add3A_813 : i32 to vector<16xi32>
          %add3A_815 = arith.addi %select_n3A_168, %add3A_814 : vector<16xi32>
          %gather3A_816 = tpu.vector_load_idx %arg5[%add3A_815, %add3A_577] : memref<64x128xf32, #tpu.memory_space<vmem>>[vector<16xi32>, vector<16xi32>], vector<16xf32>,
          %add3A_817 = arith.constant 32 : i32
          %add3A_818 = vector.broadcast %add3A_817 : i32 to vector<16xi32>
          %add3A_819 = arith.addi %select_n3A_193, %add3A_818 : vector<16xi32>
          %gather3A_820 = tpu.vector_load_idx %arg5[%add3A_819, %add3A_577] : memref<64x128xf32, #tpu.memory_space<vmem>>[vector<16xi32>, vector<16xi32>], vector<16xf32>,
          %add3A_821 = vector.broadcast %add3A_780 : i32 to vector<16xi32>
          %add3A_822 = arith.addi %add3A_413, %add3A_821 : vector<16xi32>
          tpu.vector_store_idx %arg7[%add3A_822], %gather3A_808 : memref<8192xf32, #tpu.memory_space<vmem>>[vector<16xi32>], vector<16xf32>,
          %add3A_823 = vector.broadcast %add3A_780 : i32 to vector<16xi32>
          %add3A_824 = arith.addi %add3A_417, %add3A_823 : vector<16xi32>
          tpu.vector_store_idx %arg7[%add3A_824], %gather3A_812 : memref<8192xf32, #tpu.memory_space<vmem>>[vector<16xi32>], vector<16xf32>,
          %add3A_825 = vector.broadcast %add3A_780 : i32 to vector<16xi32>
          %add3A_826 = arith.addi %add3A_421, %add3A_825 : vector<16xi32>
          tpu.vector_store_idx %arg7[%add3A_826], %gather3A_816 : memref<8192xf32, #tpu.memory_space<vmem>>[vector<16xi32>], vector<16xf32>,
          %add3A_827 = vector.broadcast %add3A_780 : i32 to vector<16xi32>
          %add3A_828 = arith.addi %add3A_425, %add3A_827 : vector<16xi32>
          tpu.vector_store_idx %arg7[%add3A_828], %gather3A_820 : memref<8192xf32, #tpu.memory_space<vmem>>[vector<16xi32>], vector<16xf32>,
          %add3A_829 = arith.constant 32 : i32
          %add3A_830 = vector.broadcast %add3A_829 : i32 to vector<16xi32>
          %add3A_831 = arith.addi %select_n3A_218, %add3A_830 : vector<16xi32>
          %gather3A_832 = tpu.vector_load_idx %arg5[%add3A_831, %add3A_577] : memref<64x128xf32, #tpu.memory_space<vmem>>[vector<16xi32>, vector<16xi32>], vector<16xf32>,
          %add3A_833 = arith.constant 32 : i32
          %add3A_834 = vector.broadcast %add3A_833 : i32 to vector<16xi32>
          %add3A_835 = arith.addi %select_n3A_243, %add3A_834 : vector<16xi32>
          %gather3A_836 = tpu.vector_load_idx %arg5[%add3A_835, %add3A_577] : memref<64x128xf32, #tpu.memory_space<vmem>>[vector<16xi32>, vector<16xi32>], vector<16xf32>,
          %add3A_837 = arith.constant 32 : i32
          %add3A_838 = vector.broadcast %add3A_837 : i32 to vector<16xi32>
          %add3A_839 = arith.addi %select_n3A_268, %add3A_838 : vector<16xi32>
          %gather3A_840 = tpu.vector_load_idx %arg5[%add3A_839, %add3A_577] : memref<64x128xf32, #tpu.memory_space<vmem>>[vector<16xi32>, vector<16xi32>], vector<16xf32>,
          %add3A_841 = arith.constant 32 : i32
          %add3A_842 = vector.broadcast %add3A_841 : i32 to vector<16xi32>
          %add3A_843 = arith.addi %select_n3A_293, %add3A_842 : vector<16xi32>
          %gather3A_844 = tpu.vector_load_idx %arg5[%add3A_843, %add3A_577] : memref<64x128xf32, #tpu.memory_space<vmem>>[vector<16xi32>, vector<16xi32>], vector<16xf32>,
          %add3A_845 = vector.broadcast %add3A_780 : i32 to vector<16xi32>
          %add3A_846 = arith.addi %add3A_429, %add3A_845 : vector<16xi32>
          tpu.vector_store_idx %arg7[%add3A_846], %gather3A_832 : memref<8192xf32, #tpu.memory_space<vmem>>[vector<16xi32>], vector<16xf32>,
          %add3A_847 = vector.broadcast %add3A_780 : i32 to vector<16xi32>
          %add3A_848 = arith.addi %add3A_433, %add3A_847 : vector<16xi32>
          tpu.vector_store_idx %arg7[%add3A_848], %gather3A_836 : memref<8192xf32, #tpu.memory_space<vmem>>[vector<16xi32>], vector<16xf32>,
          %add3A_849 = vector.broadcast %add3A_780 : i32 to vector<16xi32>
          %add3A_850 = arith.addi %add3A_437, %add3A_849 : vector<16xi32>
          tpu.vector_store_idx %arg7[%add3A_850], %gather3A_840 : memref<8192xf32, #tpu.memory_space<vmem>>[vector<16xi32>], vector<16xf32>,
          %add3A_851 = vector.broadcast %add3A_780 : i32 to vector<16xi32>
          %add3A_852 = arith.addi %add3A_441, %add3A_851 : vector<16xi32>
          tpu.vector_store_idx %arg7[%add3A_852], %gather3A_844 : memref<8192xf32, #tpu.memory_space<vmem>>[vector<16xi32>], vector<16xf32>,
          %add3A_853 = arith.constant 32 : i32
          %add3A_854 = vector.broadcast %add3A_853 : i32 to vector<16xi32>
          %add3A_855 = arith.addi %select_n3A_318, %add3A_854 : vector<16xi32>
          %gather3A_856 = tpu.vector_load_idx %arg5[%add3A_855, %add3A_577] : memref<64x128xf32, #tpu.memory_space<vmem>>[vector<16xi32>, vector<16xi32>], vector<16xf32>,
          %add3A_857 = arith.constant 32 : i32
          %add3A_858 = vector.broadcast %add3A_857 : i32 to vector<16xi32>
          %add3A_859 = arith.addi %select_n3A_343, %add3A_858 : vector<16xi32>
          %gather3A_860 = tpu.vector_load_idx %arg5[%add3A_859, %add3A_577] : memref<64x128xf32, #tpu.memory_space<vmem>>[vector<16xi32>, vector<16xi32>], vector<16xf32>,
          %add3A_861 = arith.constant 32 : i32
          %add3A_862 = vector.broadcast %add3A_861 : i32 to vector<16xi32>
          %add3A_863 = arith.addi %select_n3A_368, %add3A_862 : vector<16xi32>
          %gather3A_864 = tpu.vector_load_idx %arg5[%add3A_863, %add3A_577] : memref<64x128xf32, #tpu.memory_space<vmem>>[vector<16xi32>, vector<16xi32>], vector<16xf32>,
          %add3A_865 = arith.constant 32 : i32
          %add3A_866 = vector.broadcast %add3A_865 : i32 to vector<16xi32>
          %add3A_867 = arith.addi %select_n3A_393, %add3A_866 : vector<16xi32>
          %gather3A_868 = tpu.vector_load_idx %arg5[%add3A_867, %add3A_577] : memref<64x128xf32, #tpu.memory_space<vmem>>[vector<16xi32>, vector<16xi32>], vector<16xf32>,
          %add3A_869 = vector.broadcast %add3A_780 : i32 to vector<16xi32>
          %add3A_870 = arith.addi %add3A_445, %add3A_869 : vector<16xi32>
          tpu.vector_store_idx %arg7[%add3A_870], %gather3A_856 : memref<8192xf32, #tpu.memory_space<vmem>>[vector<16xi32>], vector<16xf32>,
          %add3A_871 = vector.broadcast %add3A_780 : i32 to vector<16xi32>
          %add3A_872 = arith.addi %add3A_449, %add3A_871 : vector<16xi32>
          tpu.vector_store_idx %arg7[%add3A_872], %gather3A_860 : memref<8192xf32, #tpu.memory_space<vmem>>[vector<16xi32>], vector<16xf32>,
          %add3A_873 = vector.broadcast %add3A_780 : i32 to vector<16xi32>
          %add3A_874 = arith.addi %add3A_453, %add3A_873 : vector<16xi32>
          tpu.vector_store_idx %arg7[%add3A_874], %gather3A_864 : memref<8192xf32, #tpu.memory_space<vmem>>[vector<16xi32>], vector<16xf32>,
          %add3A_875 = vector.broadcast %add3A_780 : i32 to vector<16xi32>
          %add3A_876 = arith.addi %add3A_457, %add3A_875 : vector<16xi32>
          tpu.vector_store_idx %arg7[%add3A_876], %gather3A_868 : memref<8192xf32, #tpu.memory_space<vmem>>[vector<16xi32>], vector<16xf32>,
          %mul3A_877 = arith.constant 64 : i32
          %mul3A_878 = arith.muli %mul3A_575, %mul3A_877 : i32
          %add3A_879 = arith.constant 48 : i32
          %add3A_880 = arith.addi %mul3A_878, %add3A_879 : i32
          %add3A_881 = arith.constant 48 : i32
          %add3A_882 = vector.broadcast %add3A_881 : i32 to vector<16xi32>
          %add3A_883 = arith.addi %select_n3A_18, %add3A_882 : vector<16xi32>
          %gather3A_884 = tpu.vector_load_idx %arg5[%add3A_883, %add3A_577] : memref<64x128xf32, #tpu.memory_space<vmem>>[vector<16xi32>, vector<16xi32>], vector<16xf32>,
          %add3A_885 = arith.constant 48 : i32
          %add3A_886 = vector.broadcast %add3A_885 : i32 to vector<16xi32>
          %add3A_887 = arith.addi %select_n3A_43, %add3A_886 : vector<16xi32>
          %gather3A_888 = tpu.vector_load_idx %arg5[%add3A_887, %add3A_577] : memref<64x128xf32, #tpu.memory_space<vmem>>[vector<16xi32>, vector<16xi32>], vector<16xf32>,
          %add3A_889 = arith.constant 48 : i32
          %add3A_890 = vector.broadcast %add3A_889 : i32 to vector<16xi32>
          %add3A_891 = arith.addi %select_n3A_68, %add3A_890 : vector<16xi32>
          %gather3A_892 = tpu.vector_load_idx %arg5[%add3A_891, %add3A_577] : memref<64x128xf32, #tpu.memory_space<vmem>>[vector<16xi32>, vector<16xi32>], vector<16xf32>,
          %add3A_893 = arith.constant 48 : i32
          %add3A_894 = vector.broadcast %add3A_893 : i32 to vector<16xi32>
          %add3A_895 = arith.addi %select_n3A_93, %add3A_894 : vector<16xi32>
          %gather3A_896 = tpu.vector_load_idx %arg5[%add3A_895, %add3A_577] : memref<64x128xf32, #tpu.memory_space<vmem>>[vector<16xi32>, vector<16xi32>], vector<16xf32>,
          %add3A_897 = vector.broadcast %add3A_880 : i32 to vector<16xi32>
          %add3A_898 = arith.addi %add3A_397, %add3A_897 : vector<16xi32>
          tpu.vector_store_idx %arg7[%add3A_898], %gather3A_884 : memref<8192xf32, #tpu.memory_space<vmem>>[vector<16xi32>], vector<16xf32>,
          %add3A_899 = vector.broadcast %add3A_880 : i32 to vector<16xi32>
          %add3A_900 = arith.addi %add3A_401, %add3A_899 : vector<16xi32>
          tpu.vector_store_idx %arg7[%add3A_900], %gather3A_888 : memref<8192xf32, #tpu.memory_space<vmem>>[vector<16xi32>], vector<16xf32>,
          %add3A_901 = vector.broadcast %add3A_880 : i32 to vector<16xi32>
          %add3A_902 = arith.addi %add3A_405, %add3A_901 : vector<16xi32>
          tpu.vector_store_idx %arg7[%add3A_902], %gather3A_892 : memref<8192xf32, #tpu.memory_space<vmem>>[vector<16xi32>], vector<16xf32>,
          %add3A_903 = vector.broadcast %add3A_880 : i32 to vector<16xi32>
          %add3A_904 = arith.addi %add3A_409, %add3A_903 : vector<16xi32>
          tpu.vector_store_idx %arg7[%add3A_904], %gather3A_896 : memref<8192xf32, #tpu.memory_space<vmem>>[vector<16xi32>], vector<16xf32>,
          %add3A_905 = arith.constant 48 : i32
          %add3A_906 = vector.broadcast %add3A_905 : i32 to vector<16xi32>
          %add3A_907 = arith.addi %select_n3A_118, %add3A_906 : vector<16xi32>
          %gather3A_908 = tpu.vector_load_idx %arg5[%add3A_907, %add3A_577] : memref<64x128xf32, #tpu.memory_space<vmem>>[vector<16xi32>, vector<16xi32>], vector<16xf32>,
          %add3A_909 = arith.constant 48 : i32
          %add3A_910 = vector.broadcast %add3A_909 : i32 to vector<16xi32>
          %add3A_911 = arith.addi %select_n3A_143, %add3A_910 : vector<16xi32>
          %gather3A_912 = tpu.vector_load_idx %arg5[%add3A_911, %add3A_577] : memref<64x128xf32, #tpu.memory_space<vmem>>[vector<16xi32>, vector<16xi32>], vector<16xf32>,
          %add3A_913 = arith.constant 48 : i32
          %add3A_914 = vector.broadcast %add3A_913 : i32 to vector<16xi32>
          %add3A_915 = arith.addi %select_n3A_168, %add3A_914 : vector<16xi32>
          %gather3A_916 = tpu.vector_load_idx %arg5[%add3A_915, %add3A_577] : memref<64x128xf32, #tpu.memory_space<vmem>>[vector<16xi32>, vector<16xi32>], vector<16xf32>,
          %add3A_917 = arith.constant 48 : i32
          %add3A_918 = vector.broadcast %add3A_917 : i32 to vector<16xi32>
          %add3A_919 = arith.addi %select_n3A_193, %add3A_918 : vector<16xi32>
          %gather3A_920 = tpu.vector_load_idx %arg5[%add3A_919, %add3A_577] : memref<64x128xf32, #tpu.memory_space<vmem>>[vector<16xi32>, vector<16xi32>], vector<16xf32>,
          %add3A_921 = vector.broadcast %add3A_880 : i32 to vector<16xi32>
          %add3A_922 = arith.addi %add3A_413, %add3A_921 : vector<16xi32>
          tpu.vector_store_idx %arg7[%add3A_922], %gather3A_908 : memref<8192xf32, #tpu.memory_space<vmem>>[vector<16xi32>], vector<16xf32>,
          %add3A_923 = vector.broadcast %add3A_880 : i32 to vector<16xi32>
          %add3A_924 = arith.addi %add3A_417, %add3A_923 : vector<16xi32>
          tpu.vector_store_idx %arg7[%add3A_924], %gather3A_912 : memref<8192xf32, #tpu.memory_space<vmem>>[vector<16xi32>], vector<16xf32>,
          %add3A_925 = vector.broadcast %add3A_880 : i32 to vector<16xi32>
          %add3A_926 = arith.addi %add3A_421, %add3A_925 : vector<16xi32>
          tpu.vector_store_idx %arg7[%add3A_926], %gather3A_916 : memref<8192xf32, #tpu.memory_space<vmem>>[vector<16xi32>], vector<16xf32>,
          %add3A_927 = vector.broadcast %add3A_880 : i32 to vector<16xi32>
          %add3A_928 = arith.addi %add3A_425, %add3A_927 : vector<16xi32>
          tpu.vector_store_idx %arg7[%add3A_928], %gather3A_920 : memref<8192xf32, #tpu.memory_space<vmem>>[vector<16xi32>], vector<16xf32>,
          %add3A_929 = arith.constant 48 : i32
          %add3A_930 = vector.broadcast %add3A_929 : i32 to vector<16xi32>
          %add3A_931 = arith.addi %select_n3A_218, %add3A_930 : vector<16xi32>
          %gather3A_932 = tpu.vector_load_idx %arg5[%add3A_931, %add3A_577] : memref<64x128xf32, #tpu.memory_space<vmem>>[vector<16xi32>, vector<16xi32>], vector<16xf32>,
          %add3A_933 = arith.constant 48 : i32
          %add3A_934 = vector.broadcast %add3A_933 : i32 to vector<16xi32>
          %add3A_935 = arith.addi %select_n3A_243, %add3A_934 : vector<16xi32>
          %gather3A_936 = tpu.vector_load_idx %arg5[%add3A_935, %add3A_577] : memref<64x128xf32, #tpu.memory_space<vmem>>[vector<16xi32>, vector<16xi32>], vector<16xf32>,
          %add3A_937 = arith.constant 48 : i32
          %add3A_938 = vector.broadcast %add3A_937 : i32 to vector<16xi32>
          %add3A_939 = arith.addi %select_n3A_268, %add3A_938 : vector<16xi32>
          %gather3A_940 = tpu.vector_load_idx %arg5[%add3A_939, %add3A_577] : memref<64x128xf32, #tpu.memory_space<vmem>>[vector<16xi32>, vector<16xi32>], vector<16xf32>,
          %add3A_941 = arith.constant 48 : i32
          %add3A_942 = vector.broadcast %add3A_941 : i32 to vector<16xi32>
          %add3A_943 = arith.addi %select_n3A_293, %add3A_942 : vector<16xi32>
          %gather3A_944 = tpu.vector_load_idx %arg5[%add3A_943, %add3A_577] : memref<64x128xf32, #tpu.memory_space<vmem>>[vector<16xi32>, vector<16xi32>], vector<16xf32>,
          %add3A_945 = vector.broadcast %add3A_880 : i32 to vector<16xi32>
          %add3A_946 = arith.addi %add3A_429, %add3A_945 : vector<16xi32>
          tpu.vector_store_idx %arg7[%add3A_946], %gather3A_932 : memref<8192xf32, #tpu.memory_space<vmem>>[vector<16xi32>], vector<16xf32>,
          %add3A_947 = vector.broadcast %add3A_880 : i32 to vector<16xi32>
          %add3A_948 = arith.addi %add3A_433, %add3A_947 : vector<16xi32>
          tpu.vector_store_idx %arg7[%add3A_948], %gather3A_936 : memref<8192xf32, #tpu.memory_space<vmem>>[vector<16xi32>], vector<16xf32>,
          %add3A_949 = vector.broadcast %add3A_880 : i32 to vector<16xi32>
          %add3A_950 = arith.addi %add3A_437, %add3A_949 : vector<16xi32>
          tpu.vector_store_idx %arg7[%add3A_950], %gather3A_940 : memref<8192xf32, #tpu.memory_space<vmem>>[vector<16xi32>], vector<16xf32>,
          %add3A_951 = vector.broadcast %add3A_880 : i32 to vector<16xi32>
          %add3A_952 = arith.addi %add3A_441, %add3A_951 : vector<16xi32>
          tpu.vector_store_idx %arg7[%add3A_952], %gather3A_944 : memref<8192xf32, #tpu.memory_space<vmem>>[vector<16xi32>], vector<16xf32>,
          %add3A_953 = arith.constant 48 : i32
          %add3A_954 = vector.broadcast %add3A_953 : i32 to vector<16xi32>
          %add3A_955 = arith.addi %select_n3A_318, %add3A_954 : vector<16xi32>
          %gather3A_956 = tpu.vector_load_idx %arg5[%add3A_955, %add3A_577] : memref<64x128xf32, #tpu.memory_space<vmem>>[vector<16xi32>, vector<16xi32>], vector<16xf32>,
          %add3A_957 = arith.constant 48 : i32
          %add3A_958 = vector.broadcast %add3A_957 : i32 to vector<16xi32>
          %add3A_959 = arith.addi %select_n3A_343, %add3A_958 : vector<16xi32>
          %gather3A_960 = tpu.vector_load_idx %arg5[%add3A_959, %add3A_577] : memref<64x128xf32, #tpu.memory_space<vmem>>[vector<16xi32>, vector<16xi32>], vector<16xf32>,
          %add3A_961 = arith.constant 48 : i32
          %add3A_962 = vector.broadcast %add3A_961 : i32 to vector<16xi32>
          %add3A_963 = arith.addi %select_n3A_368, %add3A_962 : vector<16xi32>
          %gather3A_964 = tpu.vector_load_idx %arg5[%add3A_963, %add3A_577] : memref<64x128xf32, #tpu.memory_space<vmem>>[vector<16xi32>, vector<16xi32>], vector<16xf32>,
          %add3A_965 = arith.constant 48 : i32
          %add3A_966 = vector.broadcast %add3A_965 : i32 to vector<16xi32>
          %add3A_967 = arith.addi %select_n3A_393, %add3A_966 : vector<16xi32>
          %gather3A_968 = tpu.vector_load_idx %arg5[%add3A_967, %add3A_577] : memref<64x128xf32, #tpu.memory_space<vmem>>[vector<16xi32>, vector<16xi32>], vector<16xf32>,
          %add3A_969 = vector.broadcast %add3A_880 : i32 to vector<16xi32>
          %add3A_970 = arith.addi %add3A_445, %add3A_969 : vector<16xi32>
          tpu.vector_store_idx %arg7[%add3A_970], %gather3A_956 : memref<8192xf32, #tpu.memory_space<vmem>>[vector<16xi32>], vector<16xf32>,
          %add3A_971 = vector.broadcast %add3A_880 : i32 to vector<16xi32>
          %add3A_972 = arith.addi %add3A_449, %add3A_971 : vector<16xi32>
          tpu.vector_store_idx %arg7[%add3A_972], %gather3A_960 : memref<8192xf32, #tpu.memory_space<vmem>>[vector<16xi32>], vector<16xf32>,
          %add3A_973 = vector.broadcast %add3A_880 : i32 to vector<16xi32>
          %add3A_974 = arith.addi %add3A_453, %add3A_973 : vector<16xi32>
          tpu.vector_store_idx %arg7[%add3A_974], %gather3A_964 : memref<8192xf32, #tpu.memory_space<vmem>>[vector<16xi32>], vector<16xf32>,
          %add3A_975 = vector.broadcast %add3A_880 : i32 to vector<16xi32>
          %add3A_976 = arith.addi %add3A_457, %add3A_975 : vector<16xi32>
          tpu.vector_store_idx %arg7[%add3A_976], %gather3A_968 : memref<8192xf32, #tpu.memory_space<vmem>>[vector<16xi32>], vector<16xf32>,
          %scan3A_977 = arith.constant 0 : i32
          scf.yield %scan3A_977 : i32
        }
        %scan3A_562 = arith.constant 8 : i32
        %mul3A_563 = arith.constant 32 : i32
        %mul3A_564 = arith.muli %add3A_514, %mul3A_563 : i32
        %add3A_565 = arith.addi %mul3A_564, %add3A : i32
        %mul3A_566 = arith.constant 128 : i32
        %mul3A_567 = arith.muli %add3A_565, %mul3A_566 : i32
        %mul3A_568 = arith.constant 64 : i32
        %mul3A_569 = arith.muli %mul3A_567, %mul3A_568 : i32
        %dma_start3A_570 = tpu.memref_slice %arg4[%mul3A_569] : memref<64000000xf32, #tpu.memory_space<hbm>> -> memref<8192xf32, #tpu.memory_space<hbm>>
        %dma_start3A_571 = tpu.memref_slice %arg4[%mul3A_569] : memref<64000000xf32, #tpu.memory_space<hbm>> -> memref<8192xf32, #tpu.memory_space<hbm>>
        tpu.enqueue_dma source(%arg7 : memref<8192xf32, #tpu.memory_space<vmem>>) target(%dma_start3A_571 : memref<8192xf32, #tpu.memory_space<hbm>>) target_semaphore(%arg11 : memref<!tpu.dma_semaphore, #tpu.memory_space<semaphore_mem>>)
      } else {
      }
      %mul3A_523 = arith.constant 2 : i32
      %mul3A_524 = arith.muli %scan3A_509, %mul3A_523 : i32
      %add3A_525 = arith.constant 1 : i32
      %add3A_526 = arith.addi %mul3A_524, %add3A_525 : i32
      %mul3A_527 = arith.constant 32 : i32
      %mul3A_528 = arith.muli %add3A_526, %mul3A_527 : i32
      %add3A_529 = arith.addi %mul3A_528, %add3A : i32
      %lt3A_530 = arith.constant 7812 : i32
      %lt3A_531 = arith.cmpi slt, %add3A_529, %lt3A_530 : i32
      %convert_element_type3A_532 = arith.extui %lt3A_531 : i1 to i32
      %cond3A_533 = arith.constant 0 : i32
      %cond3A_534 = arith.cmpi ne, %convert_element_type3A_532, %cond3A_533 : i32
      scf.if %cond3A_534 {
        %add3A_536 = arith.constant 32 : i32
        %add3A_537 = arith.addi %add3A_529, %add3A_536 : i32
        %lt3A_538 = arith.constant 7812 : i32
        %lt3A_539 = arith.cmpi slt, %add3A_537, %lt3A_538 : i32
        %convert_element_type3A_540 = arith.extui %lt3A_539 : i1 to i32
        %cond3A_541 = arith.constant 0 : i32
        %cond3A_542 = arith.cmpi ne, %convert_element_type3A_540, %cond3A_541 : i32
        scf.if %cond3A_542 {
          %add3A_572 = arith.constant 1 : i32
          %add3A_573 = arith.addi %add3A_526, %add3A_572 : i32
          %mul3A_574 = arith.constant 32 : i32
          %mul3A_575 = arith.muli %add3A_573, %mul3A_574 : i32
          %add3A_576 = arith.addi %mul3A_575, %add3A : i32
          %mul3A_577 = arith.constant 128 : i32
          %mul3A_578 = arith.muli %add3A_576, %mul3A_577 : i32
          %dma_start3A_579 = arith.constant 0 : i32
          %dma_start3A_580 = tpu.memref_slice %arg2[%dma_start3A_579, %mul3A_578] : memref<64x1000000xf32, #tpu.memory_space<hbm>> -> memref<64x128xf32, #tpu.memory_space<hbm>>
          %dma_start3A_581 = arith.constant 0 : i32
          %dma_start3A_582 = tpu.memref_slice %arg2[%dma_start3A_581, %mul3A_578] : memref<64x1000000xf32, #tpu.memory_space<hbm>> -> memref<64x128xf32, #tpu.memory_space<hbm>>
          tpu.enqueue_dma source(%dma_start3A_582 : memref<64x128xf32, #tpu.memory_space<hbm>>) target(%arg5 : memref<64x128xf32, #tpu.memory_space<vmem>>) target_semaphore(%arg9 : memref<!tpu.dma_semaphore, #tpu.memory_space<semaphore_mem>>)
        } else {
        }
        %mul3A_543 = arith.constant 32 : i32
        %mul3A_544 = arith.muli %add3A_526, %mul3A_543 : i32
        %add3A_545 = arith.addi %mul3A_544, %add3A : i32
        %mul3A_546 = arith.constant 128 : i32
        %mul3A_547 = arith.muli %add3A_545, %mul3A_546 : i32
        %dma_wait3A = arith.constant 0 : i32
        %dma_wait3A_548 = tpu.memref_slice %arg2[%dma_wait3A, %mul3A_547] : memref<64x1000000xf32, #tpu.memory_space<hbm>> -> memref<64x128xf32, #tpu.memory_space<hbm>>
        %dma_wait3A_549 = arith.constant 0 : i32
        %dma_wait3A_550 = tpu.memref_slice %arg2[%dma_wait3A_549, %mul3A_547] : memref<64x1000000xf32, #tpu.memory_space<hbm>> -> memref<64x128xf32, #tpu.memory_space<hbm>>
        tpu.wait_dma2 semaphore(%arg10 : memref<!tpu.dma_semaphore, #tpu.memory_space<semaphore_mem>>) src(%dma_wait3A_550 : memref<64x128xf32, #tpu.memory_space<hbm>>) dst(%arg6 : memref<64x128xf32, #tpu.memory_space<vmem>>)
        %ge3A_551 = arith.constant 2 : i32
        %ge3A_552 = arith.cmpi sge, %add3A_526, %ge3A_551 : i32
        %convert_element_type3A_553 = arith.extui %ge3A_552 : i1 to i32
        %cond3A_554 = arith.constant 0 : i32
        %cond3A_555 = arith.cmpi ne, %convert_element_type3A_553, %cond3A_554 : i32
        scf.if %cond3A_555 {
          %sub3A = arith.constant 2 : i32
          %sub3A_572 = arith.subi %add3A_526, %sub3A : i32
          %mul3A_573 = arith.constant 32 : i32
          %mul3A_574 = arith.muli %sub3A_572, %mul3A_573 : i32
          %add3A_575 = arith.addi %mul3A_574, %add3A : i32
          %mul3A_576 = arith.constant 128 : i32
          %mul3A_577 = arith.muli %add3A_575, %mul3A_576 : i32
          %mul3A_578 = arith.constant 64 : i32
          %mul3A_579 = arith.muli %mul3A_577, %mul3A_578 : i32
          %dma_wait3A_580 = tpu.memref_slice %arg4[%mul3A_579] : memref<64000000xf32, #tpu.memory_space<hbm>> -> memref<8192xf32, #tpu.memory_space<hbm>>
          %dma_wait3A_581 = tpu.memref_slice %arg4[%mul3A_579] : memref<64000000xf32, #tpu.memory_space<hbm>> -> memref<8192xf32, #tpu.memory_space<hbm>>
          tpu.wait_dma2 semaphore(%arg12 : memref<!tpu.dma_semaphore, #tpu.memory_space<semaphore_mem>>) src(%arg8 : memref<8192xf32, #tpu.memory_space<vmem>>) dst(%dma_wait3A_581 : memref<8192xf32, #tpu.memory_space<hbm>>)
        } else {
        }
        %scan3A_556 = arith.constant 0 : i32
        %scan3A_557 = arith.constant 0 : i32
        %scan3A_558 = arith.constant 8 : i32
        %scan3A_559 = arith.addi %scan3A_557, %scan3A_558 : i32
        %scan3A_560 = arith.constant 1 : i32
        %scan3A_561 = scf.for %scan3A_572 = %scan3A_557 to %scan3A_559 step %scan3A_560 iter_args(%scan3A_573 = %scan3A_556) -> (i32)  : i32 {
          %mul3A_574 = arith.constant 16 : i32
          %mul3A_575 = arith.muli %scan3A_572, %mul3A_574 : i32
          %add3A_576 = vector.broadcast %mul3A_575 : i32 to vector<16xi32>
          %add3A_577 = arith.addi %iota3A, %add3A_576 : vector<16xi32>
          %mul3A_578 = arith.constant 64 : i32
          %mul3A_579 = arith.muli %mul3A_575, %mul3A_578 : i32
          %add3A_580 = arith.constant 0 : i32
          %add3A_581 = arith.addi %mul3A_579, %add3A_580 : i32
          %add3A_582 = arith.constant 0 : i32
          %add3A_583 = vector.broadcast %add3A_582 : i32 to vector<16xi32>
          %add3A_584 = arith.addi %select_n3A_18, %add3A_583 : vector<16xi32>
          %gather3A = tpu.vector_load_idx %arg6[%add3A_584, %add3A_577] : memref<64x128xf32, #tpu.memory_space<vmem>>[vector<16xi32>, vector<16xi32>], vector<16xf32>,
          %add3A_585 = arith.constant 0 : i32
          %add3A_586 = vector.broadcast %add3A_585 : i32 to vector<16xi32>
          %add3A_587 = arith.addi %select_n3A_43, %add3A_586 : vector<16xi32>
          %gather3A_588 = tpu.vector_load_idx %arg6[%add3A_587, %add3A_577] : memref<64x128xf32, #tpu.memory_space<vmem>>[vector<16xi32>, vector<16xi32>], vector<16xf32>,
          %add3A_589 = arith.constant 0 : i32
          %add3A_590 = vector.broadcast %add3A_589 : i32 to vector<16xi32>
          %add3A_591 = arith.addi %select_n3A_68, %add3A_590 : vector<16xi32>
          %gather3A_592 = tpu.vector_load_idx %arg6[%add3A_591, %add3A_577] : memref<64x128xf32, #tpu.memory_space<vmem>>[vector<16xi32>, vector<16xi32>], vector<16xf32>,
          %add3A_593 = arith.constant 0 : i32
          %add3A_594 = vector.broadcast %add3A_593 : i32 to vector<16xi32>
          %add3A_595 = arith.addi %select_n3A_93, %add3A_594 : vector<16xi32>
          %gather3A_596 = tpu.vector_load_idx %arg6[%add3A_595, %add3A_577] : memref<64x128xf32, #tpu.memory_space<vmem>>[vector<16xi32>, vector<16xi32>], vector<16xf32>,
          %add3A_597 = vector.broadcast %add3A_581 : i32 to vector<16xi32>
          %add3A_598 = arith.addi %add3A_397, %add3A_597 : vector<16xi32>
          tpu.vector_store_idx %arg8[%add3A_598], %gather3A : memref<8192xf32, #tpu.memory_space<vmem>>[vector<16xi32>], vector<16xf32>,
          %add3A_599 = vector.broadcast %add3A_581 : i32 to vector<16xi32>
          %add3A_600 = arith.addi %add3A_401, %add3A_599 : vector<16xi32>
          tpu.vector_store_idx %arg8[%add3A_600], %gather3A_588 : memref<8192xf32, #tpu.memory_space<vmem>>[vector<16xi32>], vector<16xf32>,
          %add3A_601 = vector.broadcast %add3A_581 : i32 to vector<16xi32>
          %add3A_602 = arith.addi %add3A_405, %add3A_601 : vector<16xi32>
          tpu.vector_store_idx %arg8[%add3A_602], %gather3A_592 : memref<8192xf32, #tpu.memory_space<vmem>>[vector<16xi32>], vector<16xf32>,
          %add3A_603 = vector.broadcast %add3A_581 : i32 to vector<16xi32>
          %add3A_604 = arith.addi %add3A_409, %add3A_603 : vector<16xi32>
          tpu.vector_store_idx %arg8[%add3A_604], %gather3A_596 : memref<8192xf32, #tpu.memory_space<vmem>>[vector<16xi32>], vector<16xf32>,
          %add3A_605 = arith.constant 0 : i32
          %add3A_606 = vector.broadcast %add3A_605 : i32 to vector<16xi32>
          %add3A_607 = arith.addi %select_n3A_118, %add3A_606 : vector<16xi32>
          %gather3A_608 = tpu.vector_load_idx %arg6[%add3A_607, %add3A_577] : memref<64x128xf32, #tpu.memory_space<vmem>>[vector<16xi32>, vector<16xi32>], vector<16xf32>,
          %add3A_609 = arith.constant 0 : i32
          %add3A_610 = vector.broadcast %add3A_609 : i32 to vector<16xi32>
          %add3A_611 = arith.addi %select_n3A_143, %add3A_610 : vector<16xi32>
          %gather3A_612 = tpu.vector_load_idx %arg6[%add3A_611, %add3A_577] : memref<64x128xf32, #tpu.memory_space<vmem>>[vector<16xi32>, vector<16xi32>], vector<16xf32>,
          %add3A_613 = arith.constant 0 : i32
          %add3A_614 = vector.broadcast %add3A_613 : i32 to vector<16xi32>
          %add3A_615 = arith.addi %select_n3A_168, %add3A_614 : vector<16xi32>
          %gather3A_616 = tpu.vector_load_idx %arg6[%add3A_615, %add3A_577] : memref<64x128xf32, #tpu.memory_space<vmem>>[vector<16xi32>, vector<16xi32>], vector<16xf32>,
          %add3A_617 = arith.constant 0 : i32
          %add3A_618 = vector.broadcast %add3A_617 : i32 to vector<16xi32>
          %add3A_619 = arith.addi %select_n3A_193, %add3A_618 : vector<16xi32>
          %gather3A_620 = tpu.vector_load_idx %arg6[%add3A_619, %add3A_577] : memref<64x128xf32, #tpu.memory_space<vmem>>[vector<16xi32>, vector<16xi32>], vector<16xf32>,
          %add3A_621 = vector.broadcast %add3A_581 : i32 to vector<16xi32>
          %add3A_622 = arith.addi %add3A_413, %add3A_621 : vector<16xi32>
          tpu.vector_store_idx %arg8[%add3A_622], %gather3A_608 : memref<8192xf32, #tpu.memory_space<vmem>>[vector<16xi32>], vector<16xf32>,
          %add3A_623 = vector.broadcast %add3A_581 : i32 to vector<16xi32>
          %add3A_624 = arith.addi %add3A_417, %add3A_623 : vector<16xi32>
          tpu.vector_store_idx %arg8[%add3A_624], %gather3A_612 : memref<8192xf32, #tpu.memory_space<vmem>>[vector<16xi32>], vector<16xf32>,
          %add3A_625 = vector.broadcast %add3A_581 : i32 to vector<16xi32>
          %add3A_626 = arith.addi %add3A_421, %add3A_625 : vector<16xi32>
          tpu.vector_store_idx %arg8[%add3A_626], %gather3A_616 : memref<8192xf32, #tpu.memory_space<vmem>>[vector<16xi32>], vector<16xf32>,
          %add3A_627 = vector.broadcast %add3A_581 : i32 to vector<16xi32>
          %add3A_628 = arith.addi %add3A_425, %add3A_627 : vector<16xi32>
          tpu.vector_store_idx %arg8[%add3A_628], %gather3A_620 : memref<8192xf32, #tpu.memory_space<vmem>>[vector<16xi32>], vector<16xf32>,
          %add3A_629 = arith.constant 0 : i32
          %add3A_630 = vector.broadcast %add3A_629 : i32 to vector<16xi32>
          %add3A_631 = arith.addi %select_n3A_218, %add3A_630 : vector<16xi32>
          %gather3A_632 = tpu.vector_load_idx %arg6[%add3A_631, %add3A_577] : memref<64x128xf32, #tpu.memory_space<vmem>>[vector<16xi32>, vector<16xi32>], vector<16xf32>,
          %add3A_633 = arith.constant 0 : i32
          %add3A_634 = vector.broadcast %add3A_633 : i32 to vector<16xi32>
          %add3A_635 = arith.addi %select_n3A_243, %add3A_634 : vector<16xi32>
          %gather3A_636 = tpu.vector_load_idx %arg6[%add3A_635, %add3A_577] : memref<64x128xf32, #tpu.memory_space<vmem>>[vector<16xi32>, vector<16xi32>], vector<16xf32>,
          %add3A_637 = arith.constant 0 : i32
          %add3A_638 = vector.broadcast %add3A_637 : i32 to vector<16xi32>
          %add3A_639 = arith.addi %select_n3A_268, %add3A_638 : vector<16xi32>
          %gather3A_640 = tpu.vector_load_idx %arg6[%add3A_639, %add3A_577] : memref<64x128xf32, #tpu.memory_space<vmem>>[vector<16xi32>, vector<16xi32>], vector<16xf32>,
          %add3A_641 = arith.constant 0 : i32
          %add3A_642 = vector.broadcast %add3A_641 : i32 to vector<16xi32>
          %add3A_643 = arith.addi %select_n3A_293, %add3A_642 : vector<16xi32>
          %gather3A_644 = tpu.vector_load_idx %arg6[%add3A_643, %add3A_577] : memref<64x128xf32, #tpu.memory_space<vmem>>[vector<16xi32>, vector<16xi32>], vector<16xf32>,
          %add3A_645 = vector.broadcast %add3A_581 : i32 to vector<16xi32>
          %add3A_646 = arith.addi %add3A_429, %add3A_645 : vector<16xi32>
          tpu.vector_store_idx %arg8[%add3A_646], %gather3A_632 : memref<8192xf32, #tpu.memory_space<vmem>>[vector<16xi32>], vector<16xf32>,
          %add3A_647 = vector.broadcast %add3A_581 : i32 to vector<16xi32>
          %add3A_648 = arith.addi %add3A_433, %add3A_647 : vector<16xi32>
          tpu.vector_store_idx %arg8[%add3A_648], %gather3A_636 : memref<8192xf32, #tpu.memory_space<vmem>>[vector<16xi32>], vector<16xf32>,
          %add3A_649 = vector.broadcast %add3A_581 : i32 to vector<16xi32>
          %add3A_650 = arith.addi %add3A_437, %add3A_649 : vector<16xi32>
          tpu.vector_store_idx %arg8[%add3A_650], %gather3A_640 : memref<8192xf32, #tpu.memory_space<vmem>>[vector<16xi32>], vector<16xf32>,
          %add3A_651 = vector.broadcast %add3A_581 : i32 to vector<16xi32>
          %add3A_652 = arith.addi %add3A_441, %add3A_651 : vector<16xi32>
          tpu.vector_store_idx %arg8[%add3A_652], %gather3A_644 : memref<8192xf32, #tpu.memory_space<vmem>>[vector<16xi32>], vector<16xf32>,
          %add3A_653 = arith.constant 0 : i32
          %add3A_654 = vector.broadcast %add3A_653 : i32 to vector<16xi32>
          %add3A_655 = arith.addi %select_n3A_318, %add3A_654 : vector<16xi32>
          %gather3A_656 = tpu.vector_load_idx %arg6[%add3A_655, %add3A_577] : memref<64x128xf32, #tpu.memory_space<vmem>>[vector<16xi32>, vector<16xi32>], vector<16xf32>,
          %add3A_657 = arith.constant 0 : i32
          %add3A_658 = vector.broadcast %add3A_657 : i32 to vector<16xi32>
          %add3A_659 = arith.addi %select_n3A_343, %add3A_658 : vector<16xi32>
          %gather3A_660 = tpu.vector_load_idx %arg6[%add3A_659, %add3A_577] : memref<64x128xf32, #tpu.memory_space<vmem>>[vector<16xi32>, vector<16xi32>], vector<16xf32>,
          %add3A_661 = arith.constant 0 : i32
          %add3A_662 = vector.broadcast %add3A_661 : i32 to vector<16xi32>
          %add3A_663 = arith.addi %select_n3A_368, %add3A_662 : vector<16xi32>
          %gather3A_664 = tpu.vector_load_idx %arg6[%add3A_663, %add3A_577] : memref<64x128xf32, #tpu.memory_space<vmem>>[vector<16xi32>, vector<16xi32>], vector<16xf32>,
          %add3A_665 = arith.constant 0 : i32
          %add3A_666 = vector.broadcast %add3A_665 : i32 to vector<16xi32>
          %add3A_667 = arith.addi %select_n3A_393, %add3A_666 : vector<16xi32>
          %gather3A_668 = tpu.vector_load_idx %arg6[%add3A_667, %add3A_577] : memref<64x128xf32, #tpu.memory_space<vmem>>[vector<16xi32>, vector<16xi32>], vector<16xf32>,
          %add3A_669 = vector.broadcast %add3A_581 : i32 to vector<16xi32>
          %add3A_670 = arith.addi %add3A_445, %add3A_669 : vector<16xi32>
          tpu.vector_store_idx %arg8[%add3A_670], %gather3A_656 : memref<8192xf32, #tpu.memory_space<vmem>>[vector<16xi32>], vector<16xf32>,
          %add3A_671 = vector.broadcast %add3A_581 : i32 to vector<16xi32>
          %add3A_672 = arith.addi %add3A_449, %add3A_671 : vector<16xi32>
          tpu.vector_store_idx %arg8[%add3A_672], %gather3A_660 : memref<8192xf32, #tpu.memory_space<vmem>>[vector<16xi32>], vector<16xf32>,
          %add3A_673 = vector.broadcast %add3A_581 : i32 to vector<16xi32>
          %add3A_674 = arith.addi %add3A_453, %add3A_673 : vector<16xi32>
          tpu.vector_store_idx %arg8[%add3A_674], %gather3A_664 : memref<8192xf32, #tpu.memory_space<vmem>>[vector<16xi32>], vector<16xf32>,
          %add3A_675 = vector.broadcast %add3A_581 : i32 to vector<16xi32>
          %add3A_676 = arith.addi %add3A_457, %add3A_675 : vector<16xi32>
          tpu.vector_store_idx %arg8[%add3A_676], %gather3A_668 : memref<8192xf32, #tpu.memory_space<vmem>>[vector<16xi32>], vector<16xf32>,
          %mul3A_677 = arith.constant 64 : i32
          %mul3A_678 = arith.muli %mul3A_575, %mul3A_677 : i32
          %add3A_679 = arith.constant 16 : i32
          %add3A_680 = arith.addi %mul3A_678, %add3A_679 : i32
          %add3A_681 = arith.constant 16 : i32
          %add3A_682 = vector.broadcast %add3A_681 : i32 to vector<16xi32>
          %add3A_683 = arith.addi %select_n3A_18, %add3A_682 : vector<16xi32>
          %gather3A_684 = tpu.vector_load_idx %arg6[%add3A_683, %add3A_577] : memref<64x128xf32, #tpu.memory_space<vmem>>[vector<16xi32>, vector<16xi32>], vector<16xf32>,
          %add3A_685 = arith.constant 16 : i32
          %add3A_686 = vector.broadcast %add3A_685 : i32 to vector<16xi32>
          %add3A_687 = arith.addi %select_n3A_43, %add3A_686 : vector<16xi32>
          %gather3A_688 = tpu.vector_load_idx %arg6[%add3A_687, %add3A_577] : memref<64x128xf32, #tpu.memory_space<vmem>>[vector<16xi32>, vector<16xi32>], vector<16xf32>,
          %add3A_689 = arith.constant 16 : i32
          %add3A_690 = vector.broadcast %add3A_689 : i32 to vector<16xi32>
          %add3A_691 = arith.addi %select_n3A_68, %add3A_690 : vector<16xi32>
          %gather3A_692 = tpu.vector_load_idx %arg6[%add3A_691, %add3A_577] : memref<64x128xf32, #tpu.memory_space<vmem>>[vector<16xi32>, vector<16xi32>], vector<16xf32>,
          %add3A_693 = arith.constant 16 : i32
          %add3A_694 = vector.broadcast %add3A_693 : i32 to vector<16xi32>
          %add3A_695 = arith.addi %select_n3A_93, %add3A_694 : vector<16xi32>
          %gather3A_696 = tpu.vector_load_idx %arg6[%add3A_695, %add3A_577] : memref<64x128xf32, #tpu.memory_space<vmem>>[vector<16xi32>, vector<16xi32>], vector<16xf32>,
          %add3A_697 = vector.broadcast %add3A_680 : i32 to vector<16xi32>
          %add3A_698 = arith.addi %add3A_397, %add3A_697 : vector<16xi32>
          tpu.vector_store_idx %arg8[%add3A_698], %gather3A_684 : memref<8192xf32, #tpu.memory_space<vmem>>[vector<16xi32>], vector<16xf32>,
          %add3A_699 = vector.broadcast %add3A_680 : i32 to vector<16xi32>
          %add3A_700 = arith.addi %add3A_401, %add3A_699 : vector<16xi32>
          tpu.vector_store_idx %arg8[%add3A_700], %gather3A_688 : memref<8192xf32, #tpu.memory_space<vmem>>[vector<16xi32>], vector<16xf32>,
          %add3A_701 = vector.broadcast %add3A_680 : i32 to vector<16xi32>
          %add3A_702 = arith.addi %add3A_405, %add3A_701 : vector<16xi32>
          tpu.vector_store_idx %arg8[%add3A_702], %gather3A_692 : memref<8192xf32, #tpu.memory_space<vmem>>[vector<16xi32>], vector<16xf32>,
          %add3A_703 = vector.broadcast %add3A_680 : i32 to vector<16xi32>
          %add3A_704 = arith.addi %add3A_409, %add3A_703 : vector<16xi32>
          tpu.vector_store_idx %arg8[%add3A_704], %gather3A_696 : memref<8192xf32, #tpu.memory_space<vmem>>[vector<16xi32>], vector<16xf32>,
          %add3A_705 = arith.constant 16 : i32
          %add3A_706 = vector.broadcast %add3A_705 : i32 to vector<16xi32>
          %add3A_707 = arith.addi %select_n3A_118, %add3A_706 : vector<16xi32>
          %gather3A_708 = tpu.vector_load_idx %arg6[%add3A_707, %add3A_577] : memref<64x128xf32, #tpu.memory_space<vmem>>[vector<16xi32>, vector<16xi32>], vector<16xf32>,
          %add3A_709 = arith.constant 16 : i32
          %add3A_710 = vector.broadcast %add3A_709 : i32 to vector<16xi32>
          %add3A_711 = arith.addi %select_n3A_143, %add3A_710 : vector<16xi32>
          %gather3A_712 = tpu.vector_load_idx %arg6[%add3A_711, %add3A_577] : memref<64x128xf32, #tpu.memory_space<vmem>>[vector<16xi32>, vector<16xi32>], vector<16xf32>,
          %add3A_713 = arith.constant 16 : i32
          %add3A_714 = vector.broadcast %add3A_713 : i32 to vector<16xi32>
          %add3A_715 = arith.addi %select_n3A_168, %add3A_714 : vector<16xi32>
          %gather3A_716 = tpu.vector_load_idx %arg6[%add3A_715, %add3A_577] : memref<64x128xf32, #tpu.memory_space<vmem>>[vector<16xi32>, vector<16xi32>], vector<16xf32>,
          %add3A_717 = arith.constant 16 : i32
          %add3A_718 = vector.broadcast %add3A_717 : i32 to vector<16xi32>
          %add3A_719 = arith.addi %select_n3A_193, %add3A_718 : vector<16xi32>
          %gather3A_720 = tpu.vector_load_idx %arg6[%add3A_719, %add3A_577] : memref<64x128xf32, #tpu.memory_space<vmem>>[vector<16xi32>, vector<16xi32>], vector<16xf32>,
          %add3A_721 = vector.broadcast %add3A_680 : i32 to vector<16xi32>
          %add3A_722 = arith.addi %add3A_413, %add3A_721 : vector<16xi32>
          tpu.vector_store_idx %arg8[%add3A_722], %gather3A_708 : memref<8192xf32, #tpu.memory_space<vmem>>[vector<16xi32>], vector<16xf32>,
          %add3A_723 = vector.broadcast %add3A_680 : i32 to vector<16xi32>
          %add3A_724 = arith.addi %add3A_417, %add3A_723 : vector<16xi32>
          tpu.vector_store_idx %arg8[%add3A_724], %gather3A_712 : memref<8192xf32, #tpu.memory_space<vmem>>[vector<16xi32>], vector<16xf32>,
          %add3A_725 = vector.broadcast %add3A_680 : i32 to vector<16xi32>
          %add3A_726 = arith.addi %add3A_421, %add3A_725 : vector<16xi32>
          tpu.vector_store_idx %arg8[%add3A_726], %gather3A_716 : memref<8192xf32, #tpu.memory_space<vmem>>[vector<16xi32>], vector<16xf32>,
          %add3A_727 = vector.broadcast %add3A_680 : i32 to vector<16xi32>
          %add3A_728 = arith.addi %add3A_425, %add3A_727 : vector<16xi32>
          tpu.vector_store_idx %arg8[%add3A_728], %gather3A_720 : memref<8192xf32, #tpu.memory_space<vmem>>[vector<16xi32>], vector<16xf32>,
          %add3A_729 = arith.constant 16 : i32
          %add3A_730 = vector.broadcast %add3A_729 : i32 to vector<16xi32>
          %add3A_731 = arith.addi %select_n3A_218, %add3A_730 : vector<16xi32>
          %gather3A_732 = tpu.vector_load_idx %arg6[%add3A_731, %add3A_577] : memref<64x128xf32, #tpu.memory_space<vmem>>[vector<16xi32>, vector<16xi32>], vector<16xf32>,
          %add3A_733 = arith.constant 16 : i32
          %add3A_734 = vector.broadcast %add3A_733 : i32 to vector<16xi32>
          %add3A_735 = arith.addi %select_n3A_243, %add3A_734 : vector<16xi32>
          %gather3A_736 = tpu.vector_load_idx %arg6[%add3A_735, %add3A_577] : memref<64x128xf32, #tpu.memory_space<vmem>>[vector<16xi32>, vector<16xi32>], vector<16xf32>,
          %add3A_737 = arith.constant 16 : i32
          %add3A_738 = vector.broadcast %add3A_737 : i32 to vector<16xi32>
          %add3A_739 = arith.addi %select_n3A_268, %add3A_738 : vector<16xi32>
          %gather3A_740 = tpu.vector_load_idx %arg6[%add3A_739, %add3A_577] : memref<64x128xf32, #tpu.memory_space<vmem>>[vector<16xi32>, vector<16xi32>], vector<16xf32>,
          %add3A_741 = arith.constant 16 : i32
          %add3A_742 = vector.broadcast %add3A_741 : i32 to vector<16xi32>
          %add3A_743 = arith.addi %select_n3A_293, %add3A_742 : vector<16xi32>
          %gather3A_744 = tpu.vector_load_idx %arg6[%add3A_743, %add3A_577] : memref<64x128xf32, #tpu.memory_space<vmem>>[vector<16xi32>, vector<16xi32>], vector<16xf32>,
          %add3A_745 = vector.broadcast %add3A_680 : i32 to vector<16xi32>
          %add3A_746 = arith.addi %add3A_429, %add3A_745 : vector<16xi32>
          tpu.vector_store_idx %arg8[%add3A_746], %gather3A_732 : memref<8192xf32, #tpu.memory_space<vmem>>[vector<16xi32>], vector<16xf32>,
          %add3A_747 = vector.broadcast %add3A_680 : i32 to vector<16xi32>
          %add3A_748 = arith.addi %add3A_433, %add3A_747 : vector<16xi32>
          tpu.vector_store_idx %arg8[%add3A_748], %gather3A_736 : memref<8192xf32, #tpu.memory_space<vmem>>[vector<16xi32>], vector<16xf32>,
          %add3A_749 = vector.broadcast %add3A_680 : i32 to vector<16xi32>
          %add3A_750 = arith.addi %add3A_437, %add3A_749 : vector<16xi32>
          tpu.vector_store_idx %arg8[%add3A_750], %gather3A_740 : memref<8192xf32, #tpu.memory_space<vmem>>[vector<16xi32>], vector<16xf32>,
          %add3A_751 = vector.broadcast %add3A_680 : i32 to vector<16xi32>
          %add3A_752 = arith.addi %add3A_441, %add3A_751 : vector<16xi32>
          tpu.vector_store_idx %arg8[%add3A_752], %gather3A_744 : memref<8192xf32, #tpu.memory_space<vmem>>[vector<16xi32>], vector<16xf32>,
          %add3A_753 = arith.constant 16 : i32
          %add3A_754 = vector.broadcast %add3A_753 : i32 to vector<16xi32>
          %add3A_755 = arith.addi %select_n3A_318, %add3A_754 : vector<16xi32>
          %gather3A_756 = tpu.vector_load_idx %arg6[%add3A_755, %add3A_577] : memref<64x128xf32, #tpu.memory_space<vmem>>[vector<16xi32>, vector<16xi32>], vector<16xf32>,
          %add3A_757 = arith.constant 16 : i32
          %add3A_758 = vector.broadcast %add3A_757 : i32 to vector<16xi32>
          %add3A_759 = arith.addi %select_n3A_343, %add3A_758 : vector<16xi32>
          %gather3A_760 = tpu.vector_load_idx %arg6[%add3A_759, %add3A_577] : memref<64x128xf32, #tpu.memory_space<vmem>>[vector<16xi32>, vector<16xi32>], vector<16xf32>,
          %add3A_761 = arith.constant 16 : i32
          %add3A_762 = vector.broadcast %add3A_761 : i32 to vector<16xi32>
          %add3A_763 = arith.addi %select_n3A_368, %add3A_762 : vector<16xi32>
          %gather3A_764 = tpu.vector_load_idx %arg6[%add3A_763, %add3A_577] : memref<64x128xf32, #tpu.memory_space<vmem>>[vector<16xi32>, vector<16xi32>], vector<16xf32>,
          %add3A_765 = arith.constant 16 : i32
          %add3A_766 = vector.broadcast %add3A_765 : i32 to vector<16xi32>
          %add3A_767 = arith.addi %select_n3A_393, %add3A_766 : vector<16xi32>
          %gather3A_768 = tpu.vector_load_idx %arg6[%add3A_767, %add3A_577] : memref<64x128xf32, #tpu.memory_space<vmem>>[vector<16xi32>, vector<16xi32>], vector<16xf32>,
          %add3A_769 = vector.broadcast %add3A_680 : i32 to vector<16xi32>
          %add3A_770 = arith.addi %add3A_445, %add3A_769 : vector<16xi32>
          tpu.vector_store_idx %arg8[%add3A_770], %gather3A_756 : memref<8192xf32, #tpu.memory_space<vmem>>[vector<16xi32>], vector<16xf32>,
          %add3A_771 = vector.broadcast %add3A_680 : i32 to vector<16xi32>
          %add3A_772 = arith.addi %add3A_449, %add3A_771 : vector<16xi32>
          tpu.vector_store_idx %arg8[%add3A_772], %gather3A_760 : memref<8192xf32, #tpu.memory_space<vmem>>[vector<16xi32>], vector<16xf32>,
          %add3A_773 = vector.broadcast %add3A_680 : i32 to vector<16xi32>
          %add3A_774 = arith.addi %add3A_453, %add3A_773 : vector<16xi32>
          tpu.vector_store_idx %arg8[%add3A_774], %gather3A_764 : memref<8192xf32, #tpu.memory_space<vmem>>[vector<16xi32>], vector<16xf32>,
          %add3A_775 = vector.broadcast %add3A_680 : i32 to vector<16xi32>
          %add3A_776 = arith.addi %add3A_457, %add3A_775 : vector<16xi32>
          tpu.vector_store_idx %arg8[%add3A_776], %gather3A_768 : memref<8192xf32, #tpu.memory_space<vmem>>[vector<16xi32>], vector<16xf32>,
          %mul3A_777 = arith.constant 64 : i32
          %mul3A_778 = arith.muli %mul3A_575, %mul3A_777 : i32
          %add3A_779 = arith.constant 32 : i32
          %add3A_780 = arith.addi %mul3A_778, %add3A_779 : i32
          %add3A_781 = arith.constant 32 : i32
          %add3A_782 = vector.broadcast %add3A_781 : i32 to vector<16xi32>
          %add3A_783 = arith.addi %select_n3A_18, %add3A_782 : vector<16xi32>
          %gather3A_784 = tpu.vector_load_idx %arg6[%add3A_783, %add3A_577] : memref<64x128xf32, #tpu.memory_space<vmem>>[vector<16xi32>, vector<16xi32>], vector<16xf32>,
          %add3A_785 = arith.constant 32 : i32
          %add3A_786 = vector.broadcast %add3A_785 : i32 to vector<16xi32>
          %add3A_787 = arith.addi %select_n3A_43, %add3A_786 : vector<16xi32>
          %gather3A_788 = tpu.vector_load_idx %arg6[%add3A_787, %add3A_577] : memref<64x128xf32, #tpu.memory_space<vmem>>[vector<16xi32>, vector<16xi32>], vector<16xf32>,
          %add3A_789 = arith.constant 32 : i32
          %add3A_790 = vector.broadcast %add3A_789 : i32 to vector<16xi32>
          %add3A_791 = arith.addi %select_n3A_68, %add3A_790 : vector<16xi32>
          %gather3A_792 = tpu.vector_load_idx %arg6[%add3A_791, %add3A_577] : memref<64x128xf32, #tpu.memory_space<vmem>>[vector<16xi32>, vector<16xi32>], vector<16xf32>,
          %add3A_793 = arith.constant 32 : i32
          %add3A_794 = vector.broadcast %add3A_793 : i32 to vector<16xi32>
          %add3A_795 = arith.addi %select_n3A_93, %add3A_794 : vector<16xi32>
          %gather3A_796 = tpu.vector_load_idx %arg6[%add3A_795, %add3A_577] : memref<64x128xf32, #tpu.memory_space<vmem>>[vector<16xi32>, vector<16xi32>], vector<16xf32>,
          %add3A_797 = vector.broadcast %add3A_780 : i32 to vector<16xi32>
          %add3A_798 = arith.addi %add3A_397, %add3A_797 : vector<16xi32>
          tpu.vector_store_idx %arg8[%add3A_798], %gather3A_784 : memref<8192xf32, #tpu.memory_space<vmem>>[vector<16xi32>], vector<16xf32>,
          %add3A_799 = vector.broadcast %add3A_780 : i32 to vector<16xi32>
          %add3A_800 = arith.addi %add3A_401, %add3A_799 : vector<16xi32>
          tpu.vector_store_idx %arg8[%add3A_800], %gather3A_788 : memref<8192xf32, #tpu.memory_space<vmem>>[vector<16xi32>], vector<16xf32>,
          %add3A_801 = vector.broadcast %add3A_780 : i32 to vector<16xi32>
          %add3A_802 = arith.addi %add3A_405, %add3A_801 : vector<16xi32>
          tpu.vector_store_idx %arg8[%add3A_802], %gather3A_792 : memref<8192xf32, #tpu.memory_space<vmem>>[vector<16xi32>], vector<16xf32>,
          %add3A_803 = vector.broadcast %add3A_780 : i32 to vector<16xi32>
          %add3A_804 = arith.addi %add3A_409, %add3A_803 : vector<16xi32>
          tpu.vector_store_idx %arg8[%add3A_804], %gather3A_796 : memref<8192xf32, #tpu.memory_space<vmem>>[vector<16xi32>], vector<16xf32>,
          %add3A_805 = arith.constant 32 : i32
          %add3A_806 = vector.broadcast %add3A_805 : i32 to vector<16xi32>
          %add3A_807 = arith.addi %select_n3A_118, %add3A_806 : vector<16xi32>
          %gather3A_808 = tpu.vector_load_idx %arg6[%add3A_807, %add3A_577] : memref<64x128xf32, #tpu.memory_space<vmem>>[vector<16xi32>, vector<16xi32>], vector<16xf32>,
          %add3A_809 = arith.constant 32 : i32
          %add3A_810 = vector.broadcast %add3A_809 : i32 to vector<16xi32>
          %add3A_811 = arith.addi %select_n3A_143, %add3A_810 : vector<16xi32>
          %gather3A_812 = tpu.vector_load_idx %arg6[%add3A_811, %add3A_577] : memref<64x128xf32, #tpu.memory_space<vmem>>[vector<16xi32>, vector<16xi32>], vector<16xf32>,
          %add3A_813 = arith.constant 32 : i32
          %add3A_814 = vector.broadcast %add3A_813 : i32 to vector<16xi32>
          %add3A_815 = arith.addi %select_n3A_168, %add3A_814 : vector<16xi32>
          %gather3A_816 = tpu.vector_load_idx %arg6[%add3A_815, %add3A_577] : memref<64x128xf32, #tpu.memory_space<vmem>>[vector<16xi32>, vector<16xi32>], vector<16xf32>,
          %add3A_817 = arith.constant 32 : i32
          %add3A_818 = vector.broadcast %add3A_817 : i32 to vector<16xi32>
          %add3A_819 = arith.addi %select_n3A_193, %add3A_818 : vector<16xi32>
          %gather3A_820 = tpu.vector_load_idx %arg6[%add3A_819, %add3A_577] : memref<64x128xf32, #tpu.memory_space<vmem>>[vector<16xi32>, vector<16xi32>], vector<16xf32>,
          %add3A_821 = vector.broadcast %add3A_780 : i32 to vector<16xi32>
          %add3A_822 = arith.addi %add3A_413, %add3A_821 : vector<16xi32>
          tpu.vector_store_idx %arg8[%add3A_822], %gather3A_808 : memref<8192xf32, #tpu.memory_space<vmem>>[vector<16xi32>], vector<16xf32>,
          %add3A_823 = vector.broadcast %add3A_780 : i32 to vector<16xi32>
          %add3A_824 = arith.addi %add3A_417, %add3A_823 : vector<16xi32>
          tpu.vector_store_idx %arg8[%add3A_824], %gather3A_812 : memref<8192xf32, #tpu.memory_space<vmem>>[vector<16xi32>], vector<16xf32>,
          %add3A_825 = vector.broadcast %add3A_780 : i32 to vector<16xi32>
          %add3A_826 = arith.addi %add3A_421, %add3A_825 : vector<16xi32>
          tpu.vector_store_idx %arg8[%add3A_826], %gather3A_816 : memref<8192xf32, #tpu.memory_space<vmem>>[vector<16xi32>], vector<16xf32>,
          %add3A_827 = vector.broadcast %add3A_780 : i32 to vector<16xi32>
          %add3A_828 = arith.addi %add3A_425, %add3A_827 : vector<16xi32>
          tpu.vector_store_idx %arg8[%add3A_828], %gather3A_820 : memref<8192xf32, #tpu.memory_space<vmem>>[vector<16xi32>], vector<16xf32>,
          %add3A_829 = arith.constant 32 : i32
          %add3A_830 = vector.broadcast %add3A_829 : i32 to vector<16xi32>
          %add3A_831 = arith.addi %select_n3A_218, %add3A_830 : vector<16xi32>
          %gather3A_832 = tpu.vector_load_idx %arg6[%add3A_831, %add3A_577] : memref<64x128xf32, #tpu.memory_space<vmem>>[vector<16xi32>, vector<16xi32>], vector<16xf32>,
          %add3A_833 = arith.constant 32 : i32
          %add3A_834 = vector.broadcast %add3A_833 : i32 to vector<16xi32>
          %add3A_835 = arith.addi %select_n3A_243, %add3A_834 : vector<16xi32>
          %gather3A_836 = tpu.vector_load_idx %arg6[%add3A_835, %add3A_577] : memref<64x128xf32, #tpu.memory_space<vmem>>[vector<16xi32>, vector<16xi32>], vector<16xf32>,
          %add3A_837 = arith.constant 32 : i32
          %add3A_838 = vector.broadcast %add3A_837 : i32 to vector<16xi32>
          %add3A_839 = arith.addi %select_n3A_268, %add3A_838 : vector<16xi32>
          %gather3A_840 = tpu.vector_load_idx %arg6[%add3A_839, %add3A_577] : memref<64x128xf32, #tpu.memory_space<vmem>>[vector<16xi32>, vector<16xi32>], vector<16xf32>,
          %add3A_841 = arith.constant 32 : i32
          %add3A_842 = vector.broadcast %add3A_841 : i32 to vector<16xi32>
          %add3A_843 = arith.addi %select_n3A_293, %add3A_842 : vector<16xi32>
          %gather3A_844 = tpu.vector_load_idx %arg6[%add3A_843, %add3A_577] : memref<64x128xf32, #tpu.memory_space<vmem>>[vector<16xi32>, vector<16xi32>], vector<16xf32>,
          %add3A_845 = vector.broadcast %add3A_780 : i32 to vector<16xi32>
          %add3A_846 = arith.addi %add3A_429, %add3A_845 : vector<16xi32>
          tpu.vector_store_idx %arg8[%add3A_846], %gather3A_832 : memref<8192xf32, #tpu.memory_space<vmem>>[vector<16xi32>], vector<16xf32>,
          %add3A_847 = vector.broadcast %add3A_780 : i32 to vector<16xi32>
          %add3A_848 = arith.addi %add3A_433, %add3A_847 : vector<16xi32>
          tpu.vector_store_idx %arg8[%add3A_848], %gather3A_836 : memref<8192xf32, #tpu.memory_space<vmem>>[vector<16xi32>], vector<16xf32>,
          %add3A_849 = vector.broadcast %add3A_780 : i32 to vector<16xi32>
          %add3A_850 = arith.addi %add3A_437, %add3A_849 : vector<16xi32>
          tpu.vector_store_idx %arg8[%add3A_850], %gather3A_840 : memref<8192xf32, #tpu.memory_space<vmem>>[vector<16xi32>], vector<16xf32>,
          %add3A_851 = vector.broadcast %add3A_780 : i32 to vector<16xi32>
          %add3A_852 = arith.addi %add3A_441, %add3A_851 : vector<16xi32>
          tpu.vector_store_idx %arg8[%add3A_852], %gather3A_844 : memref<8192xf32, #tpu.memory_space<vmem>>[vector<16xi32>], vector<16xf32>,
          %add3A_853 = arith.constant 32 : i32
          %add3A_854 = vector.broadcast %add3A_853 : i32 to vector<16xi32>
          %add3A_855 = arith.addi %select_n3A_318, %add3A_854 : vector<16xi32>
          %gather3A_856 = tpu.vector_load_idx %arg6[%add3A_855, %add3A_577] : memref<64x128xf32, #tpu.memory_space<vmem>>[vector<16xi32>, vector<16xi32>], vector<16xf32>,
          %add3A_857 = arith.constant 32 : i32
          %add3A_858 = vector.broadcast %add3A_857 : i32 to vector<16xi32>
          %add3A_859 = arith.addi %select_n3A_343, %add3A_858 : vector<16xi32>
          %gather3A_860 = tpu.vector_load_idx %arg6[%add3A_859, %add3A_577] : memref<64x128xf32, #tpu.memory_space<vmem>>[vector<16xi32>, vector<16xi32>], vector<16xf32>,
          %add3A_861 = arith.constant 32 : i32
          %add3A_862 = vector.broadcast %add3A_861 : i32 to vector<16xi32>
          %add3A_863 = arith.addi %select_n3A_368, %add3A_862 : vector<16xi32>
          %gather3A_864 = tpu.vector_load_idx %arg6[%add3A_863, %add3A_577] : memref<64x128xf32, #tpu.memory_space<vmem>>[vector<16xi32>, vector<16xi32>], vector<16xf32>,
          %add3A_865 = arith.constant 32 : i32
          %add3A_866 = vector.broadcast %add3A_865 : i32 to vector<16xi32>
          %add3A_867 = arith.addi %select_n3A_393, %add3A_866 : vector<16xi32>
          %gather3A_868 = tpu.vector_load_idx %arg6[%add3A_867, %add3A_577] : memref<64x128xf32, #tpu.memory_space<vmem>>[vector<16xi32>, vector<16xi32>], vector<16xf32>,
          %add3A_869 = vector.broadcast %add3A_780 : i32 to vector<16xi32>
          %add3A_870 = arith.addi %add3A_445, %add3A_869 : vector<16xi32>
          tpu.vector_store_idx %arg8[%add3A_870], %gather3A_856 : memref<8192xf32, #tpu.memory_space<vmem>>[vector<16xi32>], vector<16xf32>,
          %add3A_871 = vector.broadcast %add3A_780 : i32 to vector<16xi32>
          %add3A_872 = arith.addi %add3A_449, %add3A_871 : vector<16xi32>
          tpu.vector_store_idx %arg8[%add3A_872], %gather3A_860 : memref<8192xf32, #tpu.memory_space<vmem>>[vector<16xi32>], vector<16xf32>,
          %add3A_873 = vector.broadcast %add3A_780 : i32 to vector<16xi32>
          %add3A_874 = arith.addi %add3A_453, %add3A_873 : vector<16xi32>
          tpu.vector_store_idx %arg8[%add3A_874], %gather3A_864 : memref<8192xf32, #tpu.memory_space<vmem>>[vector<16xi32>], vector<16xf32>,
          %add3A_875 = vector.broadcast %add3A_780 : i32 to vector<16xi32>
          %add3A_876 = arith.addi %add3A_457, %add3A_875 : vector<16xi32>
          tpu.vector_store_idx %arg8[%add3A_876], %gather3A_868 : memref<8192xf32, #tpu.memory_space<vmem>>[vector<16xi32>], vector<16xf32>,
          %mul3A_877 = arith.constant 64 : i32
          %mul3A_878 = arith.muli %mul3A_575, %mul3A_877 : i32
          %add3A_879 = arith.constant 48 : i32
          %add3A_880 = arith.addi %mul3A_878, %add3A_879 : i32
          %add3A_881 = arith.constant 48 : i32
          %add3A_882 = vector.broadcast %add3A_881 : i32 to vector<16xi32>
          %add3A_883 = arith.addi %select_n3A_18, %add3A_882 : vector<16xi32>
          %gather3A_884 = tpu.vector_load_idx %arg6[%add3A_883, %add3A_577] : memref<64x128xf32, #tpu.memory_space<vmem>>[vector<16xi32>, vector<16xi32>], vector<16xf32>,
          %add3A_885 = arith.constant 48 : i32
          %add3A_886 = vector.broadcast %add3A_885 : i32 to vector<16xi32>
          %add3A_887 = arith.addi %select_n3A_43, %add3A_886 : vector<16xi32>
          %gather3A_888 = tpu.vector_load_idx %arg6[%add3A_887, %add3A_577] : memref<64x128xf32, #tpu.memory_space<vmem>>[vector<16xi32>, vector<16xi32>], vector<16xf32>,
          %add3A_889 = arith.constant 48 : i32
          %add3A_890 = vector.broadcast %add3A_889 : i32 to vector<16xi32>
          %add3A_891 = arith.addi %select_n3A_68, %add3A_890 : vector<16xi32>
          %gather3A_892 = tpu.vector_load_idx %arg6[%add3A_891, %add3A_577] : memref<64x128xf32, #tpu.memory_space<vmem>>[vector<16xi32>, vector<16xi32>], vector<16xf32>,
          %add3A_893 = arith.constant 48 : i32
          %add3A_894 = vector.broadcast %add3A_893 : i32 to vector<16xi32>
          %add3A_895 = arith.addi %select_n3A_93, %add3A_894 : vector<16xi32>
          %gather3A_896 = tpu.vector_load_idx %arg6[%add3A_895, %add3A_577] : memref<64x128xf32, #tpu.memory_space<vmem>>[vector<16xi32>, vector<16xi32>], vector<16xf32>,
          %add3A_897 = vector.broadcast %add3A_880 : i32 to vector<16xi32>
          %add3A_898 = arith.addi %add3A_397, %add3A_897 : vector<16xi32>
          tpu.vector_store_idx %arg8[%add3A_898], %gather3A_884 : memref<8192xf32, #tpu.memory_space<vmem>>[vector<16xi32>], vector<16xf32>,
          %add3A_899 = vector.broadcast %add3A_880 : i32 to vector<16xi32>
          %add3A_900 = arith.addi %add3A_401, %add3A_899 : vector<16xi32>
          tpu.vector_store_idx %arg8[%add3A_900], %gather3A_888 : memref<8192xf32, #tpu.memory_space<vmem>>[vector<16xi32>], vector<16xf32>,
          %add3A_901 = vector.broadcast %add3A_880 : i32 to vector<16xi32>
          %add3A_902 = arith.addi %add3A_405, %add3A_901 : vector<16xi32>
          tpu.vector_store_idx %arg8[%add3A_902], %gather3A_892 : memref<8192xf32, #tpu.memory_space<vmem>>[vector<16xi32>], vector<16xf32>,
          %add3A_903 = vector.broadcast %add3A_880 : i32 to vector<16xi32>
          %add3A_904 = arith.addi %add3A_409, %add3A_903 : vector<16xi32>
          tpu.vector_store_idx %arg8[%add3A_904], %gather3A_896 : memref<8192xf32, #tpu.memory_space<vmem>>[vector<16xi32>], vector<16xf32>,
          %add3A_905 = arith.constant 48 : i32
          %add3A_906 = vector.broadcast %add3A_905 : i32 to vector<16xi32>
          %add3A_907 = arith.addi %select_n3A_118, %add3A_906 : vector<16xi32>
          %gather3A_908 = tpu.vector_load_idx %arg6[%add3A_907, %add3A_577] : memref<64x128xf32, #tpu.memory_space<vmem>>[vector<16xi32>, vector<16xi32>], vector<16xf32>,
          %add3A_909 = arith.constant 48 : i32
          %add3A_910 = vector.broadcast %add3A_909 : i32 to vector<16xi32>
          %add3A_911 = arith.addi %select_n3A_143, %add3A_910 : vector<16xi32>
          %gather3A_912 = tpu.vector_load_idx %arg6[%add3A_911, %add3A_577] : memref<64x128xf32, #tpu.memory_space<vmem>>[vector<16xi32>, vector<16xi32>], vector<16xf32>,
          %add3A_913 = arith.constant 48 : i32
          %add3A_914 = vector.broadcast %add3A_913 : i32 to vector<16xi32>
          %add3A_915 = arith.addi %select_n3A_168, %add3A_914 : vector<16xi32>
          %gather3A_916 = tpu.vector_load_idx %arg6[%add3A_915, %add3A_577] : memref<64x128xf32, #tpu.memory_space<vmem>>[vector<16xi32>, vector<16xi32>], vector<16xf32>,
          %add3A_917 = arith.constant 48 : i32
          %add3A_918 = vector.broadcast %add3A_917 : i32 to vector<16xi32>
          %add3A_919 = arith.addi %select_n3A_193, %add3A_918 : vector<16xi32>
          %gather3A_920 = tpu.vector_load_idx %arg6[%add3A_919, %add3A_577] : memref<64x128xf32, #tpu.memory_space<vmem>>[vector<16xi32>, vector<16xi32>], vector<16xf32>,
          %add3A_921 = vector.broadcast %add3A_880 : i32 to vector<16xi32>
          %add3A_922 = arith.addi %add3A_413, %add3A_921 : vector<16xi32>
          tpu.vector_store_idx %arg8[%add3A_922], %gather3A_908 : memref<8192xf32, #tpu.memory_space<vmem>>[vector<16xi32>], vector<16xf32>,
          %add3A_923 = vector.broadcast %add3A_880 : i32 to vector<16xi32>
          %add3A_924 = arith.addi %add3A_417, %add3A_923 : vector<16xi32>
          tpu.vector_store_idx %arg8[%add3A_924], %gather3A_912 : memref<8192xf32, #tpu.memory_space<vmem>>[vector<16xi32>], vector<16xf32>,
          %add3A_925 = vector.broadcast %add3A_880 : i32 to vector<16xi32>
          %add3A_926 = arith.addi %add3A_421, %add3A_925 : vector<16xi32>
          tpu.vector_store_idx %arg8[%add3A_926], %gather3A_916 : memref<8192xf32, #tpu.memory_space<vmem>>[vector<16xi32>], vector<16xf32>,
          %add3A_927 = vector.broadcast %add3A_880 : i32 to vector<16xi32>
          %add3A_928 = arith.addi %add3A_425, %add3A_927 : vector<16xi32>
          tpu.vector_store_idx %arg8[%add3A_928], %gather3A_920 : memref<8192xf32, #tpu.memory_space<vmem>>[vector<16xi32>], vector<16xf32>,
          %add3A_929 = arith.constant 48 : i32
          %add3A_930 = vector.broadcast %add3A_929 : i32 to vector<16xi32>
          %add3A_931 = arith.addi %select_n3A_218, %add3A_930 : vector<16xi32>
          %gather3A_932 = tpu.vector_load_idx %arg6[%add3A_931, %add3A_577] : memref<64x128xf32, #tpu.memory_space<vmem>>[vector<16xi32>, vector<16xi32>], vector<16xf32>,
          %add3A_933 = arith.constant 48 : i32
          %add3A_934 = vector.broadcast %add3A_933 : i32 to vector<16xi32>
          %add3A_935 = arith.addi %select_n3A_243, %add3A_934 : vector<16xi32>
          %gather3A_936 = tpu.vector_load_idx %arg6[%add3A_935, %add3A_577] : memref<64x128xf32, #tpu.memory_space<vmem>>[vector<16xi32>, vector<16xi32>], vector<16xf32>,
          %add3A_937 = arith.constant 48 : i32
          %add3A_938 = vector.broadcast %add3A_937 : i32 to vector<16xi32>
          %add3A_939 = arith.addi %select_n3A_268, %add3A_938 : vector<16xi32>
          %gather3A_940 = tpu.vector_load_idx %arg6[%add3A_939, %add3A_577] : memref<64x128xf32, #tpu.memory_space<vmem>>[vector<16xi32>, vector<16xi32>], vector<16xf32>,
          %add3A_941 = arith.constant 48 : i32
          %add3A_942 = vector.broadcast %add3A_941 : i32 to vector<16xi32>
          %add3A_943 = arith.addi %select_n3A_293, %add3A_942 : vector<16xi32>
          %gather3A_944 = tpu.vector_load_idx %arg6[%add3A_943, %add3A_577] : memref<64x128xf32, #tpu.memory_space<vmem>>[vector<16xi32>, vector<16xi32>], vector<16xf32>,
          %add3A_945 = vector.broadcast %add3A_880 : i32 to vector<16xi32>
          %add3A_946 = arith.addi %add3A_429, %add3A_945 : vector<16xi32>
          tpu.vector_store_idx %arg8[%add3A_946], %gather3A_932 : memref<8192xf32, #tpu.memory_space<vmem>>[vector<16xi32>], vector<16xf32>,
          %add3A_947 = vector.broadcast %add3A_880 : i32 to vector<16xi32>
          %add3A_948 = arith.addi %add3A_433, %add3A_947 : vector<16xi32>
          tpu.vector_store_idx %arg8[%add3A_948], %gather3A_936 : memref<8192xf32, #tpu.memory_space<vmem>>[vector<16xi32>], vector<16xf32>,
          %add3A_949 = vector.broadcast %add3A_880 : i32 to vector<16xi32>
          %add3A_950 = arith.addi %add3A_437, %add3A_949 : vector<16xi32>
          tpu.vector_store_idx %arg8[%add3A_950], %gather3A_940 : memref<8192xf32, #tpu.memory_space<vmem>>[vector<16xi32>], vector<16xf32>,
          %add3A_951 = vector.broadcast %add3A_880 : i32 to vector<16xi32>
          %add3A_952 = arith.addi %add3A_441, %add3A_951 : vector<16xi32>
          tpu.vector_store_idx %arg8[%add3A_952], %gather3A_944 : memref<8192xf32, #tpu.memory_space<vmem>>[vector<16xi32>], vector<16xf32>,
          %add3A_953 = arith.constant 48 : i32
          %add3A_954 = vector.broadcast %add3A_953 : i32 to vector<16xi32>
          %add3A_955 = arith.addi %select_n3A_318, %add3A_954 : vector<16xi32>
          %gather3A_956 = tpu.vector_load_idx %arg6[%add3A_955, %add3A_577] : memref<64x128xf32, #tpu.memory_space<vmem>>[vector<16xi32>, vector<16xi32>], vector<16xf32>,
          %add3A_957 = arith.constant 48 : i32
          %add3A_958 = vector.broadcast %add3A_957 : i32 to vector<16xi32>
          %add3A_959 = arith.addi %select_n3A_343, %add3A_958 : vector<16xi32>
          %gather3A_960 = tpu.vector_load_idx %arg6[%add3A_959, %add3A_577] : memref<64x128xf32, #tpu.memory_space<vmem>>[vector<16xi32>, vector<16xi32>], vector<16xf32>,
          %add3A_961 = arith.constant 48 : i32
          %add3A_962 = vector.broadcast %add3A_961 : i32 to vector<16xi32>
          %add3A_963 = arith.addi %select_n3A_368, %add3A_962 : vector<16xi32>
          %gather3A_964 = tpu.vector_load_idx %arg6[%add3A_963, %add3A_577] : memref<64x128xf32, #tpu.memory_space<vmem>>[vector<16xi32>, vector<16xi32>], vector<16xf32>,
          %add3A_965 = arith.constant 48 : i32
          %add3A_966 = vector.broadcast %add3A_965 : i32 to vector<16xi32>
          %add3A_967 = arith.addi %select_n3A_393, %add3A_966 : vector<16xi32>
          %gather3A_968 = tpu.vector_load_idx %arg6[%add3A_967, %add3A_577] : memref<64x128xf32, #tpu.memory_space<vmem>>[vector<16xi32>, vector<16xi32>], vector<16xf32>,
          %add3A_969 = vector.broadcast %add3A_880 : i32 to vector<16xi32>
          %add3A_970 = arith.addi %add3A_445, %add3A_969 : vector<16xi32>
          tpu.vector_store_idx %arg8[%add3A_970], %gather3A_956 : memref<8192xf32, #tpu.memory_space<vmem>>[vector<16xi32>], vector<16xf32>,
          %add3A_971 = vector.broadcast %add3A_880 : i32 to vector<16xi32>
          %add3A_972 = arith.addi %add3A_449, %add3A_971 : vector<16xi32>
          tpu.vector_store_idx %arg8[%add3A_972], %gather3A_960 : memref<8192xf32, #tpu.memory_space<vmem>>[vector<16xi32>], vector<16xf32>,
          %add3A_973 = vector.broadcast %add3A_880 : i32 to vector<16xi32>
          %add3A_974 = arith.addi %add3A_453, %add3A_973 : vector<16xi32>
          tpu.vector_store_idx %arg8[%add3A_974], %gather3A_964 : memref<8192xf32, #tpu.memory_space<vmem>>[vector<16xi32>], vector<16xf32>,
          %add3A_975 = vector.broadcast %add3A_880 : i32 to vector<16xi32>
          %add3A_976 = arith.addi %add3A_457, %add3A_975 : vector<16xi32>
          tpu.vector_store_idx %arg8[%add3A_976], %gather3A_968 : memref<8192xf32, #tpu.memory_space<vmem>>[vector<16xi32>], vector<16xf32>,
          %scan3A_977 = arith.constant 0 : i32
          scf.yield %scan3A_977 : i32
        }
        %scan3A_562 = arith.constant 8 : i32
        %mul3A_563 = arith.constant 32 : i32
        %mul3A_564 = arith.muli %add3A_526, %mul3A_563 : i32
        %add3A_565 = arith.addi %mul3A_564, %add3A : i32
        %mul3A_566 = arith.constant 128 : i32
        %mul3A_567 = arith.muli %add3A_565, %mul3A_566 : i32
        %mul3A_568 = arith.constant 64 : i32
        %mul3A_569 = arith.muli %mul3A_567, %mul3A_568 : i32
        %dma_start3A_570 = tpu.memref_slice %arg4[%mul3A_569] : memref<64000000xf32, #tpu.memory_space<hbm>> -> memref<8192xf32, #tpu.memory_space<hbm>>
        %dma_start3A_571 = tpu.memref_slice %arg4[%mul3A_569] : memref<64000000xf32, #tpu.memory_space<hbm>> -> memref<8192xf32, #tpu.memory_space<hbm>>
        tpu.enqueue_dma source(%arg8 : memref<8192xf32, #tpu.memory_space<vmem>>) target(%dma_start3A_571 : memref<8192xf32, #tpu.memory_space<hbm>>) target_semaphore(%arg12 : memref<!tpu.dma_semaphore, #tpu.memory_space<semaphore_mem>>)
      } else {
      }
      %scan3A_535 = arith.constant 0 : i32
      scf.yield %scan3A_535 : i32
    }
    %scan3A_473 = arith.constant 123 : i32
    %add3A_474 = arith.constant 7744 : i32
    %add3A_475 = arith.addi %add3A_474, %add3A : i32
    %lt3A_476 = arith.constant 7812 : i32
    %lt3A_477 = arith.cmpi slt, %add3A_475, %lt3A_476 : i32
    %add3A_478 = arith.constant 7808 : i32
    %add3A_479 = arith.addi %add3A_478, %add3A : i32
    %ge3A = arith.constant 7812 : i32
    %ge3A_480 = arith.cmpi sge, %add3A_479, %ge3A : i32
    %and3A_481 = arith.andi %lt3A_477, %ge3A_480 : i1
    %convert_element_type3A_482 = arith.extui %and3A_481 : i1 to i32
    %cond3A_483 = arith.constant 0 : i32
    %cond3A_484 = arith.cmpi ne, %convert_element_type3A_482, %cond3A_483 : i32
    scf.if %cond3A_484 {
      %add3A_509 = arith.constant 7744 : i32
      %add3A_510 = arith.addi %add3A_509, %add3A : i32
      %mul3A_511 = arith.constant 128 : i32
      %mul3A_512 = arith.muli %add3A_510, %mul3A_511 : i32
      %mul3A_513 = arith.constant 64 : i32
      %mul3A_514 = arith.muli %mul3A_512, %mul3A_513 : i32
      %dma_wait3A = tpu.memref_slice %arg4[%mul3A_514] : memref<64000000xf32, #tpu.memory_space<hbm>> -> memref<8192xf32, #tpu.memory_space<hbm>>
      %dma_wait3A_515 = tpu.memref_slice %arg4[%mul3A_514] : memref<64000000xf32, #tpu.memory_space<hbm>> -> memref<8192xf32, #tpu.memory_space<hbm>>
      tpu.wait_dma2 semaphore(%arg11 : memref<!tpu.dma_semaphore, #tpu.memory_space<semaphore_mem>>) src(%arg7 : memref<8192xf32, #tpu.memory_space<vmem>>) dst(%dma_wait3A_515 : memref<8192xf32, #tpu.memory_space<hbm>>)
    } else {
    }
    %add3A_485 = arith.constant 7776 : i32
    %add3A_486 = arith.addi %add3A_485, %add3A : i32
    %lt3A_487 = arith.constant 7812 : i32
    %lt3A_488 = arith.cmpi slt, %add3A_486, %lt3A_487 : i32
    %add3A_489 = arith.constant 7840 : i32
    %add3A_490 = arith.addi %add3A_489, %add3A : i32
    %ge3A_491 = arith.constant 7812 : i32
    %ge3A_492 = arith.cmpi sge, %add3A_490, %ge3A_491 : i32
    %and3A_493 = arith.andi %lt3A_488, %ge3A_492 : i1
    %convert_element_type3A_494 = arith.extui %and3A_493 : i1 to i32
    %cond3A_495 = arith.constant 0 : i32
    %cond3A_496 = arith.cmpi ne, %convert_element_type3A_494, %cond3A_495 : i32
    scf.if %cond3A_496 {
      %add3A_509 = arith.constant 7776 : i32
      %add3A_510 = arith.addi %add3A_509, %add3A : i32
      %mul3A_511 = arith.constant 128 : i32
      %mul3A_512 = arith.muli %add3A_510, %mul3A_511 : i32
      %mul3A_513 = arith.constant 64 : i32
      %mul3A_514 = arith.muli %mul3A_512, %mul3A_513 : i32
      %dma_wait3A = tpu.memref_slice %arg4[%mul3A_514] : memref<64000000xf32, #tpu.memory_space<hbm>> -> memref<8192xf32, #tpu.memory_space<hbm>>
      %dma_wait3A_515 = tpu.memref_slice %arg4[%mul3A_514] : memref<64000000xf32, #tpu.memory_space<hbm>> -> memref<8192xf32, #tpu.memory_space<hbm>>
      tpu.wait_dma2 semaphore(%arg12 : memref<!tpu.dma_semaphore, #tpu.memory_space<semaphore_mem>>) src(%arg8 : memref<8192xf32, #tpu.memory_space<vmem>>) dst(%dma_wait3A_515 : memref<8192xf32, #tpu.memory_space<hbm>>)
    } else {
    }
    %add3A_497 = arith.constant 7808 : i32
    %add3A_498 = arith.addi %add3A_497, %add3A : i32
    %lt3A_499 = arith.constant 7812 : i32
    %lt3A_500 = arith.cmpi slt, %add3A_498, %lt3A_499 : i32
    %add3A_501 = arith.constant 7872 : i32
    %add3A_502 = arith.addi %add3A_501, %add3A : i32
    %ge3A_503 = arith.constant 7812 : i32
    %ge3A_504 = arith.cmpi sge, %add3A_502, %ge3A_503 : i32
    %and3A_505 = arith.andi %lt3A_500, %ge3A_504 : i1
    %convert_element_type3A_506 = arith.extui %and3A_505 : i1 to i32
    %cond3A_507 = arith.constant 0 : i32
    %cond3A_508 = arith.cmpi ne, %convert_element_type3A_506, %cond3A_507 : i32
    scf.if %cond3A_508 {
      %add3A_509 = arith.constant 7808 : i32
      %add3A_510 = arith.addi %add3A_509, %add3A : i32
      %mul3A_511 = arith.constant 128 : i32
      %mul3A_512 = arith.muli %add3A_510, %mul3A_511 : i32
      %mul3A_513 = arith.constant 64 : i32
      %mul3A_514 = arith.muli %mul3A_512, %mul3A_513 : i32
      %dma_wait3A = tpu.memref_slice %arg4[%mul3A_514] : memref<64000000xf32, #tpu.memory_space<hbm>> -> memref<8192xf32, #tpu.memory_space<hbm>>
      %dma_wait3A_515 = tpu.memref_slice %arg4[%mul3A_514] : memref<64000000xf32, #tpu.memory_space<hbm>> -> memref<8192xf32, #tpu.memory_space<hbm>>
      tpu.wait_dma2 semaphore(%arg11 : memref<!tpu.dma_semaphore, #tpu.memory_space<semaphore_mem>>) src(%arg7 : memref<8192xf32, #tpu.memory_space<vmem>>) dst(%dma_wait3A_515 : memref<8192xf32, #tpu.memory_space<hbm>>)
    } else {
    }
    return
  }
}

</mosaic_0001>

<sc_bundles>
// kernel: _sc_detranspose.3.cloned.1.call-start
scs
__scs_entry_jumppad:
0x0: {  	(pc) =	sbr.rel $0x88, $3  }
0x1: {  	(tag) =	ssettag $0x0;
	lr =	simm.s32 $0x1  }
0x2: {  	[smem:$0x3F9F] =	sst lr;
	_ =	strace $0xD0000000  }
0x3: {  	_ = 	snop  }
0x4: {  	_ = 	snop  }
0x5: {  	_ = 	snop  }
0x6: {  	_ = 	snop  }
0x7: {  	_ = 	snop  }
__scs_overlays_trampoline_lowered:
0x8: {  	[smem:$0x3FAE] =	sst s0  }
0x9: {  	[smem:$0x3FAF] =	sst s1  }
0xa: {  	[smem:$0x3FB0] =	sst s2  }
0xb: {  	[smem:$0x3FB1] =	sst s3  }
0xc: {  	[smem:$0x3FB2] =	sst s4  }
0xd: {  	[smem:$0x3FB3] =	sst s5  }
0xe: {  	[smem:$0x3FB4] =	sst s6  }
0xf: {  	[smem:$0x3FB5] =	sst s7  }
0x10: {  	[smem:$0x3FB6] =	sst s8  }
0x11: {  	[smem:$0x3FB7] =	sst s9;
	s0 =	simm.s32 @!p0 $0x0  }
0x12: {  	s1 =	sld [smem:$0x3F9D];
	s0 =	simm.s32 @p0 $0x1  }
0x13: {  	[smem:$0x3FB8] =	sst s0;
	s0 =	simm.s32 @!p1 $0x0  }
0x14: {  	s2 =	sld [smem:$0x3F9C];
	s0 =	simm.s32 @p1 $0x1  }
0x15: {  	[smem:$0x3FB9] =	sst s0;
	s0 =	simm.s32 @!p2 $0x0  }
0x16: {  	s3 =	sld [smem:$0x3FDB];
	s0 =	simm.s32 @p2 $0x1  }
0x17: {  	s4 =	simm.s32 $0x1BF5;
	[smem:$0x3FBB] =	sst s0  }
0x18: {  	s0 =	sld [smem:$0x3F9E];
	_ =	swait.ge [sflag:s4], $0x0  }
0x19: {  	s7 =	sld [smem:$0x3F9F]  }
0x1a: {  	s8 =	sadd.s32 $0xFFFFE003, lr  }
0x1b: {  	s9 =	sadd.s32 $0xFFFFFEF7, lr;
	s5 =	simm.s32 $0xFFFFFFFF;
	p2 =	slt.u32 s8, $0xFFFFF086  }
0x1c: {  	p1 =	slt.u32 s9, $0xF7A;
	s5 =	simm.s32 @!p2 $0x0  }
0x1d: {  	s5 =	simm.s32 @p1 $0x1;
	p0 =	seq.s32 s7, s2  }
0x1e: {  	s7 =	smul.u32 @!p0 $0xF7A, s2;
	p2 =	seq.s32 @!p0 s5, $0x0  }
0x1f: {  	s9 =	smul.u32 $0xF7A, s1;
	s8 =	simm.s32 @!p0 $0x1BF5;
	p2 =	por !p2, p0  }
0x20: {  	[sflag:s8] =	ssyncset.s32 @!p0 $0xFFFFF086;
	s6 =	sadd.s32 @!p0 s3, s7;
	s7 =	simm.s32 @!p0 $0x108  }
0x21: {  	s3 =	sadd.s32 s3, s9;
	s6 =	sadd.s32 @!p0 $0x88, s6;
	s7 =	simm.s32 @p2 $0x1082  }
0x22: {  	[simem:s7], [sflag:s8] =	dma.local @!p0 [hbm:s6], $0xF7A  }
0x23: {  	s9 =	sor.u32 $0xD0000000, s2;
	s6 =	simm.s32 $0x108;
	_ =	swait.ge @!p0 [sflag:s8], $0x0  }
0x24: {  	s3 =	sadd.s32 $0x88, s3;
	s6 =	simm.s32 @!p1 $0x1082;
	[sflag:s4] =	ssyncset.s32 $0xFFFFF086  }
0x25: {  	[simem:s6], [sflag:s4] =	dma.local [hbm:s3], $0xF7A  }
0x26: {  	[smem:$0x3F9F] =	sst s1;
	(tag) =	ssettag s2;
	_ =	strace s9  }
0x27: {  	s1 =	sld [smem:$0x3FAF]  }
0x28: {  	s2 =	sld [smem:$0x3FB0]  }
0x29: {  	s4 =	sld [smem:$0x3FB2]  }
0x2a: {  	p0 =	seq.s32 s5, $0x0;
	s5 =	sld [smem:$0x3FB3]  }
0x2b: {  	s6 =	sld [smem:$0x3FB4]  }
0x2c: {  	s7 =	sld [smem:$0x3FB5]  }
0x2d: {  	s3 =	simm.s32 $0x108;
	s8 =	sld [smem:$0x3FB6]  }
0x2e: {  	s3 =	simm.s32 @!p0 $0x1082;
	s9 =	sld [smem:$0x3FB7]  }
0x2f: {  	lr =	sadd.s32 s0, s3;
	s0 =	sld [smem:$0x3FAE]  }
0x30: {  	s3 =	sld [smem:$0x3FB1]  }
0x31: {  	[smem:$0x3FBA] =	sst s10  }
0x32: {  	s10 =	sld [smem:$0x3FB8];
	_ =	sdelay $0x3  }
0x33: {  	p0 =	seq.s32 s10, $0x1;
	s10 =	sld [smem:$0x3FBA];
	_ =	sdelay $0x3  }
0x34: {  	[smem:$0x3FBA] =	sst s10  }
0x35: {  	s10 =	sld [smem:$0x3FB9];
	_ =	sdelay $0x3  }
0x36: {  	p1 =	seq.s32 s10, $0x1;
	s10 =	sld [smem:$0x3FBA];
	_ =	sdelay $0x3  }
0x37: {  	[smem:$0x3FBA] =	sst s10  }
0x38: {  	s10 =	sld [smem:$0x3FBB]  }
0x39: {  	_ = 	snop;
	(pc) =	sbr.ind lr, $3  }
0x3a: {  	_ = 	snop  }
0x3b: {  	_ = 	snop  }
0x3c: {  	p2 =	seq.s32 s10, $0x1;
	s10 =	sld [smem:$0x3FBA]  }
0x3d: {  	_ =	shalt  }
0x3e: {  	_ =	shalt  }
0x3f: {  	_ =	shalt  }
0x40: {  	_ =	shalt  }
0x41: {  	_ =	shalt  }
0x42: {  	_ =	shalt  }
0x43: {  	_ =	shalt  }
0x44: {  	_ =	shalt  }
0x45: {  	_ =	shalt  }
0x46: {  	_ =	shalt  }
0x47: {  	_ =	shalt  }
0x48: {  	_ =	shalt  }
0x49: {  	_ =	shalt  }
0x4a: {  	_ =	shalt  }
0x4b: {  	_ =	shalt  }
0x4c: {  	_ =	shalt  }
0x4d: {  	_ =	shalt  }
0x4e: {  	_ =	shalt  }
0x4f: {  	_ =	shalt  }
0x50: {  	_ =	shalt  }
0x51: {  	_ =	shalt  }
0x52: {  	_ =	shalt  }
0x53: {  	_ =	shalt  }
0x54: {  	_ =	shalt  }
0x55: {  	_ =	shalt  }
0x56: {  	_ =	shalt  }
0x57: {  	_ =	shalt  }
0x58: {  	_ =	shalt  }
0x59: {  	_ =	shalt  }
0x5a: {  	_ =	shalt  }
0x5b: {  	_ =	shalt  }
0x5c: {  	_ =	shalt  }
0x5d: {  	_ =	shalt  }
0x5e: {  	_ =	shalt  }
0x5f: {  	_ =	shalt  }
0x60: {  	_ =	shalt  }
0x61: {  	_ =	shalt  }
0x62: {  	_ =	shalt  }
0x63: {  	_ =	shalt  }
0x64: {  	_ =	shalt  }
0x65: {  	_ =	shalt  }
0x66: {  	_ =	shalt  }
0x67: {  	_ =	shalt  }
0x68: {  	_ =	shalt  }
0x69: {  	_ =	shalt  }
0x6a: {  	_ =	shalt  }
0x6b: {  	_ =	shalt  }
0x6c: {  	_ =	shalt  }
0x6d: {  	_ =	shalt  }
0x6e: {  	_ =	shalt  }
0x6f: {  	_ =	shalt  }
0x70: {  	_ =	shalt  }
0x71: {  	_ =	shalt  }
0x72: {  	_ =	shalt  }
0x73: {  	_ =	shalt  }
0x74: {  	_ =	shalt  }
0x75: {  	_ =	shalt  }
0x76: {  	_ =	shalt  }
0x77: {  	_ =	shalt  }
0x78: {  	_ =	shalt  }
0x79: {  	_ =	shalt  }
0x7a: {  	_ =	shalt  }
0x7b: {  	_ =	shalt  }
0x7c: {  	_ =	shalt  }
0x7d: {  	_ =	shalt  }
0x7e: {  	_ =	shalt  }
0x7f: {  	_ =	shalt  }
0x80: {  	_ =	shalt  }
0x81: {  	_ =	shalt  }
0x82: {  	_ =	shalt  }
0x83: {  	_ =	shalt  }
0x84: {  	_ =	shalt  }
0x85: {  	_ =	shalt  }
0x86: {  	_ =	shalt  }
0x87: {  	_ =	shalt  }
.Lfunc_end0:
.L_simem_size_0:
called_computation_lowered:
.L_overlay_start_0:
0x88: {  	s2 =	sld [smem:$0x3FD9]  }
0x89: {  	s3 =	sld [smem:$0x3FFE];
	_ =	sdelay $0x1  }
0x8a: {  	s1 =	srdreg.scid  }
0x8b: {  	s0 =	sand.u32 $0x1, s1  }
0x8c: {  	s18 =	sshll.u32 s0, $0xA;
	s2 =	sadd.s32 s3, s2  }
0x8d: {  	s2 =	sadd.s32 s2, s18  }
0x8e: {  	[smem:$0x3FC6] =	sst s2  }
0x8f: {  	_ = 	snop  }
0x90: {  	s2 =	sld [smem:$0x3FC9]  }
0x91: {  	s19 =	sld [smem:$0x3FC8]  }
0x92: {  	s4 =	sld [smem:$0x3FD0];
	(tm) =	ssettm $0x1  }
0x93: {  	s5 =	sld [smem:$0x3FFB];
	_ =	sdelay $0x3  }
0x94: {  	_ =	strace s5  }
0x95: {  	s5 =	sld [smem:$0x3FFC];
	_ =	sdelay $0x3  }
0x96: {  	_ =	strace s5  }
0x97: {  	s5 =	sld [smem:$0x3FFD];
	_ =	sdelay $0x3  }
0x98: {  	_ =	strace s5  }
0x99: {  	_ =	strace $0x8FFFFFFF  }
0x9a: {  	s20 =	sld [smem:$0x3FDB];
	_ =	sdelay $0x1  }
0x9b: {  	s6 =	simm.s32 $_scs_section_size  }
0x9c: {  	s7 =	simm.s32 $_size__tile_overlayer_lowered;
	s8 =	simm.s32 $_tile_overlayer_lowered  }
0x9d: {  	s23 =	simm.s32 $0x1BFF;
	s22 =	sshll.u32 s8, $0x1;
	s5 =	sadd.s32 s6, s20  }
0x9e: {  	s9 =	simm.s32 $0x0;
	s21 =	sshll.u32 s7, $0x1;
	s7 =	sadd.s32 s22, s5  }
0x9f: {  	[timem:s9], [sflag:s23] =	dma.local [hbm:s7], s21  }
0xa0: {  	_ =	swait.ge [sflag:s23], s21  }
0xa1: {  	s6 =	ssub.s32 $0x0, s21;
	[sflag:s23] =	ssyncset.done $0x0  }
0xa2: {  	[sflag:s23] =	ssyncadd.s32 s6;
	_ =	sdelay $0x1  }
0xa3: {  	s24 =	simm.s32 $0x1B8B  }
0xa4: {  	_ =	swait.ge [sflag:s24], $0x1  }
0xa5: {  	[sflag:s24] =	ssyncset.done $0x0  }
0xa6: {  	s25 =	simm.s32 $0x1B8E;
	[sflag:s24] =	ssyncadd.s32 $0xFFFFFFFF  }
0xa7: {  	s26 =	simm.s32 $execute0_lowered;
	[smem:$0x3FD2] =	sst s25  }
0xa8: {  	s6 =	sshll.u32 s26, $0x1;
	_ =	strace $0x80000046;
	[dreg:$0x1] =	wrdreg $0xFFFFFFFF  }
0xa9: {  	s28 =	simm.s32 $_size_execute0_lowered;
	s5 =	sadd.s32 s5, s6;
	[dreg:$0x0] =	wrdreg $0x0  }
0xaa: {  	s6 =	sshll.u32 s28, $0x1;
	[dreg:$0x2] =	wrdreg s5  }
0xab: {  	[dreg:$0x3] =	wrdreg s6  }
0xac: {  	[dreg:$0x4] =	wrdreg $0xC0  }
0xad: {  	_ =	task [dreg:s9], $0x5FFFF  }
0xae: {  	[dreg:$0x1] =	wrdreg $0xFFFFFFFF  }
0xaf: {  	[dreg:$0x0] =	wrdreg $0x60  }
0xb0: {  	[dreg:$0x2] =	wrdreg s2  }
0xb1: {  	[dreg:$0x3] =	wrdreg s19  }
0xb2: {  	[dreg:$0x4] =	wrdreg s4  }
0xb3: {  	[dreg:$0x5] =	wrdreg $0x9  }
0xb4: {  	_ =	task.clear_ibuf [dreg:s9], $0x6FFFF;
	_ =	strace $0x90000046  }
0xb5: {  	s29 =	simm.s32 $0x9;
	_ =	strace $0x80000048  }
0xb6: {  	_ =	swait.ge [sflag:s29], $0x1  }
0xb7: {  	[sflag:s29] =	ssyncadd.s32 $0xFFFFFFFF  }
0xb8: {  	_ =	strace $0x90000048  }
0xb9: {  	_ =	sfence  }
0xba: {  	s30 =	sld [smem:$0x0];
	_ =	sdelay $0x2  }
0xbb: {  	s31 =	sshll.u32 s1, $0xD;
	s1 =	sshrl.u32 s1, $0x2  }
0xbc: {  	s3 =	sand.u32 $0x4000, s31;
	s1 =	sadd.s32 s1, s30  }
0xbd: {  	s0 =	sor.u32 s3, s0;
	s1 =	sshll.u32 s1, $0x11  }
0xbe: {  	s0 =	sor.u32 s1, s0  }
0xbf: {  	s0 =	sadd.s32 $0x8F2B, s0  }
0xc0: {  	[sflag:s0] =	ssyncadd.remote.s32 $0x1  }
0xc1: {  	_ =	sfence.sel $0xFFFF  }
0xc2: {  	[dreg:$0x0] =	wrdreg $0xFFFFFFFF;
	(pc) =	sbr.abs _section_cstart, $3  }
0xc3: {  	[dreg:$0x1] =	wrdreg $0xFFFFFFFF  }
0xc4: {  	_ =	task.clear_ibuf [dreg:s9], $0x2FFFF;
	_ =	strace $0x9FFFFFFF  }
0xc5: {  	(tm) =	ssettm $0x7FFFFFFF  }
tec
execute0_lowered:
.L_overlay_start_1:
0x0: {  	(tag) =	ssettag $0x1  }
0x1: {  	v0 =	vimm.s32 $0xF;
	vm14 =	vcmask $0x300;
	vm13 =	vcmask $0x704  }
0x2: {  	vm12 =	vcmask $0xB08;
	vm11 =	vcmask $0xF0C;
	vm10 =	vcmask $0x1310  }
0x3: {  	vm9 =	vcmask $0x1714;
	vm8 =	vcmask $0x1B18;
	vm7 =	vcmask $0x1F1C  }
0x4: {  	vm5 =	vcmask $0x2320;
	v2 =	vimm.s32 $0x8F;
	vm3 =	vcmask $0x2724  }
0x5: {  	v3 =	vimm.s32 $0x10F;
	vm0 =	vcmask $0x2B28;
	vm1 =	vcmask $0x2F2C  }
0x6: {  	vm2 =	vcmask $0x3330;
	vm4 =	vcmask $0x3734;
	v0 =	vsel vm14, $0x80, v0  }
0x7: {  	vm6 =	vcmask $0x3B38;
	v4 =	vimm.s32 $0xC4834201;
	v0 =	vsel vm13, $0x101, v0  }
0x8: {  	vm15 =	vcmask $0xF00;
	v2 =	vsel vm14, $0x100, v2;
	v0 =	vsel vm12, $0x182, v0  }
0x9: {  	v3 =	vsel vm14, $0x180, v3;
	v2 =	vsel vm13, $0x181, v2;
	v0 =	vsel vm11, $0x203, v0  }
0xa: {  	v4 =	vunpack.c.0.s8.s32 v4;
	v2 =	vsel vm12, $0x202, v2;
	v0 =	vsel vm10, $0x284, v0  }
0xb: {  	v3 =	vsel vm13, $0x201, v3;
	v2 =	vsel vm11, $0x283, v2;
	v0 =	vsel vm9, $0x305, v0  }
0xc: {  	v3 =	vsel vm12, $0x282, v3;
	v2 =	vsel vm10, $0x304, v2;
	v0 =	vsel vm8, $0x386, v0  }
0xd: {  	v3 =	vsel vm11, $0x303, v3;
	v2 =	vsel vm9, $0x385, v2;
	v0 =	vsel vm7, $0x407, v0  }
0xe: {  	v3 =	vsel vm10, $0x384, v3;
	v2 =	vsel vm8, $0x406, v2;
	v0 =	vsel vm5, $0x488, v0  }
0xf: {  	v3 =	vsel vm9, $0x405, v3;
	v2 =	vsel vm7, $0x487, v2;
	v0 =	vsel vm3, $0x509, v0  }
0x10: {  	v3 =	vsel vm8, $0x486, v3;
	v2 =	vsel vm5, $0x508, v2;
	v0 =	vsel vm0, $0x58A, v0  }
0x11: {  	v3 =	vsel vm7, $0x507, v3;
	v2 =	vsel vm3, $0x589, v2;
	v0 =	vsel vm1, $0x60B, v0  }
0x12: {  	v3 =	vsel vm5, $0x588, v3;
	v2 =	vsel vm0, $0x60A, v2;
	v0 =	vsel vm2, $0x68C, v0  }
0x13: {  	v3 =	vsel vm3, $0x609, v3;
	v2 =	vsel vm1, $0x68B, v2;
	v0 =	vsel vm4, $0x70D, v0  }
0x14: {  	v3 =	vsel vm0, $0x68A, v3;
	v2 =	vsel vm2, $0x70C, v2;
	v39 =	vsel vm6, $0x78E, v0  }
0x15: {  	v0 =	vsel vm4, $0x78D, v2;
	v2 =	vsel vm1, $0x70B, v3;
	v3 =	vand.u32 $0xFF, v4  }
0x16: {  	v4 =	vimm.s32 $0xC5844302;
	v2 =	vsel vm2, $0x78C, v2;
	v0 =	vsel vm6, $0xE, v0  }
0x17: {  	v3 =	vnsel vm15, $0x3C0, v3;
	v4 =	vunpack.c.0.s8.s32 v4;
	[tilespmem:$0x1FC40] =	vst v0;
	v0 =	vsel vm4, $0xD, v2  }
0x18: {  	v1 =	vlaneseq.u32;
	v2 =	vsel vm10, $0x105, v3;
	v0 =	vsel vm6, $0x8E, v0  }
0x19: {  	v18 =	vmul.u32 $0x81, v1;
	[tilespmem:$0x1FC50] =	vst v0;
	v0 =	vsel vm9, $0x146, v2;
	v2 =	vand.u32 $0xFF, v4  }
0x1a: {  	v3 =	vimm.s32 $0xC6854403;
	v0 =	vsel vm8, $0x187, v0;
	v2 =	vnsel vm15, $0x3C1, v2  }
0x1b: {  	v3 =	vunpack.c.0.s8.s32 v3;
	v0 =	vsel vm7, $0x1C8, v0;
	v2 =	vsel vm10, $0x106, v2  }
0x1c: {  	v4 =	vmul.u32 $0x41, v1;
	v0 =	vsel vm5, $0x209, v0;
	v1 =	vsel vm9, $0x147, v2  }
0x1d: {  	v2 =	vand.u32 $0xFF, v3;
	v0 =	vsel vm3, $0x24A, v0;
	v1 =	vsel vm8, $0x188, v1  }
0x1e: {  	v2 =	vnsel vm15, $0x3C2, v2;
	v0 =	vsel vm0, $0x28B, v0;
	v1 =	vsel vm7, $0x1C9, v1  }
0x1f: {  	v2 =	vsel vm10, $0x107, v2;
	v0 =	vsel vm1, $0x2CC, v0;
	v1 =	vsel vm5, $0x20A, v1  }
0x20: {  	v2 =	vsel vm9, $0x148, v2;
	v0 =	vsel vm2, $0x30D, v0;
	v1 =	vsel vm3, $0x24B, v1  }
0x21: {  	v2 =	vsel vm8, $0x189, v2;
	v0 =	vsel vm4, $0x34E, v0;
	v1 =	vsel vm0, $0x28C, v1  }
0x22: {  	v5 =	vsel vm6, $0x38F, v0;
	v0 =	vsel vm1, $0x2CD, v1;
	v1 =	vsel vm7, $0x1CA, v2  }
0x23: {  	v2 =	vimm.s32 $0x18F;
	v0 =	vsel vm2, $0x30E, v0;
	v1 =	vsel vm5, $0x20B, v1  }
0x24: {  	v2 =	vsel vm14, $0x200, v2;
	v0 =	vsel vm4, $0x34F, v0;
	v1 =	vsel vm3, $0x24C, v1  }
0x25: {  	v6 =	vsel vm6, $0x380, v0;
	v0 =	vsel vm0, $0x28D, v1;
	v1 =	vsel vm13, $0x281, v2  }
0x26: {  	v2 =	vimm.s32 $0x20F;
	v0 =	vsel vm1, $0x2CE, v0;
	v1 =	vsel vm12, $0x302, v1  }
0x27: {  	v2 =	vsel vm14, $0x280, v2;
	v0 =	vsel vm2, $0x30F, v0;
	v1 =	vsel vm11, $0x383, v1  }
0x28: {  	v2 =	vsel vm13, $0x301, v2;
	v0 =	vsel vm4, $0x340, v0;
	v1 =	vsel vm10, $0x404, v1  }
0x29: {  	v7 =	vsel vm6, $0x381, v0;
	v0 =	vsel vm9, $0x485, v1;
	v1 =	vsel vm12, $0x382, v2  }
0x2a: {  	v0 =	vsel vm8, $0x506, v0;
	v1 =	vsel vm11, $0x403, v1  }
0x2b: {  	v2 =	vimm.s32 $0x28F;
	v0 =	vsel vm7, $0x587, v0;
	v1 =	vsel vm10, $0x484, v1  }
0x2c: {  	v2 =	vsel vm14, $0x300, v2;
	v0 =	vsel vm5, $0x608, v0;
	v1 =	vsel vm9, $0x505, v1  }
0x2d: {  	v2 =	vsel vm13, $0x381, v2;
	v0 =	vsel vm3, $0x689, v0;
	v1 =	vsel vm8, $0x586, v1  }
0x2e: {  	v2 =	vsel vm12, $0x402, v2;
	v0 =	vsel vm0, $0x70A, v0;
	v1 =	vsel vm7, $0x607, v1  }
0x2f: {  	v2 =	vsel vm11, $0x483, v2;
	v0 =	vsel vm1, $0x78B, v0;
	v1 =	vsel vm5, $0x688, v1  }
0x30: {  	v2 =	vsel vm10, $0x504, v2;
	v0 =	vsel vm2, $0xC, v0;
	v1 =	vsel vm3, $0x709, v1  }
0x31: {  	v2 =	vsel vm9, $0x585, v2;
	v0 =	vsel vm4, $0x8D, v0;
	v1 =	vsel vm0, $0x78A, v1  }
0x32: {  	v2 =	vsel vm8, $0x606, v2;
	v40 =	vsel vm6, $0x10E, v0;
	v0 =	vsel vm1, $0xB, v1  }
0x33: {  	v1 =	vsel vm7, $0x687, v2;
	v0 =	vsel vm2, $0x8C, v0  }
0x34: {  	v2 =	vimm.s32 $0x30F;
	v1 =	vsel vm5, $0x708, v1;
	v0 =	vsel vm4, $0x10D, v0  }
0x35: {  	v2 =	vsel vm14, $0x380, v2;
	v1 =	vsel vm3, $0x789, v1;
	v0 =	vsel vm6, $0x18E, v0  }
0x36: {  	v3 =	vimm.s32 $0xC8874605;
	[tilespmem:$0x1FC60] =	vst v0;
	v0 =	vsel vm0, $0xA, v1;
	v1 =	vsel vm13, $0x401, v2  }
0x37: {  	v2 =	vimm.s32 $0xC7864504;
	v0 =	vsel vm1, $0x8B, v0;
	v1 =	vsel vm12, $0x482, v1  }
0x38: {  	v2 =	vunpack.c.0.s8.s32 v2;
	v0 =	vsel vm2, $0x10C, v0;
	v1 =	vsel vm11, $0x503, v1  }
0x39: {  	v3 =	vunpack.c.0.s8.s32 v3;
	v0 =	vsel vm4, $0x18D, v0;
	v1 =	vsel vm10, $0x584, v1  }
0x3a: {  	v2 =	vand.u32 $0xFF, v2;
	v1 =	vsel vm9, $0x605, v1;
	v0 =	vsel vm6, $0x20E, v0  }
0x3b: {  	[tilespmem:$0x1FC70] =	vst v0;
	v0 =	vsel vm8, $0x686, v1;
	v1 =	vnsel vm15, $0x3C3, v2;
	v2 =	vand.u32 $0xFF, v3  }
0x3c: {  	v3 =	vimm.s32 $0xC9884706;
	v0 =	vsel vm7, $0x707, v0;
	v1 =	vsel vm10, $0x108, v1  }
0x3d: {  	v2 =	vnsel vm15, $0x3C4, v2;
	v3 =	vunpack.c.0.s8.s32 v3;
	v1 =	vsel vm9, $0x149, v1  }
0x3e: {  	v0 =	vsel vm5, $0x788, v0;
	v2 =	vsel vm10, $0x109, v2;
	v1 =	vsel vm8, $0x18A, v1  }
0x3f: {  	v0 =	vsel vm3, $0x9, v0;
	v2 =	vsel vm9, $0x14A, v2;
	v1 =	vsel vm7, $0x1CB, v1  }
0x40: {  	v0 =	vsel vm0, $0x8A, v0;
	v2 =	vsel vm8, $0x18B, v2;
	v1 =	vsel vm5, $0x20C, v1  }
0x41: {  	v0 =	vsel vm1, $0x10B, v0;
	v2 =	vsel vm7, $0x1CC, v2;
	v1 =	vsel vm3, $0x24D, v1  }
0x42: {  	v0 =	vsel vm2, $0x18C, v0;
	v2 =	vsel vm5, $0x20D, v2;
	v1 =	vsel vm0, $0x28E, v1  }
0x43: {  	v0 =	vsel vm4, $0x20D, v0;
	v2 =	vsel vm3, $0x24E, v2;
	v1 =	vsel vm1, $0x2CF, v1  }
0x44: {  	v2 =	vsel vm0, $0x28F, v2;
	v0 =	vsel vm6, $0x28E, v0;
	v1 =	vsel vm2, $0x300, v1  }
0x45: {  	[tilespmem:$0x1FC80] =	vst v0;
	v0 =	vsel vm4, $0x341, v1;
	v1 =	vsel vm1, $0x2C0, v2  }
0x46: {  	v2 =	vand.u32 $0xFF, v3;
	v3 =	vimm.s32 $0xCA894807;
	v1 =	vsel vm2, $0x301, v1  }
0x47: {  	v2 =	vnsel vm15, $0x3C5, v2;
	v3 =	vunpack.c.0.s8.s32 v3;
	v12 =	vsel vm6, $0x382, v0  }
0x48: {  	v1 =	vsel vm4, $0x342, v1;
	v0 =	vsel vm10, $0x10A, v2;
	v2 =	vimm.s32 $0x38F  }
0x49: {  	v13 =	vsel vm6, $0x383, v1;
	v0 =	vsel vm9, $0x14B, v0;
	v1 =	vand.u32 $0xFF, v3  }
0x4a: {  	v2 =	vsel vm14, $0x400, v2;
	v0 =	vsel vm8, $0x18C, v0;
	v1 =	vnsel vm15, $0x3C6, v1  }
0x4b: {  	v2 =	vsel vm13, $0x481, v2;
	v0 =	vsel vm7, $0x1CD, v0;
	v1 =	vsel vm10, $0x10B, v1  }
0x4c: {  	v2 =	vsel vm12, $0x502, v2;
	v0 =	vsel vm5, $0x20E, v0;
	v1 =	vsel vm9, $0x14C, v1  }
0x4d: {  	v2 =	vsel vm11, $0x583, v2;
	v0 =	vsel vm3, $0x24F, v0;
	v1 =	vsel vm8, $0x18D, v1  }
0x4e: {  	v2 =	vsel vm10, $0x604, v2;
	v0 =	vsel vm0, $0x280, v0;
	v1 =	vsel vm7, $0x1CE, v1  }
0x4f: {  	v2 =	vsel vm9, $0x685, v2;
	v0 =	vsel vm1, $0x2C1, v0;
	v1 =	vsel vm5, $0x20F, v1  }
0x50: {  	v2 =	vsel vm8, $0x706, v2;
	v0 =	vsel vm2, $0x302, v0;
	v1 =	vsel vm3, $0x240, v1  }
0x51: {  	v2 =	vsel vm7, $0x787, v2;
	v0 =	vsel vm4, $0x343, v0;
	v1 =	vsel vm0, $0x281, v1  }
0x52: {  	v14 =	vsel vm6, $0x384, v0;
	v0 =	vsel vm1, $0x2C2, v1;
	v1 =	vsel vm5, $0x8, v2  }
0x53: {  	v2 =	vimm.s32 $0x40F;
	v0 =	vsel vm2, $0x303, v0;
	v1 =	vsel vm3, $0x89, v1  }
0x54: {  	v2 =	vsel vm14, $0x480, v2;
	v0 =	vsel vm4, $0x344, v0;
	v1 =	vsel vm0, $0x10A, v1  }
0x55: {  	v15 =	vsel vm6, $0x385, v0;
	v0 =	vsel vm1, $0x18B, v1;
	v1 =	vsel vm13, $0x501, v2  }
0x56: {  	v0 =	vsel vm2, $0x20C, v0;
	v1 =	vsel vm12, $0x582, v1  }
0x57: {  	v2 =	vimm.s32 $0x48F;
	v0 =	vsel vm4, $0x28D, v0;
	v1 =	vsel vm11, $0x603, v1  }
0x58: {  	v2 =	vsel vm14, $0x500, v2;
	v48 =	vsel vm6, $0x30E, v0;
	v0 =	vsel vm10, $0x684, v1  }
0x59: {  	v1 =	vsel vm13, $0x581, v2;
	v0 =	vsel vm9, $0x705, v0  }
0x5a: {  	v1 =	vsel vm12, $0x602, v1;
	v0 =	vsel vm8, $0x786, v0  }
0x5b: {  	v2 =	vimm.s32 $0x50F;
	v1 =	vsel vm11, $0x683, v1;
	v0 =	vsel vm7, $0x7, v0  }
0x5c: {  	v2 =	vsel vm14, $0x580, v2;
	v1 =	vsel vm10, $0x704, v1;
	v0 =	vsel vm5, $0x88, v0  }
0x5d: {  	v2 =	vsel vm13, $0x601, v2;
	v1 =	vsel vm9, $0x785, v1;
	v0 =	vsel vm3, $0x109, v0  }
0x5e: {  	v2 =	vsel vm12, $0x682, v2;
	v1 =	vsel vm8, $0x6, v1;
	v0 =	vsel vm0, $0x18A, v0  }
0x5f: {  	v2 =	vsel vm11, $0x703, v2;
	v1 =	vsel vm7, $0x87, v1;
	v0 =	vsel vm1, $0x20B, v0  }
0x60: {  	v2 =	vsel vm10, $0x784, v2;
	v1 =	vsel vm5, $0x108, v1;
	v0 =	vsel vm2, $0x28C, v0  }
0x61: {  	v2 =	vsel vm9, $0x5, v2;
	v1 =	vsel vm3, $0x189, v1;
	v0 =	vsel vm4, $0x30D, v0  }
0x62: {  	v2 =	vsel vm8, $0x86, v2;
	v1 =	vsel vm0, $0x20A, v1;
	v0 =	vsel vm6, $0x38E, v0  }
0x63: {  	v2 =	vsel vm7, $0x107, v2;
	[tilespmem:$0x1FC90] =	vst v0;
	v0 =	vsel vm1, $0x28B, v1  }
0x64: {  	v1 =	vsel vm5, $0x188, v2;
	v0 =	vsel vm2, $0x30C, v0  }
0x65: {  	v2 =	vimm.s32 $0xCB8A4908;
	v1 =	vsel vm3, $0x209, v1;
	v0 =	vsel vm4, $0x38D, v0  }
0x66: {  	v2 =	vunpack.c.0.s8.s32 v2;
	v1 =	vsel vm0, $0x28A, v1;
	v0 =	vsel vm6, $0x40E, v0  }
0x67: {  	v3 =	vimm.s32 $0xCD8C4B0A;
	[tilespmem:$0x1FCA0] =	vst v0;
	v0 =	vsel vm1, $0x30B, v1;
	v1 =	vimm.s32 $0xCC8B4A09  }
0x68: {  	v2 =	vand.u32 $0xFF, v2;
	v0 =	vsel vm2, $0x38C, v0;
	v1 =	vunpack.c.0.s8.s32 v1  }
0x69: {  	v3 =	vunpack.c.0.s8.s32 v3;
	v2 =	vnsel vm15, $0x3C7, v2;
	v0 =	vsel vm4, $0x40D, v0  }
0x6a: {  	v2 =	vsel vm10, $0x10C, v2;
	v1 =	vand.u32 $0xFF, v1;
	v0 =	vsel vm6, $0x48E, v0  }
0x6b: {  	[tilespmem:$0x1FCB0] =	vst v0;
	v0 =	vsel vm9, $0x14D, v2;
	v1 =	vnsel vm15, $0x3C8, v1  }
0x6c: {  	v2 =	vand.u32 $0xFF, v3;
	v0 =	vsel vm8, $0x18E, v0;
	v1 =	vsel vm10, $0x10D, v1  }
0x6d: {  	v2 =	vnsel vm15, $0x3C9, v2;
	v0 =	vsel vm7, $0x1CF, v0;
	v1 =	vsel vm9, $0x14E, v1  }
0x6e: {  	v2 =	vsel vm10, $0x10E, v2;
	v0 =	vsel vm5, $0x200, v0;
	v1 =	vsel vm8, $0x18F, v1  }
0x6f: {  	v2 =	vsel vm9, $0x14F, v2;
	v0 =	vsel vm3, $0x241, v0;
	v1 =	vsel vm7, $0x1C0, v1  }
0x70: {  	v2 =	vsel vm8, $0x180, v2;
	v0 =	vsel vm0, $0x282, v0;
	v1 =	vsel vm5, $0x201, v1  }
0x71: {  	v2 =	vsel vm7, $0x1C1, v2;
	v0 =	vsel vm1, $0x2C3, v0;
	v1 =	vsel vm3, $0x242, v1  }
0x72: {  	v2 =	vsel vm5, $0x202, v2;
	v0 =	vsel vm2, $0x304, v0;
	v1 =	vsel vm0, $0x283, v1  }
0x73: {  	v2 =	vsel vm3, $0x243, v2;
	v0 =	vsel vm4, $0x345, v0;
	v1 =	vsel vm1, $0x2C4, v1  }
0x74: {  	v20 =	vsel vm6, $0x386, v0;
	v0 =	vsel vm2, $0x305, v1;
	v1 =	vsel vm0, $0x284, v2  }
0x75: {  	v3 =	vimm.s32 $0x58F;
	v2 =	vimm.s32 $0xCE8D4C0B;
	v1 =	vsel vm1, $0x2C5, v1  }
0x76: {  	v0 =	vsel vm4, $0x346, v0;
	v2 =	vunpack.c.0.s8.s32 v2;
	v1 =	vsel vm2, $0x306, v1  }
0x77: {  	v21 =	vsel vm6, $0x387, v0;
	v0 =	vsel vm4, $0x347, v1;
	v1 =	vsel vm14, $0x600, v3  }
0x78: {  	v22 =	vsel vm6, $0x388, v0;
	v0 =	vand.u32 $0xFF, v2;
	v1 =	vsel vm13, $0x681, v1  }
0x79: {  	v2 =	vimm.s32 $0x60F;
	v0 =	vnsel vm15, $0x3CA, v0;
	v1 =	vsel vm12, $0x702, v1  }
0x7a: {  	v2 =	vsel vm14, $0x680, v2;
	v0 =	vsel vm10, $0x10F, v0;
	v1 =	vsel vm11, $0x783, v1  }
0x7b: {  	v2 =	vsel vm13, $0x701, v2;
	v0 =	vsel vm9, $0x140, v0;
	v1 =	vsel vm10, $0x4, v1  }
0x7c: {  	v2 =	vsel vm12, $0x782, v2;
	v0 =	vsel vm8, $0x181, v0;
	v1 =	vsel vm9, $0x85, v1  }
0x7d: {  	v2 =	vsel vm11, $0x3, v2;
	v0 =	vsel vm7, $0x1C2, v0;
	v1 =	vsel vm8, $0x106, v1  }
0x7e: {  	v2 =	vsel vm10, $0x84, v2;
	v0 =	vsel vm5, $0x203, v0;
	v1 =	vsel vm7, $0x187, v1  }
0x7f: {  	v2 =	vsel vm9, $0x105, v2;
	v0 =	vsel vm3, $0x244, v0;
	v1 =	vsel vm5, $0x208, v1  }
0x80: {  	v2 =	vsel vm8, $0x186, v2;
	v0 =	vsel vm0, $0x285, v0;
	v1 =	vsel vm3, $0x289, v1  }
0x81: {  	v2 =	vsel vm7, $0x207, v2;
	v0 =	vsel vm1, $0x2C6, v0;
	v1 =	vsel vm0, $0x30A, v1  }
0x82: {  	v2 =	vsel vm5, $0x288, v2;
	v0 =	vsel vm2, $0x307, v0;
	v1 =	vsel vm1, $0x38B, v1  }
0x83: {  	v2 =	vsel vm3, $0x309, v2;
	v0 =	vsel vm4, $0x348, v0;
	v1 =	vsel vm2, $0x40C, v1  }
0x84: {  	v23 =	vsel vm6, $0x389, v0;
	v0 =	vsel vm4, $0x48D, v1;
	v1 =	vsel vm0, $0x38A, v2  }
0x85: {  	v26 =	vsel vm6, $0x50E, v0;
	v0 =	vsel vm1, $0x40B, v1;
	v1 =	vimm.s32 $0x68F  }
0x86: {  	v3 =	vimm.s32 $0xCF8E4D0C;
	v1 =	vsel vm14, $0x700, v1  }
0x87: {  	v2 =	vimm.s32 $0x70F;
	v0 =	vsel vm2, $0x48C, v0;
	v1 =	vsel vm13, $0x781, v1  }
0x88: {  	v2 =	vsel vm14, $0x780, v2;
	v0 =	vsel vm4, $0x50D, v0;
	v1 =	vsel vm12, $0x2, v1  }
0x89: {  	v2 =	vsel vm13, $0x1, v2;
	v0 =	vsel vm6, $0x58E, v0;
	v1 =	vsel vm11, $0x83, v1  }
0x8a: {  	v3 =	vunpack.c.0.s8.s32 v3;
	v2 =	vsel vm12, $0x82, v2;
	[tilespmem:$0x1FCC0] =	vst v0;
	v0 =	vsel vm10, $0x104, v1  }
0x8b: {  	v8 =	vimm.s32 $0xC281400F;
	v1 =	vsel vm11, $0x103, v2;
	v0 =	vsel vm9, $0x185, v0  }
0x8c: {  	v2 =	vand.u32 $0xFF, v3;
	v1 =	vsel vm10, $0x184, v1;
	v0 =	vsel vm8, $0x206, v0  }
0x8d: {  	v2 =	vnsel vm15, $0x3CB, v2;
	v1 =	vsel vm9, $0x205, v1;
	v0 =	vsel vm7, $0x287, v0  }
0x8e: {  	v2 =	vsel vm10, $0x100, v2;
	v1 =	vsel vm8, $0x286, v1;
	v0 =	vsel vm5, $0x308, v0  }
0x8f: {  	v2 =	vsel vm9, $0x141, v2;
	v1 =	vsel vm7, $0x307, v1;
	v0 =	vsel vm3, $0x389, v0  }
0x90: {  	v2 =	vsel vm8, $0x182, v2;
	v1 =	vsel vm5, $0x388, v1;
	v0 =	vsel vm0, $0x40A, v0  }
0x91: {  	v2 =	vsel vm7, $0x1C3, v2;
	v1 =	vsel vm3, $0x409, v1;
	v0 =	vsel vm1, $0x48B, v0  }
0x92: {  	v2 =	vsel vm5, $0x204, v2;
	v1 =	vsel vm0, $0x48A, v1;
	v0 =	vsel vm2, $0x50C, v0  }
0x93: {  	v2 =	vsel vm3, $0x245, v2;
	v1 =	vsel vm1, $0x50B, v1;
	v0 =	vsel vm4, $0x58D, v0  }
0x94: {  	v2 =	vsel vm0, $0x286, v2;
	v1 =	vsel vm2, $0x58C, v1;
	v46 =	vsel vm6, $0x60E, v0  }
0x95: {  	v0 =	vsel vm4, $0x60D, v1;
	v1 =	vsel vm1, $0x2C7, v2;
	v2 =	vimm.s32 $0xC08F4E0D  }
0x96: {  	v1 =	vsel vm2, $0x308, v1;
	v2 =	vunpack.c.0.s8.s32 v2;
	v0 =	vsel vm6, $0x68E, v0  }
0x97: {  	[tilespmem:$0x1FCD0] =	vst v0;
	v0 =	vsel vm4, $0x349, v1;
	v1 =	vunpack.c.0.s8.s32 v8  }
0x98: {  	v3 =	vimm.s32 $0xC1804F0E;
	v28 =	vsel vm6, $0x38A, v0;
	v0 =	vand.u32 $0xFF, v2  }
0x99: {  	v3 =	vunpack.c.0.s8.s32 v3;
	v0 =	vnsel vm15, $0x3CC, v0;
	v1 =	vand.u32 $0xFF, v1  }
0x9a: {  	v0 =	vsel vm10, $0x101, v0;
	v1 =	vnsel vm15, $0x3CE, v1  }
0x9b: {  	v2 =	vand.u32 $0xFF, v3;
	v0 =	vsel vm9, $0x142, v0;
	v1 =	vsel vm10, $0x103, v1  }
0x9c: {  	v2 =	vnsel vm15, $0x3CD, v2;
	v0 =	vsel vm8, $0x183, v0;
	v1 =	vsel vm9, $0x144, v1  }
0x9d: {  	v2 =	vsel vm10, $0x102, v2;
	v0 =	vsel vm7, $0x1C4, v0;
	v1 =	vsel vm8, $0x185, v1  }
0x9e: {  	v2 =	vsel vm9, $0x143, v2;
	v0 =	vsel vm5, $0x205, v0;
	v1 =	vsel vm7, $0x1C6, v1  }
0x9f: {  	v2 =	vsel vm8, $0x184, v2;
	v0 =	vsel vm3, $0x246, v0;
	v1 =	vsel vm5, $0x207, v1  }
0xa0: {  	v2 =	vsel vm7, $0x1C5, v2;
	v0 =	vsel vm0, $0x287, v0;
	v1 =	vsel vm3, $0x248, v1  }
0xa1: {  	v2 =	vsel vm5, $0x206, v2;
	v0 =	vsel vm1, $0x2C8, v0;
	v1 =	vsel vm0, $0x289, v1  }
0xa2: {  	v2 =	vsel vm3, $0x247, v2;
	v0 =	vsel vm2, $0x309, v0;
	v1 =	vsel vm1, $0x2CA, v1  }
0xa3: {  	v2 =	vsel vm0, $0x288, v2;
	v0 =	vsel vm4, $0x34A, v0;
	v1 =	vsel vm2, $0x30B, v1  }
0xa4: {  	v2 =	vsel vm1, $0x2C9, v2;
	v29 =	vsel vm6, $0x38B, v0;
	v0 =	vsel vm4, $0x34C, v1  }
0xa5: {  	v2 =	vsel vm2, $0x30A, v2;
	v31 =	vsel vm6, $0x38D, v0;
	v0 =	vimm.s32 $0x80F  }
0xa6: {  	v2 =	vsel vm4, $0x34B, v2;
	v0 =	vsel vm14, $0x880, v0  }
0xa7: {  	v30 =	vsel vm6, $0x38C, v2;
	v2 =	vimm.s32 $0x90F;
	v0 =	vsel vm13, $0x901, v0  }
0xa8: {  	v2 =	vsel vm14, $0x980, v2;
	v0 =	vsel vm12, $0x982, v0  }
0xa9: {  	v1 =	vimm.s32 $0x88F;
	v2 =	vsel vm13, $0xA01, v2;
	v0 =	vsel vm11, $0xA03, v0  }
0xaa: {  	v1 =	vsel vm14, $0x900, v1;
	v2 =	vsel vm12, $0xA82, v2;
	v0 =	vsel vm10, $0xA84, v0  }
0xab: {  	v1 =	vsel vm13, $0x981, v1;
	v2 =	vsel vm11, $0xB03, v2;
	v0 =	vsel vm9, $0xB05, v0  }
0xac: {  	v1 =	vsel vm12, $0xA02, v1;
	v2 =	vsel vm10, $0xB84, v2;
	v0 =	vsel vm8, $0xB86, v0  }
0xad: {  	v1 =	vsel vm11, $0xA83, v1;
	v2 =	vsel vm9, $0xC05, v2;
	v0 =	vsel vm7, $0xC07, v0  }
0xae: {  	v1 =	vsel vm10, $0xB04, v1;
	v2 =	vsel vm8, $0xC86, v2;
	v0 =	vsel vm5, $0xC88, v0  }
0xaf: {  	v1 =	vsel vm9, $0xB85, v1;
	v2 =	vsel vm7, $0xD07, v2;
	v0 =	vsel vm3, $0xD09, v0  }
0xb0: {  	v1 =	vsel vm8, $0xC06, v1;
	v2 =	vsel vm5, $0xD88, v2;
	v0 =	vsel vm0, $0xD8A, v0  }
0xb1: {  	v1 =	vsel vm7, $0xC87, v1;
	v2 =	vsel vm3, $0xE09, v2;
	v0 =	vsel vm1, $0xE0B, v0  }
0xb2: {  	v1 =	vsel vm5, $0xD08, v1;
	v2 =	vsel vm0, $0xE8A, v2;
	v0 =	vsel vm2, $0xE8C, v0  }
0xb3: {  	v1 =	vsel vm3, $0xD89, v1;
	v2 =	vsel vm1, $0xF0B, v2;
	v0 =	vsel vm4, $0xF0D, v0  }
0xb4: {  	v1 =	vsel vm0, $0xE0A, v1;
	v2 =	vsel vm2, $0xF8C, v2;
	v0 =	vsel vm6, $0xF8E, v0  }
0xb5: {  	v1 =	vsel vm1, $0xE8B, v1;
	[tilespmem:$0x1FCE0] =	vst v0;
	v0 =	vsel vm4, $0x80D, v2  }
0xb6: {  	v1 =	vsel vm2, $0xF0C, v1;
	v0 =	vsel vm6, $0x88E, v0  }
0xb7: {  	v1 =	vsel vm4, $0xF8D, v1;
	[tilespmem:$0x1FCF0] =	vst v0;
	v0 =	vimm.s32 $0x98F  }
0xb8: {  	v50 =	vsel vm6, $0x80E, v1;
	v1 =	vimm.s32 $0xA0F;
	v0 =	vsel vm14, $0xA00, v0  }
0xb9: {  	v1 =	vsel vm14, $0xA80, v1;
	v0 =	vsel vm13, $0xA81, v0  }
0xba: {  	v2 =	vimm.s32 $0xA8F;
	v1 =	vsel vm13, $0xB01, v1;
	v0 =	vsel vm12, $0xB02, v0  }
0xbb: {  	v2 =	vsel vm14, $0xB00, v2;
	v1 =	vsel vm12, $0xB82, v1;
	v0 =	vsel vm11, $0xB83, v0  }
0xbc: {  	v2 =	vsel vm13, $0xB81, v2;
	v1 =	vsel vm11, $0xC03, v1;
	v0 =	vsel vm10, $0xC04, v0  }
0xbd: {  	v2 =	vsel vm12, $0xC02, v2;
	v1 =	vsel vm10, $0xC84, v1;
	v0 =	vsel vm9, $0xC85, v0  }
0xbe: {  	v2 =	vsel vm11, $0xC83, v2;
	v1 =	vsel vm9, $0xD05, v1;
	v0 =	vsel vm8, $0xD06, v0  }
0xbf: {  	v2 =	vsel vm10, $0xD04, v2;
	v1 =	vsel vm8, $0xD86, v1;
	v0 =	vsel vm7, $0xD87, v0  }
0xc0: {  	v2 =	vsel vm9, $0xD85, v2;
	v1 =	vsel vm7, $0xE07, v1;
	v0 =	vsel vm5, $0xE08, v0  }
0xc1: {  	v2 =	vsel vm8, $0xE06, v2;
	v1 =	vsel vm5, $0xE88, v1;
	v0 =	vsel vm3, $0xE89, v0  }
0xc2: {  	v2 =	vsel vm7, $0xE87, v2;
	v1 =	vsel vm3, $0xF09, v1;
	v0 =	vsel vm0, $0xF0A, v0  }
0xc3: {  	v2 =	vsel vm5, $0xF08, v2;
	v1 =	vsel vm0, $0xF8A, v1;
	v0 =	vsel vm1, $0xF8B, v0  }
0xc4: {  	v2 =	vsel vm3, $0xF89, v2;
	v1 =	vsel vm1, $0x80B, v1;
	v0 =	vsel vm2, $0x80C, v0  }
0xc5: {  	v2 =	vsel vm0, $0x80A, v2;
	v1 =	vsel vm2, $0x88C, v1;
	v0 =	vsel vm4, $0x88D, v0  }
0xc6: {  	v2 =	vsel vm1, $0x88B, v2;
	v1 =	vsel vm4, $0x90D, v1;
	v0 =	vsel vm6, $0x90E, v0  }
0xc7: {  	v2 =	vsel vm2, $0x90C, v2;
	[tilespmem:$0x1FD00] =	vst v0;
	v0 =	vsel vm6, $0x98E, v1  }
0xc8: {  	[tilespmem:$0x1FD10] =	vst v0;
	v0 =	vsel vm4, $0x98D, v2  }
0xc9: {  	v0 =	vsel vm6, $0xA0E, v0  }
0xca: {  	[tilespmem:$0x1FD20] =	vst v0;
	v0 =	vimm.s32 $0xB0F  }
0xcb: {  	v1 =	vimm.s32 $0xB8F;
	v0 =	vsel vm14, $0xB80, v0  }
0xcc: {  	v1 =	vsel vm14, $0xC00, v1;
	v0 =	vsel vm13, $0xC01, v0  }
0xcd: {  	v2 =	vimm.s32 $0xC0F;
	v1 =	vsel vm13, $0xC81, v1;
	v0 =	vsel vm12, $0xC82, v0  }
0xce: {  	v2 =	vsel vm14, $0xC80, v2;
	v1 =	vsel vm12, $0xD02, v1;
	v0 =	vsel vm11, $0xD03, v0  }
0xcf: {  	v2 =	vsel vm13, $0xD01, v2;
	v1 =	vsel vm11, $0xD83, v1;
	v0 =	vsel vm10, $0xD84, v0  }
0xd0: {  	v2 =	vsel vm12, $0xD82, v2;
	v1 =	vsel vm10, $0xE04, v1;
	v0 =	vsel vm9, $0xE05, v0  }
0xd1: {  	v2 =	vsel vm11, $0xE03, v2;
	v1 =	vsel vm9, $0xE85, v1;
	v0 =	vsel vm8, $0xE86, v0  }
0xd2: {  	v2 =	vsel vm10, $0xE84, v2;
	v1 =	vsel vm8, $0xF06, v1;
	v0 =	vsel vm7, $0xF07, v0  }
0xd3: {  	v2 =	vsel vm9, $0xF05, v2;
	v1 =	vsel vm7, $0xF87, v1;
	v0 =	vsel vm5, $0xF88, v0  }
0xd4: {  	v2 =	vsel vm8, $0xF86, v2;
	v1 =	vsel vm5, $0x808, v1;
	v0 =	vsel vm3, $0x809, v0  }
0xd5: {  	v2 =	vsel vm7, $0x807, v2;
	v1 =	vsel vm3, $0x889, v1;
	v0 =	vsel vm0, $0x88A, v0  }
0xd6: {  	v2 =	vsel vm5, $0x888, v2;
	v1 =	vsel vm0, $0x90A, v1;
	v0 =	vsel vm1, $0x90B, v0  }
0xd7: {  	v2 =	vsel vm3, $0x909, v2;
	v1 =	vsel vm1, $0x98B, v1;
	v0 =	vsel vm2, $0x98C, v0  }
0xd8: {  	v2 =	vsel vm0, $0x98A, v2;
	v1 =	vsel vm2, $0xA0C, v1;
	v0 =	vsel vm4, $0xA0D, v0  }
0xd9: {  	v2 =	vsel vm1, $0xA0B, v2;
	v1 =	vsel vm4, $0xA8D, v1;
	v0 =	vsel vm6, $0xA8E, v0  }
0xda: {  	v2 =	vsel vm2, $0xA8C, v2;
	[tilespmem:$0x1FD30] =	vst v0;
	v0 =	vsel vm6, $0xB0E, v1  }
0xdb: {  	v9 =	vimm.s32 $0x1B8F;
	v10 =	vimm.s32 $0x1C0F;
	[tilespmem:$0x1FD40] =	vst v0;
	v0 =	vsel vm4, $0xB0D, v2  }
0xdc: {  	v11 =	vimm.s32 $0x1C8F;
	v8 =	vsel vm6, $0xB8E, v0;
	v0 =	vimm.s32 $0xC8F  }
0xdd: {  	v16 =	vimm.s32 $0x1D0F;
	v17 =	vimm.s32 $0x1D8F;
	v0 =	vsel vm14, $0xD00, v0  }
0xde: {  	v19 =	vimm.s32 $0x1E8F;
	v2 =	vimm.s32 $0xD8F;
	v0 =	vsel vm13, $0xD81, v0  }
0xdf: {  	v24 =	vimm.s32 $0x1F0F;
	v2 =	vsel vm14, $0xE00, v2;
	v0 =	vsel vm12, $0xE02, v0  }
0xe0: {  	v1 =	vimm.s32 $0xD0F;
	v2 =	vsel vm13, $0xE81, v2;
	v0 =	vsel vm11, $0xE83, v0  }
0xe1: {  	v1 =	vsel vm14, $0xD80, v1;
	v2 =	vsel vm12, $0xF02, v2;
	v0 =	vsel vm10, $0xF04, v0  }
0xe2: {  	v1 =	vsel vm13, $0xE01, v1;
	v2 =	vsel vm11, $0xF83, v2;
	v0 =	vsel vm9, $0xF85, v0  }
0xe3: {  	v1 =	vsel vm12, $0xE82, v1;
	v2 =	vsel vm10, $0x804, v2;
	v0 =	vsel vm8, $0x806, v0  }
0xe4: {  	v1 =	vsel vm11, $0xF03, v1;
	v2 =	vsel vm9, $0x885, v2;
	v0 =	vsel vm7, $0x887, v0  }
0xe5: {  	v1 =	vsel vm10, $0xF84, v1;
	v2 =	vsel vm8, $0x906, v2;
	v0 =	vsel vm5, $0x908, v0  }
0xe6: {  	v1 =	vsel vm9, $0x805, v1;
	v2 =	vsel vm7, $0x987, v2;
	v0 =	vsel vm3, $0x989, v0  }
0xe7: {  	v1 =	vsel vm8, $0x886, v1;
	v2 =	vsel vm5, $0xA08, v2;
	v0 =	vsel vm0, $0xA0A, v0  }
0xe8: {  	v1 =	vsel vm7, $0x907, v1;
	v2 =	vsel vm3, $0xA89, v2;
	v0 =	vsel vm1, $0xA8B, v0  }
0xe9: {  	v1 =	vsel vm5, $0x988, v1;
	v2 =	vsel vm0, $0xB0A, v2;
	v0 =	vsel vm2, $0xB0C, v0  }
0xea: {  	v1 =	vsel vm3, $0xA09, v1;
	v2 =	vsel vm1, $0xB8B, v2;
	v0 =	vsel vm4, $0xB8D, v0  }
0xeb: {  	v1 =	vsel vm0, $0xA8A, v1;
	v2 =	vsel vm2, $0xC0C, v2;
	v0 =	vsel vm6, $0xC0E, v0  }
0xec: {  	v9 =	vsel vm14, $0x1C00, v9;
	v1 =	vsel vm1, $0xB0B, v1;
	[tilespmem:$0x1FD50] =	vst v0;
	v0 =	vsel vm4, $0xC8D, v2  }
0xed: {  	v1 =	vsel vm2, $0xB8C, v1;
	v32 =	vsel vm6, $0xD0E, v0;
	v0 =	vimm.s32 $0xE0F  }
0xee: {  	v1 =	vsel vm4, $0xC0D, v1;
	v2 =	vimm.s32 $0xF0F;
	v0 =	vsel vm14, $0xE80, v0  }
0xef: {  	v27 =	vsel vm6, $0xC8E, v1;
	v2 =	vsel vm14, $0xF80, v2;
	v0 =	vsel vm13, $0xF01, v0  }
0xf0: {  	v1 =	vimm.s32 $0xE8F;
	v2 =	vsel vm13, $0x801, v2;
	v0 =	vsel vm12, $0xF82, v0  }
0xf1: {  	v1 =	vsel vm14, $0xF00, v1;
	v2 =	vsel vm12, $0x882, v2;
	v0 =	vsel vm11, $0x803, v0  }
0xf2: {  	v1 =	vsel vm13, $0xF81, v1;
	v2 =	vsel vm11, $0x903, v2;
	v0 =	vsel vm10, $0x884, v0  }
0xf3: {  	v1 =	vsel vm12, $0x802, v1;
	v2 =	vsel vm10, $0x984, v2;
	v0 =	vsel vm9, $0x905, v0  }
0xf4: {  	v1 =	vsel vm11, $0x883, v1;
	v2 =	vsel vm9, $0xA05, v2;
	v0 =	vsel vm8, $0x986, v0  }
0xf5: {  	v1 =	vsel vm10, $0x904, v1;
	v2 =	vsel vm8, $0xA86, v2;
	v0 =	vsel vm7, $0xA07, v0  }
0xf6: {  	v1 =	vsel vm9, $0x985, v1;
	v2 =	vsel vm7, $0xB07, v2;
	v0 =	vsel vm5, $0xA88, v0  }
0xf7: {  	v1 =	vsel vm8, $0xA06, v1;
	v2 =	vsel vm5, $0xB88, v2;
	v0 =	vsel vm3, $0xB09, v0  }
0xf8: {  	v1 =	vsel vm7, $0xA87, v1;
	v2 =	vsel vm3, $0xC09, v2;
	v0 =	vsel vm0, $0xB8A, v0  }
0xf9: {  	v1 =	vsel vm5, $0xB08, v1;
	v2 =	vsel vm0, $0xC8A, v2;
	v0 =	vsel vm1, $0xC0B, v0  }
0xfa: {  	v1 =	vsel vm3, $0xB89, v1;
	v2 =	vsel vm1, $0xD0B, v2;
	v0 =	vsel vm2, $0xC8C, v0  }
0xfb: {  	v1 =	vsel vm0, $0xC0A, v1;
	v2 =	vsel vm2, $0xD8C, v2;
	v0 =	vsel vm4, $0xD0D, v0  }
0xfc: {  	v1 =	vsel vm1, $0xC8B, v1;
	v33 =	vsel vm6, $0xD8E, v0;
	v0 =	vsel vm4, $0xE0D, v2  }
0xfd: {  	v1 =	vsel vm2, $0xD0C, v1;
	v35 =	vsel vm6, $0xE8E, v0;
	v0 =	vimm.s32 $0x100F  }
0xfe: {  	v1 =	vsel vm4, $0xD8D, v1;
	v2 =	vimm.s32 $0x110F;
	v0 =	vsel vm14, $0x1080, v0  }
0xff: {  	v34 =	vsel vm6, $0xE0E, v1;
	v2 =	vsel vm14, $0x1180, v2;
	v0 =	vsel vm13, $0x1101, v0  }
0x100: {  	v1 =	vimm.s32 $0x108F;
	v2 =	vsel vm13, $0x1201, v2;
	v0 =	vsel vm12, $0x1182, v0  }
0x101: {  	v1 =	vsel vm14, $0x1100, v1;
	v2 =	vsel vm12, $0x1282, v2;
	v0 =	vsel vm11, $0x1203, v0  }
0x102: {  	v1 =	vsel vm13, $0x1181, v1;
	v2 =	vsel vm11, $0x1303, v2;
	v0 =	vsel vm10, $0x1284, v0  }
0x103: {  	v1 =	vsel vm12, $0x1202, v1;
	v2 =	vsel vm10, $0x1384, v2;
	v0 =	vsel vm9, $0x1305, v0  }
0x104: {  	v1 =	vsel vm11, $0x1283, v1;
	v2 =	vsel vm9, $0x1405, v2;
	v0 =	vsel vm8, $0x1386, v0  }
0x105: {  	v1 =	vsel vm10, $0x1304, v1;
	v2 =	vsel vm8, $0x1486, v2;
	v0 =	vsel vm7, $0x1407, v0  }
0x106: {  	v1 =	vsel vm9, $0x1385, v1;
	v2 =	vsel vm7, $0x1507, v2;
	v0 =	vsel vm5, $0x1488, v0  }
0x107: {  	v1 =	vsel vm8, $0x1406, v1;
	v2 =	vsel vm5, $0x1588, v2;
	v0 =	vsel vm3, $0x1509, v0  }
0x108: {  	v1 =	vsel vm7, $0x1487, v1;
	v2 =	vsel vm3, $0x1609, v2;
	v0 =	vsel vm0, $0x158A, v0  }
0x109: {  	v1 =	vsel vm5, $0x1508, v1;
	v2 =	vsel vm0, $0x168A, v2;
	v0 =	vsel vm1, $0x160B, v0  }
0x10a: {  	v1 =	vsel vm3, $0x1589, v1;
	v2 =	vsel vm1, $0x170B, v2;
	v0 =	vsel vm2, $0x168C, v0  }
0x10b: {  	v1 =	vsel vm0, $0x160A, v1;
	v2 =	vsel vm2, $0x178C, v2;
	v0 =	vsel vm4, $0x170D, v0  }
0x10c: {  	v1 =	vsel vm1, $0x168B, v1;
	v36 =	vsel vm6, $0x178E, v0;
	v0 =	vsel vm4, $0x100D, v2  }
0x10d: {  	v10 =	vsel vm14, $0x1C80, v10;
	v1 =	vsel vm2, $0x170C, v1;
	v0 =	vsel vm6, $0x108E, v0  }
0x10e: {  	v11 =	vsel vm14, $0x1D00, v11;
	v1 =	vsel vm4, $0x178D, v1;
	[tilespmem:$0x1FD60] =	vst v0;
	v0 =	vimm.s32 $0x118F  }
0x10f: {  	v37 =	vsel vm6, $0x100E, v1;
	v1 =	vimm.s32 $0x120F;
	v0 =	vsel vm14, $0x1200, v0  }
0x110: {  	v16 =	vsel vm14, $0x1D80, v16;
	v1 =	vsel vm14, $0x1280, v1;
	v0 =	vsel vm13, $0x1281, v0  }
0x111: {  	v1 =	vsel vm13, $0x1301, v1;
	v2 =	vimm.s32 $0x128F;
	v0 =	vsel vm12, $0x1302, v0  }
0x112: {  	v1 =	vsel vm12, $0x1382, v1;
	v2 =	vsel vm14, $0x1300, v2;
	v0 =	vsel vm11, $0x1383, v0  }
0x113: {  	v1 =	vsel vm11, $0x1403, v1;
	v2 =	vsel vm13, $0x1381, v2;
	v0 =	vsel vm10, $0x1404, v0  }
0x114: {  	v1 =	vsel vm10, $0x1484, v1;
	v2 =	vsel vm12, $0x1402, v2;
	v0 =	vsel vm9, $0x1485, v0  }
0x115: {  	v1 =	vsel vm9, $0x1505, v1;
	v2 =	vsel vm11, $0x1483, v2;
	v0 =	vsel vm8, $0x1506, v0  }
0x116: {  	v1 =	vsel vm8, $0x1586, v1;
	v2 =	vsel vm10, $0x1504, v2;
	v0 =	vsel vm7, $0x1587, v0  }
0x117: {  	v1 =	vsel vm7, $0x1607, v1;
	v2 =	vsel vm9, $0x1585, v2;
	v0 =	vsel vm5, $0x1608, v0  }
0x118: {  	v1 =	vsel vm5, $0x1688, v1;
	v2 =	vsel vm8, $0x1606, v2;
	v0 =	vsel vm3, $0x1689, v0  }
0x119: {  	v1 =	vsel vm3, $0x1709, v1;
	v2 =	vsel vm7, $0x1687, v2;
	v0 =	vsel vm0, $0x170A, v0  }
0x11a: {  	v1 =	vsel vm0, $0x178A, v1;
	v2 =	vsel vm5, $0x1708, v2;
	v0 =	vsel vm1, $0x178B, v0  }
0x11b: {  	v1 =	vsel vm1, $0x100B, v1;
	v2 =	vsel vm3, $0x1789, v2;
	v0 =	vsel vm2, $0x100C, v0  }
0x11c: {  	v1 =	vsel vm2, $0x108C, v1;
	v2 =	vsel vm0, $0x100A, v2;
	v0 =	vsel vm4, $0x108D, v0  }
0x11d: {  	v1 =	vsel vm4, $0x110D, v1;
	v2 =	vsel vm1, $0x108B, v2;
	v0 =	vsel vm6, $0x110E, v0  }
0x11e: {  	v17 =	vsel vm14, $0x1E00, v17;
	v2 =	vsel vm2, $0x110C, v2;
	[tilespmem:$0x1FD70] =	vst v0;
	v0 =	vsel vm6, $0x118E, v1  }
0x11f: {  	v19 =	vsel vm14, $0x1F00, v19;
	v24 =	vsel vm14, $0x1F80, v24;
	[tilespmem:$0x1FD80] =	vst v0;
	v0 =	vsel vm4, $0x118D, v2  }
0x120: {  	v9 =	vsel vm13, $0x1C81, v9;
	v10 =	vsel vm13, $0x1D01, v10;
	v0 =	vsel vm6, $0x120E, v0  }
0x121: {  	v11 =	vsel vm13, $0x1D81, v11;
	v16 =	vsel vm13, $0x1E01, v16;
	[tilespmem:$0x1FD90] =	vst v0;
	v0 =	vimm.s32 $0x130F  }
0x122: {  	v17 =	vsel vm13, $0x1E81, v17;
	v1 =	vimm.s32 $0x138F;
	v0 =	vsel vm14, $0x1380, v0  }
0x123: {  	v19 =	vsel vm13, $0x1F81, v19;
	v1 =	vsel vm14, $0x1400, v1;
	v0 =	vsel vm13, $0x1401, v0  }
0x124: {  	v2 =	vimm.s32 $0x140F;
	v1 =	vsel vm13, $0x1481, v1;
	v0 =	vsel vm12, $0x1482, v0  }
0x125: {  	v2 =	vsel vm14, $0x1480, v2;
	v1 =	vsel vm12, $0x1502, v1;
	v0 =	vsel vm11, $0x1503, v0  }
0x126: {  	v2 =	vsel vm13, $0x1501, v2;
	v1 =	vsel vm11, $0x1583, v1;
	v0 =	vsel vm10, $0x1584, v0  }
0x127: {  	v2 =	vsel vm12, $0x1582, v2;
	v1 =	vsel vm10, $0x1604, v1;
	v0 =	vsel vm9, $0x1605, v0  }
0x128: {  	v2 =	vsel vm11, $0x1603, v2;
	v1 =	vsel vm9, $0x1685, v1;
	v0 =	vsel vm8, $0x1686, v0  }
0x129: {  	v2 =	vsel vm10, $0x1684, v2;
	v1 =	vsel vm8, $0x1706, v1;
	v0 =	vsel vm7, $0x1707, v0  }
0x12a: {  	v2 =	vsel vm9, $0x1705, v2;
	v1 =	vsel vm7, $0x1787, v1;
	v0 =	vsel vm5, $0x1788, v0  }
0x12b: {  	v2 =	vsel vm8, $0x1786, v2;
	v1 =	vsel vm5, $0x1008, v1;
	v0 =	vsel vm3, $0x1009, v0  }
0x12c: {  	v2 =	vsel vm7, $0x1007, v2;
	v1 =	vsel vm3, $0x1089, v1;
	v0 =	vsel vm0, $0x108A, v0  }
0x12d: {  	v2 =	vsel vm5, $0x1088, v2;
	v1 =	vsel vm0, $0x110A, v1;
	v0 =	vsel vm1, $0x110B, v0  }
0x12e: {  	v2 =	vsel vm3, $0x1109, v2;
	v1 =	vsel vm1, $0x118B, v1;
	v0 =	vsel vm2, $0x118C, v0  }
0x12f: {  	v2 =	vsel vm0, $0x118A, v2;
	v1 =	vsel vm2, $0x120C, v1;
	v0 =	vsel vm4, $0x120D, v0  }
0x130: {  	v2 =	vsel vm1, $0x120B, v2;
	v1 =	vsel vm4, $0x128D, v1;
	v0 =	vsel vm6, $0x128E, v0  }
0x131: {  	v24 =	vsel vm13, $0x1801, v24;
	v2 =	vsel vm2, $0x128C, v2;
	[tilespmem:$0x1FDA0] =	vst v0;
	v0 =	vsel vm6, $0x130E, v1  }
0x132: {  	v9 =	vsel vm12, $0x1D02, v9;
	v10 =	vsel vm12, $0x1D82, v10;
	[tilespmem:$0x1FDB0] =	vst v0;
	v0 =	vsel vm4, $0x130D, v2  }
0x133: {  	v11 =	vsel vm12, $0x1E02, v11;
	v16 =	vsel vm12, $0x1E82, v16;
	v0 =	vsel vm6, $0x138E, v0  }
0x134: {  	v17 =	vsel vm12, $0x1F02, v17;
	v19 =	vsel vm12, $0x1802, v19;
	[tilespmem:$0x1FDC0] =	vst v0;
	v0 =	vimm.s32 $0x148F  }
0x135: {  	v24 =	vsel vm12, $0x1882, v24;
	v1 =	vimm.s32 $0x150F;
	v0 =	vsel vm14, $0x1500, v0  }
0x136: {  	v9 =	vsel vm11, $0x1D83, v9;
	v1 =	vsel vm14, $0x1580, v1;
	v0 =	vsel vm13, $0x1581, v0  }
0x137: {  	v2 =	vimm.s32 $0x158F;
	v1 =	vsel vm13, $0x1601, v1;
	v0 =	vsel vm12, $0x1602, v0  }
0x138: {  	v2 =	vsel vm14, $0x1600, v2;
	v1 =	vsel vm12, $0x1682, v1;
	v0 =	vsel vm11, $0x1683, v0  }
0x139: {  	v2 =	vsel vm13, $0x1681, v2;
	v1 =	vsel vm11, $0x1703, v1;
	v0 =	vsel vm10, $0x1704, v0  }
0x13a: {  	v2 =	vsel vm12, $0x1702, v2;
	v1 =	vsel vm10, $0x1784, v1;
	v0 =	vsel vm9, $0x1785, v0  }
0x13b: {  	v2 =	vsel vm11, $0x1783, v2;
	v1 =	vsel vm9, $0x1005, v1;
	v0 =	vsel vm8, $0x1006, v0  }
0x13c: {  	v2 =	vsel vm10, $0x1004, v2;
	v1 =	vsel vm8, $0x1086, v1;
	v0 =	vsel vm7, $0x1087, v0  }
0x13d: {  	v2 =	vsel vm9, $0x1085, v2;
	v1 =	vsel vm7, $0x1107, v1;
	v0 =	vsel vm5, $0x1108, v0  }
0x13e: {  	v2 =	vsel vm8, $0x1106, v2;
	v1 =	vsel vm5, $0x1188, v1;
	v0 =	vsel vm3, $0x1189, v0  }
0x13f: {  	v2 =	vsel vm7, $0x1187, v2;
	v1 =	vsel vm3, $0x1209, v1;
	v0 =	vsel vm0, $0x120A, v0  }
0x140: {  	v2 =	vsel vm5, $0x1208, v2;
	v1 =	vsel vm0, $0x128A, v1;
	v0 =	vsel vm1, $0x128B, v0  }
0x141: {  	v2 =	vsel vm3, $0x1289, v2;
	v1 =	vsel vm1, $0x130B, v1;
	v0 =	vsel vm2, $0x130C, v0  }
0x142: {  	v2 =	vsel vm0, $0x130A, v2;
	v1 =	vsel vm2, $0x138C, v1;
	v0 =	vsel vm4, $0x138D, v0  }
0x143: {  	v2 =	vsel vm1, $0x138B, v2;
	v1 =	vsel vm4, $0x140D, v1;
	v0 =	vsel vm6, $0x140E, v0  }
0x144: {  	v10 =	vsel vm11, $0x1E03, v10;
	v2 =	vsel vm2, $0x140C, v2;
	[tilespmem:$0x1FDD0] =	vst v0;
	v0 =	vsel vm6, $0x148E, v1  }
0x145: {  	v11 =	vsel vm11, $0x1E83, v11;
	v16 =	vsel vm11, $0x1F03, v16;
	[tilespmem:$0x1FDE0] =	vst v0;
	v0 =	vsel vm4, $0x148D, v2  }
0x146: {  	v17 =	vsel vm11, $0x1F83, v17;
	v19 =	vsel vm11, $0x1883, v19;
	v0 =	vsel vm6, $0x150E, v0  }
0x147: {  	v24 =	vsel vm11, $0x1903, v24;
	v9 =	vsel vm10, $0x1E04, v9;
	[tilespmem:$0x1FDF0] =	vst v0;
	v0 =	vimm.s32 $0x160F  }
0x148: {  	v10 =	vsel vm10, $0x1E84, v10;
	v1 =	vimm.s32 $0x168F;
	v0 =	vsel vm14, $0x1680, v0  }
0x149: {  	v11 =	vsel vm10, $0x1F04, v11;
	v1 =	vsel vm14, $0x1700, v1;
	v0 =	vsel vm13, $0x1701, v0  }
0x14a: {  	v2 =	vimm.s32 $0x170F;
	v1 =	vsel vm13, $0x1781, v1;
	v0 =	vsel vm12, $0x1782, v0  }
0x14b: {  	v2 =	vsel vm14, $0x1780, v2;
	v1 =	vsel vm12, $0x1002, v1;
	v0 =	vsel vm11, $0x1003, v0  }
0x14c: {  	v2 =	vsel vm13, $0x1001, v2;
	v1 =	vsel vm11, $0x1083, v1;
	v0 =	vsel vm10, $0x1084, v0  }
0x14d: {  	v2 =	vsel vm12, $0x1082, v2;
	v1 =	vsel vm10, $0x1104, v1;
	v0 =	vsel vm9, $0x1105, v0  }
0x14e: {  	v2 =	vsel vm11, $0x1103, v2;
	v1 =	vsel vm9, $0x1185, v1;
	v0 =	vsel vm8, $0x1186, v0  }
0x14f: {  	v2 =	vsel vm10, $0x1184, v2;
	v1 =	vsel vm8, $0x1206, v1;
	v0 =	vsel vm7, $0x1207, v0  }
0x150: {  	v2 =	vsel vm9, $0x1205, v2;
	v1 =	vsel vm7, $0x1287, v1;
	v0 =	vsel vm5, $0x1288, v0  }
0x151: {  	v2 =	vsel vm8, $0x1286, v2;
	v1 =	vsel vm5, $0x1308, v1;
	v0 =	vsel vm3, $0x1309, v0  }
0x152: {  	v2 =	vsel vm7, $0x1307, v2;
	v1 =	vsel vm3, $0x1389, v1;
	v0 =	vsel vm0, $0x138A, v0  }
0x153: {  	v2 =	vsel vm5, $0x1388, v2;
	v1 =	vsel vm0, $0x140A, v1;
	v0 =	vsel vm1, $0x140B, v0  }
0x154: {  	v2 =	vsel vm3, $0x1409, v2;
	v1 =	vsel vm1, $0x148B, v1;
	v0 =	vsel vm2, $0x148C, v0  }
0x155: {  	v2 =	vsel vm0, $0x148A, v2;
	v1 =	vsel vm2, $0x150C, v1;
	v0 =	vsel vm4, $0x150D, v0  }
0x156: {  	v2 =	vsel vm1, $0x150B, v2;
	v1 =	vsel vm4, $0x158D, v1;
	v0 =	vsel vm6, $0x158E, v0  }
0x157: {  	v16 =	vsel vm10, $0x1F84, v16;
	v2 =	vsel vm2, $0x158C, v2;
	[tilespmem:$0x1FE00] =	vst v0;
	v0 =	vsel vm6, $0x160E, v1  }
0x158: {  	v17 =	vsel vm10, $0x1804, v17;
	v19 =	vsel vm10, $0x1904, v19;
	[tilespmem:$0x1FE10] =	vst v0;
	v0 =	vsel vm4, $0x160D, v2  }
0x159: {  	v1 =	vimm.s32 $0x188F;
	v25 =	vsel vm6, $0x168E, v0;
	v0 =	vimm.s32 $0x180F  }
0x15a: {  	v1 =	vsel vm14, $0x1900, v1;
	v2 =	vimm.s32 $0x190F;
	v0 =	vsel vm14, $0x1880, v0  }
0x15b: {  	v1 =	vsel vm13, $0x1981, v1;
	v2 =	vsel vm14, $0x1980, v2;
	v0 =	vsel vm13, $0x1901, v0  }
0x15c: {  	v1 =	vsel vm12, $0x1A02, v1;
	v2 =	vsel vm13, $0x1A01, v2;
	v0 =	vsel vm12, $0x1982, v0  }
0x15d: {  	v1 =	vsel vm11, $0x1A83, v1;
	v2 =	vsel vm12, $0x1A82, v2;
	v0 =	vsel vm11, $0x1A03, v0  }
0x15e: {  	v1 =	vsel vm10, $0x1B04, v1;
	v2 =	vsel vm11, $0x1B03, v2;
	v0 =	vsel vm10, $0x1A84, v0  }
0x15f: {  	v1 =	vsel vm9, $0x1B85, v1;
	v2 =	vsel vm10, $0x1B84, v2;
	v0 =	vsel vm9, $0x1B05, v0  }
0x160: {  	v1 =	vsel vm8, $0x1C06, v1;
	v2 =	vsel vm9, $0x1C05, v2;
	v0 =	vsel vm8, $0x1B86, v0  }
0x161: {  	v1 =	vsel vm7, $0x1C87, v1;
	v2 =	vsel vm8, $0x1C86, v2;
	v0 =	vsel vm7, $0x1C07, v0  }
0x162: {  	v1 =	vsel vm5, $0x1D08, v1;
	v2 =	vsel vm7, $0x1D07, v2;
	v0 =	vsel vm5, $0x1C88, v0  }
0x163: {  	v1 =	vsel vm3, $0x1D89, v1;
	v2 =	vsel vm5, $0x1D88, v2;
	v0 =	vsel vm3, $0x1D09, v0  }
0x164: {  	v1 =	vsel vm0, $0x1E0A, v1;
	v2 =	vsel vm3, $0x1E09, v2;
	v0 =	vsel vm0, $0x1D8A, v0  }
0x165: {  	v1 =	vsel vm1, $0x1E8B, v1;
	v2 =	vsel vm0, $0x1E8A, v2;
	v0 =	vsel vm1, $0x1E0B, v0  }
0x166: {  	v1 =	vsel vm2, $0x1F0C, v1;
	v2 =	vsel vm1, $0x1F0B, v2;
	v0 =	vsel vm2, $0x1E8C, v0  }
0x167: {  	v1 =	vsel vm4, $0x1F8D, v1;
	v2 =	vsel vm2, $0x1F8C, v2;
	v0 =	vsel vm4, $0x1F0D, v0  }
0x168: {  	v47 =	vsel vm6, $0x1F8E, v0;
	v0 =	vsel vm4, $0x180D, v2;
	v2 =	vimm.s32 $0x1A0F  }
0x169: {  	v45 =	vsel vm6, $0x180E, v1;
	v1 =	vimm.s32 $0x198F;
	v2 =	vsel vm14, $0x1A80, v2  }
0x16a: {  	v24 =	vsel vm10, $0x1984, v24;
	v1 =	vsel vm14, $0x1A00, v1;
	v2 =	vsel vm13, $0x1B01, v2  }
0x16b: {  	v9 =	vsel vm9, $0x1E85, v9;
	v1 =	vsel vm13, $0x1A81, v1;
	v2 =	vsel vm12, $0x1B82, v2  }
0x16c: {  	v10 =	vsel vm9, $0x1F05, v10;
	v1 =	vsel vm12, $0x1B02, v1;
	v2 =	vsel vm11, $0x1C03, v2  }
0x16d: {  	v11 =	vsel vm9, $0x1F85, v11;
	v1 =	vsel vm11, $0x1B83, v1;
	v2 =	vsel vm10, $0x1C84, v2  }
0x16e: {  	v16 =	vsel vm9, $0x1805, v16;
	v1 =	vsel vm10, $0x1C04, v1;
	v2 =	vsel vm9, $0x1D05, v2  }
0x16f: {  	v17 =	vsel vm9, $0x1885, v17;
	v1 =	vsel vm9, $0x1C85, v1;
	v2 =	vsel vm8, $0x1D86, v2  }
0x170: {  	v19 =	vsel vm9, $0x1985, v19;
	v1 =	vsel vm8, $0x1D06, v1;
	v2 =	vsel vm7, $0x1E07, v2  }
0x171: {  	v24 =	vsel vm9, $0x1A05, v24;
	v1 =	vsel vm7, $0x1D87, v1;
	v2 =	vsel vm5, $0x1E88, v2  }
0x172: {  	v9 =	vsel vm8, $0x1F06, v9;
	v1 =	vsel vm5, $0x1E08, v1;
	v2 =	vsel vm3, $0x1F09, v2  }
0x173: {  	v10 =	vsel vm8, $0x1F86, v10;
	v1 =	vsel vm3, $0x1E89, v1;
	v2 =	vsel vm0, $0x1F8A, v2  }
0x174: {  	v11 =	vsel vm8, $0x1806, v11;
	v1 =	vsel vm0, $0x1F0A, v1;
	v2 =	vsel vm1, $0x180B, v2  }
0x175: {  	v16 =	vsel vm8, $0x1886, v16;
	v1 =	vsel vm1, $0x1F8B, v1;
	v2 =	vsel vm2, $0x188C, v2  }
0x176: {  	v17 =	vsel vm8, $0x1906, v17;
	v1 =	vsel vm2, $0x180C, v1;
	v2 =	vsel vm4, $0x190D, v2  }
0x177: {  	v19 =	vsel vm8, $0x1A06, v19;
	v0 =	vsel vm6, $0x188E, v0;
	v1 =	vsel vm4, $0x188D, v1  }
0x178: {  	v24 =	vsel vm8, $0x1A86, v24;
	v9 =	vsel vm7, $0x1F87, v9;
	[tilespmem:$0x1FE20] =	vst v0;
	v0 =	vsel vm6, $0x190E, v1  }
0x179: {  	v10 =	vsel vm7, $0x1807, v10;
	[tilespmem:$0x1FE30] =	vst v0;
	v0 =	vsel vm6, $0x198E, v2;
	v2 =	vmovc v8;
	v8 =	vimm.s32 $0x1B0F  }
0x17a: {  	v11 =	vsel vm7, $0x1887, v11;
	v16 =	vsel vm7, $0x1907, v16;
	v8 =	vsel vm14, $0x1B80, v8  }
0x17b: {  	v17 =	vsel vm7, $0x1987, v17;
	v19 =	vsel vm7, $0x1A87, v19;
	v8 =	vsel vm13, $0x1C01, v8  }
0x17c: {  	v24 =	vsel vm7, $0x1B07, v24;
	v9 =	vsel vm5, $0x1808, v9;
	v8 =	vsel vm12, $0x1C82, v8  }
0x17d: {  	v10 =	vsel vm5, $0x1888, v10;
	v11 =	vsel vm5, $0x1908, v11;
	v8 =	vsel vm11, $0x1D03, v8  }
0x17e: {  	v16 =	vsel vm5, $0x1988, v16;
	v24 =	vsel vm5, $0x1B88, v24;
	v8 =	vsel vm10, $0x1D84, v8  }
0x17f: {  	v9 =	vsel vm3, $0x1889, v9;
	v10 =	vsel vm3, $0x1909, v10;
	v8 =	vsel vm9, $0x1E05, v8  }
0x180: {  	v16 =	vsel vm3, $0x1A09, v16;
	v24 =	vsel vm3, $0x1C09, v24;
	v8 =	vsel vm8, $0x1E86, v8  }
0x181: {  	v9 =	vsel vm0, $0x190A, v9;
	v10 =	vsel vm0, $0x198A, v10;
	v8 =	vsel vm7, $0x1F07, v8  }
0x182: {  	v16 =	vsel vm0, $0x1A8A, v16;
	v24 =	vsel vm0, $0x1C8A, v24;
	v8 =	vsel vm5, $0x1F88, v8  }
0x183: {  	v9 =	vsel vm1, $0x198B, v9;
	v10 =	vsel vm1, $0x1A0B, v10;
	v8 =	vsel vm3, $0x1809, v8  }
0x184: {  	v16 =	vsel vm1, $0x1B0B, v16;
	v24 =	vsel vm1, $0x1D0B, v24;
	v8 =	vsel vm0, $0x188A, v8  }
0x185: {  	v9 =	vsel vm2, $0x1A0C, v9;
	v10 =	vsel vm2, $0x1A8C, v10;
	v8 =	vsel vm1, $0x190B, v8  }
0x186: {  	v16 =	vsel vm2, $0x1B8C, v16;
	v3 =	vimm.s32 $0x1A8F;
	v8 =	vsel vm2, $0x198C, v8  }
0x187: {  	v24 =	vsel vm2, $0x1D8C, v24;
	v3 =	vsel vm14, $0x1B00, v3;
	v8 =	vsel vm4, $0x1A0D, v8  }
0x188: {  	v9 =	vsel vm4, $0x1A8D, v9;
	v3 =	vsel vm13, $0x1B81, v3;
	[tilespmem:$0x1FE40] =	vst v0;
	v1 =	vsel vm6, $0x1A8E, v8  }
0x189: {  	s0 =	rddreg [dreg:$0x0];
	v16 =	vsel vm4, $0x1C0D, v16;
	v3 =	vsel vm12, $0x1C02, v3;
	[tilespmem:$0x1FE50] =	vst v1;
	v1 =	vsel vm6, $0x1B0E, v9  }
0x18a: {  	s1 =	rddreg [dreg:$0x1];
	s5 =	srdreg.scid;
	v10 =	vsel vm4, $0x1B0D, v10;
	v3 =	vsel vm11, $0x1C83, v3;
	v9 =	vsel vm6, $0x1C8E, v16;
	[tilespmem:$0x1FE60] =	vst v1  }
0x18b: {  	s2 =	rddreg [dreg:$0x2];
	s6 =	sand.u32 $0x1, s5;
	s5 =	simm.s32 $0x0;
	v24 =	vsel vm4, $0x1E0D, v24;
	v3 =	vsel vm10, $0x1D04, v3;
	v1 =	vsel vm6, $0x1B8E, v10;
	[tilespmem:$0x1FE80] =	vst v9  }
0x18c: {  	[smem:$0x7FF] =	sst s5;
	v17 =	vsel vm5, $0x1A08, v17;
	v3 =	vsel vm9, $0x1D85, v3;
	v0 =	vsel vm6, $0x1E8E, v24;
	[tilespmem:$0x1FE70] =	vst v1  }
0x18d: {  	s4 =	rddreg [dreg:$0x3];
	v19 =	vsel vm5, $0x1B08, v19;
	v11 =	vsel vm3, $0x1989, v11;
	v3 =	vsel vm8, $0x1E06, v3;
	_ =	strace $0x80000047;
	[tilespmem:$0x1FE90] =	vst v0  }
0x18e: {  	v17 =	vsel vm3, $0x1A89, v17;
	v19 =	vsel vm3, $0x1B89, v19;
	v3 =	vsel vm7, $0x1E87, v3;
	[tilespmem:$0x1FEA0] =	vst v27  }
0x18f: {  	v11 =	vsel vm0, $0x1A0A, v11;
	v17 =	vsel vm0, $0x1B0A, v17;
	v3 =	vsel vm5, $0x1F08, v3;
	[tilespmem:$0x1FEB0] =	vst v32  }
0x190: {  	v19 =	vsel vm0, $0x1C0A, v19;
	v11 =	vsel vm1, $0x1A8B, v11;
	v3 =	vsel vm3, $0x1F89, v3;
	[tilespmem:$0x1FEC0] =	vst v33  }
0x191: {  	v17 =	vsel vm1, $0x1B8B, v17;
	v19 =	vsel vm1, $0x1C8B, v19;
	v3 =	vsel vm0, $0x180A, v3;
	[tilespmem:$0x1FED0] =	vst v34  }
0x192: {  	v11 =	vsel vm2, $0x1B0C, v11;
	v3 =	vsel vm1, $0x188B, v3;
	[tilespmem:$0x1FEE0] =	vst v35;
	v1 =	vmovc v18;
	v18 =	vimm.s32 $0x1E0F  }
0x193: {  	v17 =	vsel vm2, $0x1C0C, v17;
	v3 =	vsel vm2, $0x190C, v3;
	[tilespmem:$0x1FEF0] =	vst v36;
	v18 =	vsel vm14, $0x1E80, v18  }
0x194: {  	v19 =	vsel vm2, $0x1D0C, v19;
	v3 =	vsel vm4, $0x198D, v3;
	[tilespmem:$0x1FF00] =	vst v37;
	v18 =	vsel vm13, $0x1F01, v18  }
0x195: {  	v11 =	vsel vm4, $0x1B8D, v11;
	v3 =	vsel vm6, $0x1A0E, v3;
	[tilespmem:$0x1FF10] =	vst v2;
	v18 =	vsel vm12, $0x1F82, v18  }
0x196: {  	v19 =	vsel vm4, $0x1D8D, v19;
	v8 =	vsel vm6, $0x1C0E, v11;
	[tilespmem:$0x1FF20] =	vst v3;
	v18 =	vsel vm11, $0x1803, v18  }
0x197: {  	v17 =	vsel vm4, $0x1C8D, v17;
	v41 =	vsel vm6, $0x1E0E, v19;
	[tilespmem:$0x1FF30] =	vst v8;
	v18 =	vsel vm10, $0x1884, v18  }
0x198: {  	v9 =	vsel vm6, $0x1D0E, v17;
	[tilespmem:$0x1FF40] =	vst v41;
	v18 =	vsel vm9, $0x1905, v18  }
0x199: {  	[tilespmem:$0x1FF50] =	vst v9;
	v18 =	vsel vm8, $0x1986, v18  }
0x19a: {  	[tilespmem:$0x1FF70] =	vst v39;
	v18 =	vsel vm7, $0x1A07, v18  }
0x19b: {  	s3 =	stileid.u32;
	s11 =	simm.s32 $0x3;
	s12 =	simm.s32 $0x4;
	[tilespmem:$0x1FF90] =	vst v40;
	v18 =	vsel vm5, $0x1A88, v18  }
0x19c: {  	s14 =	simm.s32 $0x400;
	s15 =	simm.s32 $0x7A1400;
	s16 =	simm.s32 $0x1;
	[tilespmem:$0x1FFA0] =	vst v48;
	v18 =	vsel vm3, $0x1B09, v18  }
0x19d: {  	s17 =	simm.s32 $0x4000;
	s18 =	simm.s32 $0x2;
	s19 =	simm.s32 $0x2000;
	[tilespmem:$0x1FFB0] =	vst v26;
	v18 =	vsel vm0, $0x1B8A, v18  }
0x19e: {  	s20 =	simm.s32 $0x6000;
	s21 =	simm.s32 $0x0;
	s7 =	sshll.u32 s3, $0x1;
	[tilespmem:$0x1FFC0] =	vst v46;
	v18 =	vsel vm1, $0x1C0B, v18  }
.Ltmp0:
0x19f: {  	p0 =	sgt.u32 s3, $0x1;
	s8 =	ssub.s32 $0x2, s6;
	[tilespmem:$0x1FFD0] =	vst v45;
	v18 =	vsel vm2, $0x1C8C, v18;
	(pc) =	sbr.rel .LBB2_1-.Ltmp0, $4  }
0x1a0: {  	s6 =	sor.u32 s6, s7;
	s11 =	simm.s32 @!p0 $0x4;
	s12 =	simm.s32 @!p0 $0x3;
	[tilespmem:$0x1FFE0] =	vst v25;
	v18 =	vsel vm4, $0x1D0D, v18  }
0x1a1: {  	s31 =	sshrl.u32 s8, $0x1;
	s9 =	sshll.u32 s6, $0x7;
	p0 =	sne.s32 s6, $0x1F;
	[tilespmem:$0x1FFF0] =	vst v50  }
0x1a2: {  	s13 =	ssub.s32 s8, s31;
	s7 =	sadd.s32 s0, s9;
	s8 =	sadd.s32 $0x7A1000, s2;
	v24 =	vmov v8;
	[tilespmem:$0x1FF80] =	vst v1;
	v56 =	vsel vm6, $0x1D8E, v18  }
0x1a3: {  	s9 =	sor.u32 $0x40, s6;
	s10 =	sadd.s32 $0x1000, s7;
	s13 =	smax.u32 s13, $0x1;
	v16 =	vmovc v50;
	v54 =	vor.u32 $0x800, v1;
	v19 =	vmovc v1;
	v49 =	vor.u32 $0x1000, v1;
	[tilespmem:$0x1FF60] =	vst v56;
	v18 =	vmov v3  }
.LBB2_11:
0x1a4: {  	s21 =	sadd.s32 $0x1, s21  }
0x1a5: {  	_ =	swait.ge [sflag:s11], $0x2000;
	p1 =	sne.s32 s21, s13  }
.Ltmp1:
0x1a6: {  	[sflag:s11] =	ssyncset.done $0x0;
	(pc) =	sbr.rel @!p1 .LBB2_12-.Ltmp1, $4  }
0x1a7: {  	[sflag:s11] =	ssyncadd.s32 $0xFFFFE000  }
0x1a8: {  	_ =	swait.ge [sflag:s12], $0x2000  }
0x1a9: {  	[sflag:s12] =	ssyncset.done $0x0  }
0x1aa: {  	[sflag:s12] =	ssyncadd.s32 $0xFFFFE000  }
.LBB2_1:
0x1ab: {  	s22 =	simm.s32 @!p0 $0x0;
	s23 =	simm.s32 @!p0 $0x4000;
	s24 =	simm.s32 @!p0 $0x5  }
0x1ac: {  	[tilespmem:s23], [sflag:$0x5] =	stream.linear.gather @!p0 [hbm4b:s1+s22], $0x1000, $0x38;
	[tilespmem:$0x8000] =	vst v63  }
0x1ad: {  	_ =	swait.ge @!p0 [sflag:s24], $0x1000  }
0x1ae: {  	[sflag:s24] =	ssyncset.done @!p0 $0x0  }
0x1af: {  	[sflag:s24] =	ssyncadd.s32 @!p0 $0xFFFFF000  }
0x1b0: {  	[hbm4b:s8+s22] =	stream.linear.scatter @!p0 [tilespmem:s23], [sflag:$0x5], $0x1000, $0x38;
	[tilespmem:$0x8000] =	vst v63  }
.Ltmp2:
0x1b1: {  	_ = 	snop;
	(pc) =	sbr.rel .LBB2_2-.Ltmp2, $4  }
0x1b2: {  	_ =	swait.ge @!p0 [sflag:s24], $0x1000  }
0x1b3: {  	[sflag:s24] =	ssyncset.done @!p0 $0x0  }
0x1b4: {  	s22 =	simm.s32 $0x0;
	[sflag:s24] =	ssyncadd.s32 @!p0 $0xFFFFF000  }
0x1b5: {  	[tilespmem:s5], [sflag:$0x1] =	stream.strided.gather [hbm4b:s7+s14], $0x2000, s15, s14, $0x38;
	[tilespmem:$0x8000] =	vst v63  }
.LBB2_10:
0x1b6: {  	s22 =	sadd.s32 $0x1, s22  }
0x1b7: {  	p1 =	sne.s32 s22, $0x7B  }
.Ltmp3:
0x1b8: {  	_ = 	snop;
	(pc) =	sbr.rel @!p1 .LBB2_11-.Ltmp3, $1  }
0x1b9: {  	_ =	sdelay $0x3  }
.LBB2_2:
0x1ba: {  	s23 =	sshll.u32 s22, $0x6  }
0x1bb: {  	s24 =	sor.u32 s6, s23  }
0x1bc: {  	p1 =	sgt.u32 s24, $0x1E83  }
.Ltmp4:
0x1bd: {  	_ = 	snop;
	(pc) =	sbr.rel @p1 .LBB2_6-.Ltmp4, $1  }
0x1be: {  	_ =	sdelay $0x3  }
0x1bf: {  	p1 =	sgt.u32 s24, $0x1E63  }
0x1c0: {  	s25 =	sshll.u32 @!p1 s22, $0xD;
	s26 =	simm.s32 @!p1 $0x400  }
0x1c1: {  	s28 =	simm.s32 @!p1 $0x7A1400;
	s29 =	simm.s32 @!p1 $0x2000;
	s25 =	sadd.s32 @!p1 s25, s10  }
0x1c2: {  	[tilespmem:s29], [sflag:$0x2] =	stream.strided.gather @!p1 [hbm4b:s25+s26], $0x2000, s28, s26, $0x38;
	[tilespmem:$0x8000] =	vst v63  }
0x1c3: {  	_ =	swait.ge [sflag:s16], $0x2000  }
0x1c4: {  	p1 =	seq.s32 s22, $0x0;
	[sflag:s16] =	ssyncset.done $0x0  }
0x1c5: {  	s25 =	simm.s32 @!p1 $0x3;
	[sflag:s16] =	ssyncadd.s32 $0xFFFFE000  }
0x1c6: {  	_ =	swait.ge @!p1 [sflag:s25], $0x2000  }
0x1c7: {  	v43 =	vld [tilespmem:$0x1FC40]  }
0x1c8: {  	s26 =	simm.s32 $0x0;
	v44 =	vld [tilespmem:$0x1FC50]  }
0x1c9: {  	v27 =	vor.u32 s26, v19;
	_ =	sdelay $0x1  }
0x1ca: {  	v32 =	vor.u32 s26, v39  }
0x1cb: {  	[sflag:s25] =	ssyncset.done @!p1 $0x0;
	v33 =	vor.u32 s26, v43  }
0x1cc: {  	[sflag:s25] =	ssyncadd.s32 @!p1 $0xFFFFE000;
	v34 =	vor.u32 s26, v44  }
0x1cd: {  	v35 =	vor.u32 s26, v4;
	v1 =	vld.idx.msk [tilespmem:v27+s5+$0x0], $0xffff;
	_ =	sdelay $0x1  }
0x1ce: {  	v3 =	vld.idx.msk [tilespmem:v32+s5+$0x0], $0xffff  }
0x1cf: {  	v33 =	vld.idx.msk [tilespmem:v33+s5+$0x0], $0xffff  }
0x1d0: {  	v34 =	vld.idx.msk [tilespmem:v34+s5+$0x0], $0xffff  }
0x1d1: {  	[tilespmem:v35+s17+$0x0] =	vst.idx.msk $0xffff, v1;
	v1 =	vld [tilespmem:$0x1FC60];
	_ =	sdelay $0x2  }
0x1d2: {  	v36 =	vor.u32 s26, v5;
	v17 =	vld [tilespmem:$0x1FC80]  }
0x1d3: {  	v37 =	vor.u32 s26, v6  }
0x1d4: {  	v27 =	vor.u32 s26, v7;
	v57 =	vor.u32 s26, v1;
	v1 =	vld [tilespmem:$0x1FC70]  }
0x1d5: {  	v56 =	vor.u32 s26, v40;
	_ =	sdelay $0x1  }
0x1d6: {  	v59 =	vor.u32 s26, v17;
	[tilespmem:v36+s17+$0x0] =	vst.idx.msk $0xffff, v3  }
0x1d7: {  	[tilespmem:v37+s17+$0x0] =	vst.idx.msk $0xffff, v33  }
0x1d8: {  	v52 =	vld [tilespmem:$0x1FCA0];
	[tilespmem:v27+s17+$0x0] =	vst.idx.msk $0xffff, v34;
	v58 =	vor.u32 s26, v1  }
0x1d9: {  	v60 =	vor.u32 s26, v12;
	v1 =	vld.idx.msk [tilespmem:v56+s5+$0x0], $0xffff  }
0x1da: {  	v11 =	vmov v47;
	v47 =	vld [tilespmem:$0x1FCB0]  }
0x1db: {  	v3 =	vld.idx.msk [tilespmem:v59+s5+$0x0], $0xffff  }
0x1dc: {  	v61 =	vor.u32 s26, v13;
	v34 =	vld.idx.msk [tilespmem:v57+s5+$0x0], $0xffff  }
0x1dd: {  	v62 =	vor.u32 s26, v14;
	v36 =	vld.idx.msk [tilespmem:v58+s5+$0x0], $0xffff  }
0x1de: {  	v27 =	vor.u32 s26, v15;
	[tilespmem:v60+s17+$0x0] =	vst.idx.msk $0xffff, v1;
	v1 =	vld [tilespmem:$0x1FC90]  }
0x1df: {  	v63 =	vor.u32 s26, v48;
	_ =	sdelay $0x1  }
0x1e0: {  	v42 =	vor.u32 s26, v52;
	[tilespmem:v61+s17+$0x0] =	vst.idx.msk $0xffff, v34  }
0x1e1: {  	v48 =	vor.u32 s26, v47;
	[tilespmem:v62+s17+$0x0] =	vst.idx.msk $0xffff, v36  }
0x1e2: {  	v38 =	vor.u32 s26, v1;
	[tilespmem:v27+s17+$0x0] =	vst.idx.msk $0xffff, v3  }
0x1e3: {  	v50 =	vor.u32 s26, v20;
	v1 =	vld.idx.msk [tilespmem:v63+s5+$0x0], $0xffff;
	_ =	sdelay $0x1  }
0x1e4: {  	v34 =	vld.idx.msk [tilespmem:v42+s5+$0x0], $0xffff  }
0x1e5: {  	v35 =	vld.idx.msk [tilespmem:v48+s5+$0x0], $0xffff  }
0x1e6: {  	v3 =	vld.idx.msk [tilespmem:v38+s5+$0x0], $0xffff  }
0x1e7: {  	[tilespmem:v50+s17+$0x0] =	vst.idx.msk $0xffff, v1;
	v1 =	vld [tilespmem:$0x1FCC0]  }
0x1e8: {  	v51 =	vor.u32 s26, v21  }
0x1e9: {  	v53 =	vor.u32 s26, v22;
	v57 =	vld [tilespmem:$0x1FCD0]  }
0x1ea: {  	v27 =	vor.u32 s26, v23  }
0x1eb: {  	v60 =	vor.u32 s26, v26  }
0x1ec: {  	v61 =	vor.u32 s26, v1  }
0x1ed: {  	v62 =	vor.u32 s26, v46;
	[tilespmem:v51+s17+$0x0] =	vst.idx.msk $0xffff, v3  }
0x1ee: {  	v63 =	vor.u32 s26, v57;
	v3 =	vld [tilespmem:$0x1FCF0];
	[tilespmem:v53+s17+$0x0] =	vst.idx.msk $0xffff, v34  }
0x1ef: {  	[tilespmem:v27+s17+$0x0] =	vst.idx.msk $0xffff, v35;
	v1 =	vld [tilespmem:$0x1FCE0]  }
0x1f0: {  	v42 =	vor.u32 s26, v28;
	v27 =	vld.idx.msk [tilespmem:v60+s5+$0x0], $0xffff  }
0x1f1: {  	v56 =	vmov v46;
	v46 =	vor.u32 s26, v29;
	v33 =	vld.idx.msk [tilespmem:v61+s5+$0x0], $0xffff  }
0x1f2: {  	v48 =	vor.u32 s26, v30;
	v36 =	vld.idx.msk [tilespmem:v62+s5+$0x0], $0xffff  }
0x1f3: {  	v50 =	vor.u32 s26, v31;
	v8 =	vld.idx.msk [tilespmem:v63+s5+$0x0], $0xffff  }
0x1f4: {  	v10 =	vor.u32 s26, v54  }
0x1f5: {  	v63 =	vld [tilespmem:$0x1FD30];
	[tilespmem:v42+s17+$0x0] =	vst.idx.msk $0xffff, v27;
	v27 =	vor.u32 s26, v1  }
0x1f6: {  	v51 =	vor.u32 s26, v16;
	v61 =	vld [tilespmem:$0x1FD00];
	[tilespmem:v46+s17+$0x0] =	vst.idx.msk $0xffff, v33  }
0x1f7: {  	v53 =	vor.u32 s26, v3;
	v1 =	vld [tilespmem:$0x1FD10];
	[tilespmem:v48+s17+$0x0] =	vst.idx.msk $0xffff, v36  }
0x1f8: {  	s25 =	simm.s32 $0x10;
	[tilespmem:v50+s17+$0x0] =	vst.idx.msk $0xffff, v8;
	v50 =	vld [tilespmem:$0x1FD20]  }
0x1f9: {  	v55 =	vor.u32 s25, v4;
	v34 =	vld.idx.msk [tilespmem:v10+s5+$0x0], $0xffff  }
0x1fa: {  	v58 =	vor.u32 s25, v5;
	v3 =	vld.idx.msk [tilespmem:v27+s5+$0x0], $0xffff  }
0x1fb: {  	v59 =	vor.u32 s25, v6;
	v8 =	vld.idx.msk [tilespmem:v51+s5+$0x0], $0xffff  }
0x1fc: {  	v33 =	vld.idx.msk [tilespmem:v53+s5+$0x0], $0xffff;
	v27 =	vor.u32 s25, v7  }
0x1fd: {  	v42 =	vor.u32 s26, v61  }
0x1fe: {  	v46 =	vor.u32 s26, v1;
	[tilespmem:v55+s17+$0x0] =	vst.idx.msk $0xffff, v34  }
0x1ff: {  	v53 =	vor.u32 s26, v50;
	[tilespmem:v58+s17+$0x0] =	vst.idx.msk $0xffff, v3  }
0x200: {  	v24 =	vmov v39;
	v39 =	vmov v18;
	v18 =	vld [tilespmem:$0x1FD40];
	[tilespmem:v59+s17+$0x0] =	vst.idx.msk $0xffff, v8  }
0x201: {  	v55 =	vor.u32 s26, v63;
	v8 =	vld [tilespmem:$0x1FEA0];
	[tilespmem:v27+s17+$0x0] =	vst.idx.msk $0xffff, v33  }
0x202: {  	v1 =	vld.idx.msk [tilespmem:v42+s5+$0x0], $0xffff  }
0x203: {  	v58 =	vor.u32 s25, v12;
	v3 =	vld.idx.msk [tilespmem:v46+s5+$0x0], $0xffff  }
0x204: {  	v59 =	vor.u32 s25, v13;
	v35 =	vld.idx.msk [tilespmem:v53+s5+$0x0], $0xffff  }
0x205: {  	v60 =	vor.u32 s25, v14;
	v46 =	vmov v9;
	v9 =	vld [tilespmem:$0x1FD50]  }
0x206: {  	v27 =	vor.u32 s25, v15;
	v36 =	vld.idx.msk [tilespmem:v55+s5+$0x0], $0xffff  }
0x207: {  	v62 =	vor.u32 s26, v18  }
0x208: {  	v38 =	vor.u32 s26, v2;
	[tilespmem:v58+s17+$0x0] =	vst.idx.msk $0xffff, v1  }
0x209: {  	v55 =	vmovc v41;
	v41 =	vmov v45;
	v45 =	vmov v44;
	v44 =	vor.u32 s26, v8;
	[tilespmem:v59+s17+$0x0] =	vst.idx.msk $0xffff, v3  }
0x20a: {  	v0 =	vld [tilespmem:$0x1FED0];
	v42 =	vor.u32 s26, v9;
	[tilespmem:v60+s17+$0x0] =	vst.idx.msk $0xffff, v35  }
0x20b: {  	v1 =	vld [tilespmem:$0x1FEB0];
	[tilespmem:v27+s17+$0x0] =	vst.idx.msk $0xffff, v36  }
0x20c: {  	v3 =	vld.idx.msk [tilespmem:v62+s5+$0x0], $0xffff  }
0x20d: {  	v8 =	vld.idx.msk [tilespmem:v38+s5+$0x0], $0xffff  }
0x20e: {  	v33 =	vor.u32 s25, v20;
	v35 =	vld.idx.msk [tilespmem:v44+s5+$0x0], $0xffff  }
0x20f: {  	v36 =	vor.u32 s25, v21;
	v34 =	vld.idx.msk [tilespmem:v42+s5+$0x0], $0xffff  }
0x210: {  	v48 =	vor.u32 s25, v22;
	v53 =	vor.u32 s26, v1;
	v1 =	vld [tilespmem:$0x1FEC0]  }
0x211: {  	v27 =	vor.u32 s25, v23;
	v44 =	vmovc v61;
	v61 =	vmov v0;
	v42 =	vor.u32 s26, v0;
	v0 =	vld [tilespmem:$0x1FEE0];
	_ =	sdelay $0x1  }
0x212: {  	[tilespmem:v33+s17+$0x0] =	vst.idx.msk $0xffff, v3  }
0x213: {  	[tilespmem:v36+s17+$0x0] =	vst.idx.msk $0xffff, v8  }
0x214: {  	v59 =	vor.u32 s26, v1;
	[tilespmem:v48+s17+$0x0] =	vst.idx.msk $0xffff, v34  }
0x215: {  	v48 =	vor.u32 s26, v0;
	[tilespmem:v27+s17+$0x0] =	vst.idx.msk $0xffff, v35  }
0x216: {  	v9 =	vmov v0;
	v0 =	vld.idx.msk [tilespmem:v53+s5+$0x0], $0xffff;
	v53 =	vor.u32 s25, v28;
	_ =	sdelay $0x1  }
0x217: {  	v36 =	vld.idx.msk [tilespmem:v42+s5+$0x0], $0xffff  }
0x218: {  	v33 =	vld.idx.msk [tilespmem:v59+s5+$0x0], $0xffff  }
0x219: {  	v34 =	vld.idx.msk [tilespmem:v48+s5+$0x0], $0xffff  }
0x21a: {  	[tilespmem:v53+s17+$0x0] =	vst.idx.msk $0xffff, v0;
	v0 =	vld [tilespmem:$0x1FEF0];
	_ =	sdelay $0x4  }
0x21b: {  	v42 =	vor.u32 s26, v0;
	v0 =	vld [tilespmem:$0x1FF00];
	_ =	sdelay $0x3  }
0x21c: {  	v59 =	vor.u32 s25, v29  }
0x21d: {  	v62 =	vor.u32 s25, v30;
	v53 =	vor.u32 s26, v0;
	v0 =	vld [tilespmem:$0x1FD60]  }
0x21e: {  	v27 =	vor.u32 s25, v31  }
0x21f: {  	v1 =	vor.u32 s26, v49;
	_ =	sdelay $0x1  }
0x220: {  	[tilespmem:v59+s17+$0x0] =	vst.idx.msk $0xffff, v33  }
0x221: {  	[tilespmem:v62+s17+$0x0] =	vst.idx.msk $0xffff, v36;
	v59 =	vor.u32 s26, v0  }
0x222: {  	s28 =	simm.s32 $0x20;
	[tilespmem:v27+s17+$0x0] =	vst.idx.msk $0xffff, v34;
	v0 =	vld [tilespmem:$0x1FD70]  }
0x223: {  	v62 =	vor.u32 s28, v4;
	v1 =	vld.idx.msk [tilespmem:v1+s5+$0x0], $0xffff  }
0x224: {  	v3 =	vld.idx.msk [tilespmem:v42+s5+$0x0], $0xffff  }
0x225: {  	v33 =	vld.idx.msk [tilespmem:v53+s5+$0x0], $0xffff  }
0x226: {  	v35 =	vld.idx.msk [tilespmem:v59+s5+$0x0], $0xffff  }
0x227: {  	v53 =	vor.u32 s26, v0;
	v0 =	vld [tilespmem:$0x1FD90]  }
0x228: {  	v8 =	vmov v63;
	v63 =	vor.u32 s28, v5;
	[tilespmem:v62+s17+$0x0] =	vst.idx.msk $0xffff, v1;
	v1 =	vld [tilespmem:$0x1FDA0]  }
0x229: {  	v42 =	vor.u32 s28, v6  }
0x22a: {  	v27 =	vor.u32 s28, v7  }
0x22b: {  	v2 =	vld [tilespmem:$0x1FD80]  }
0x22c: {  	v62 =	vor.u32 s26, v0  }
0x22d: {  	[tilespmem:v63+s17+$0x0] =	vst.idx.msk $0xffff, v3;
	v63 =	vor.u32 s26, v1;
	v1 =	vld [tilespmem:$0x1FDB0]  }
0x22e: {  	[tilespmem:v42+s17+$0x0] =	vst.idx.msk $0xffff, v33  }
0x22f: {  	[tilespmem:v27+s17+$0x0] =	vst.idx.msk $0xffff, v35  }
0x230: {  	v59 =	vor.u32 s26, v2;
	v2 =	vld.idx.msk [tilespmem:v53+s5+$0x0], $0xffff  }
0x231: {  	v36 =	vld.idx.msk [tilespmem:v62+s5+$0x0], $0xffff  }
0x232: {  	v42 =	vor.u32 s28, v12;
	v62 =	vor.u32 s26, v1;
	v1 =	vld [tilespmem:$0x1FDD0];
	_ =	sdelay $0x2  }
0x233: {  	v34 =	vld.idx.msk [tilespmem:v59+s5+$0x0], $0xffff  }
0x234: {  	v58 =	vmov v25;
	v53 =	vor.u32 s28, v13;
	v25 =	vld.idx.msk [tilespmem:v63+s5+$0x0], $0xffff  }
0x235: {  	v59 =	vor.u32 s28, v14;
	[tilespmem:v42+s17+$0x0] =	vst.idx.msk $0xffff, v2;
	v42 =	vor.u32 s26, v1;
	v1 =	vld [tilespmem:$0x1FDE0];
	_ =	sdelay $0x1  }
0x236: {  	v0 =	vor.u32 s28, v15;
	v2 =	vld [tilespmem:$0x1FDC0];
	_ =	sdelay $0x1  }
0x237: {  	[tilespmem:v53+s17+$0x0] =	vst.idx.msk $0xffff, v34  }
0x238: {  	[tilespmem:v59+s17+$0x0] =	vst.idx.msk $0xffff, v36;
	v59 =	vor.u32 s26, v1;
	_ =	sdelay $0x1  }
0x239: {  	v60 =	vld [tilespmem:$0x1FE10];
	v63 =	vor.u32 s26, v2;
	[tilespmem:v0+s17+$0x0] =	vst.idx.msk $0xffff, v25  }
0x23a: {  	v25 =	vld.idx.msk [tilespmem:v62+s5+$0x0], $0xffff  }
0x23b: {  	v1 =	vld [tilespmem:$0x1FDF0]  }
0x23c: {  	v35 =	vld.idx.msk [tilespmem:v59+s5+$0x0], $0xffff  }
0x23d: {  	v62 =	vor.u32 s28, v20;
	v59 =	vld [tilespmem:$0x1FE00]  }
0x23e: {  	v48 =	vmov v26;
	v26 =	vld.idx.msk [tilespmem:v63+s5+$0x0], $0xffff;
	v63 =	vor.u32 s28, v21  }
0x23f: {  	v34 =	vld.idx.msk [tilespmem:v42+s5+$0x0], $0xffff;
	v42 =	vor.u32 s28, v22  }
0x240: {  	v0 =	vor.u32 s28, v23  }
0x241: {  	v10 =	vmov v19;
	v19 =	vmov v54;
	v54 =	vor.u32 s26, v1  }
0x242: {  	[tilespmem:v62+s17+$0x0] =	vst.idx.msk $0xffff, v25;
	v59 =	vor.u32 s26, v59  }
0x243: {  	v62 =	vor.u32 s26, v60;
	[tilespmem:v63+s17+$0x0] =	vst.idx.msk $0xffff, v26  }
0x244: {  	v63 =	vor.u32 s26, v58;
	[tilespmem:v42+s17+$0x0] =	vst.idx.msk $0xffff, v34  }
0x245: {  	v3 =	vmov v39;
	v39 =	vld [tilespmem:$0x1FE20];
	[tilespmem:v0+s17+$0x0] =	vst.idx.msk $0xffff, v35  }
0x246: {  	v42 =	vor.u32 s28, v28;
	v1 =	vld.idx.msk [tilespmem:v54+s5+$0x0], $0xffff  }
0x247: {  	v54 =	vor.u32 s28, v29;
	v25 =	vld.idx.msk [tilespmem:v59+s5+$0x0], $0xffff  }
0x248: {  	v36 =	vld.idx.msk [tilespmem:v62+s5+$0x0], $0xffff;
	v59 =	vor.u32 s28, v30  }
0x249: {  	v0 =	vor.u32 $0x1800, v10;
	v26 =	vld.idx.msk [tilespmem:v63+s5+$0x0], $0xffff;
	v62 =	vor.u32 s28, v31  }
0x24a: {  	[tilespmem:$0x1FC30] =	vst v0;
	v63 =	vor.u32 s26, v0  }
0x24b: {  	[tilespmem:v42+s17+$0x0] =	vst.idx.msk $0xffff, v1;
	v42 =	vor.u32 s26, v11  }
0x24c: {  	v38 =	vld [tilespmem:$0x1FE50];
	[tilespmem:v54+s17+$0x0] =	vst.idx.msk $0xffff, v25;
	v54 =	vor.u32 s26, v41  }
0x24d: {  	v53 =	vld [tilespmem:$0x1FE40];
	v0 =	vor.u32 s26, v39;
	[tilespmem:v59+s17+$0x0] =	vst.idx.msk $0xffff, v36  }
0x24e: {  	v2 =	vld [tilespmem:$0x1FE30];
	s28 =	simm.s32 $0x30;
	[tilespmem:v62+s17+$0x0] =	vst.idx.msk $0xffff, v26  }
0x24f: {  	v59 =	vor.u32 s28, v4;
	v1 =	vld.idx.msk [tilespmem:v63+s5+$0x0], $0xffff  }
0x250: {  	v62 =	vor.u32 s28, v5;
	v25 =	vld.idx.msk [tilespmem:v42+s5+$0x0], $0xffff  }
0x251: {  	v63 =	vor.u32 s28, v6;
	v37 =	vld.idx.msk [tilespmem:v54+s5+$0x0], $0xffff  }
0x252: {  	v0 =	vld.idx.msk [tilespmem:v0+s5+$0x0], $0xffff;
	v42 =	vor.u32 s28, v7  }
0x253: {  	v54 =	vor.u32 s26, v2  }
0x254: {  	v51 =	vld [tilespmem:$0x1FE80];
	[tilespmem:v59+s17+$0x0] =	vst.idx.msk $0xffff, v1;
	v59 =	vor.u32 s26, v53  }
0x255: {  	v27 =	vld [tilespmem:$0x1FF30];
	[tilespmem:v62+s17+$0x0] =	vst.idx.msk $0xffff, v25;
	v62 =	vor.u32 s26, v3  }
0x256: {  	v26 =	vld [tilespmem:$0x1FE60];
	[tilespmem:v63+s17+$0x0] =	vst.idx.msk $0xffff, v37;
	v63 =	vor.u32 s26, v38  }
0x257: {  	v3 =	vld [tilespmem:$0x1FE70];
	[tilespmem:v42+s17+$0x0] =	vst.idx.msk $0xffff, v0  }
0x258: {  	v42 =	vor.u32 s28, v12;
	v0 =	vld.idx.msk [tilespmem:v54+s5+$0x0], $0xffff  }
0x259: {  	v53 =	vor.u32 s28, v13;
	v1 =	vld.idx.msk [tilespmem:v59+s5+$0x0], $0xffff  }
0x25a: {  	v54 =	vor.u32 s28, v14;
	v36 =	vld.idx.msk [tilespmem:v62+s5+$0x0], $0xffff  }
0x25b: {  	v59 =	vor.u32 s28, v15;
	v2 =	vld.idx.msk [tilespmem:v63+s5+$0x0], $0xffff  }
0x25c: {  	v62 =	vor.u32 s26, v26  }
0x25d: {  	v63 =	vor.u32 s26, v3;
	[tilespmem:v42+s17+$0x0] =	vst.idx.msk $0xffff, v0  }
0x25e: {  	v42 =	vor.u32 s26, v27;
	[tilespmem:v53+s17+$0x0] =	vst.idx.msk $0xffff, v1  }
0x25f: {  	v53 =	vor.u32 s26, v51;
	[tilespmem:v54+s17+$0x0] =	vst.idx.msk $0xffff, v36  }
0x260: {  	[tilespmem:v59+s17+$0x0] =	vst.idx.msk $0xffff, v2  }
0x261: {  	v0 =	vld.idx.msk [tilespmem:v62+s5+$0x0], $0xffff  }
0x262: {  	v1 =	vld.idx.msk [tilespmem:v63+s5+$0x0], $0xffff  }
0x263: {  	v54 =	vor.u32 s28, v20;
	v37 =	vld.idx.msk [tilespmem:v42+s5+$0x0], $0xffff  }
0x264: {  	v36 =	vor.u32 s28, v21;
	v59 =	vld.idx.msk [tilespmem:v53+s5+$0x0], $0xffff  }
0x265: {  	v32 =	vor.u32 s28, v22;
	v53 =	vld [tilespmem:$0x1FF60]  }
0x266: {  	v2 =	vld [tilespmem:$0x1FE90];
	v62 =	vor.u32 s28, v23  }
0x267: {  	v63 =	vor.u32 s26, v46  }
0x268: {  	v25 =	vmov v51;
	v51 =	vor.u32 s26, v55;
	[tilespmem:v54+s17+$0x0] =	vst.idx.msk $0xffff, v0  }
0x269: {  	v33 =	vor.u32 s25, v45;
	v45 =	vmov v3;
	v3 =	vld [tilespmem:$0x1FD50];
	[tilespmem:v36+s17+$0x0] =	vst.idx.msk $0xffff, v1  }
0x26a: {  	v0 =	vmov v18;
	v18 =	vmov v11;
	v11 =	vld [tilespmem:$0x1FFA0];
	v42 =	vor.u32 s26, v53;
	[tilespmem:v32+s17+$0x0] =	vst.idx.msk $0xffff, v37  }
0x26b: {  	v54 =	vor.u32 s26, v2;
	v2 =	vld [tilespmem:$0x1FF10];
	[tilespmem:v62+s17+$0x0] =	vst.idx.msk $0xffff, v59  }
0x26c: {  	v37 =	vld.idx.msk [tilespmem:v63+s5+$0x0], $0xffff  }
0x26d: {  	v1 =	vld.idx.msk [tilespmem:v51+s5+$0x0], $0xffff  }
0x26e: {  	v59 =	vor.u32 s28, v28;
	v51 =	vld [tilespmem:$0x1FCF0]  }
0x26f: {  	v62 =	vor.u32 s28, v29;
	v34 =	vld.idx.msk [tilespmem:v42+s5+$0x0], $0xffff  }
0x270: {  	v32 =	vld.idx.msk [tilespmem:v54+s5+$0x0], $0xffff  }
0x271: {  	v63 =	vor.u32 s28, v30;
	v54 =	vld [tilespmem:$0x1FCE0]  }
0x272: {  	v42 =	vld [tilespmem:$0x1FC60]  }
0x273: {  	[tilespmem:v59+s17+$0x0] =	vst.idx.msk $0xffff, v37;
	v59 =	vld [tilespmem:$0x1FCC0]  }
0x274: {  	[tilespmem:v62+s17+$0x0] =	vst.idx.msk $0xffff, v34;
	v62 =	vmov v44;
	v44 =	vld [tilespmem:$0x1FD10]  }
0x275: {  	v35 =	vor.u32 s25, v24;
	v37 =	vor.u32 s28, v31;
	v34 =	vor.u32 s25, v10;
	v10 =	vmovc v16;
	v16 =	vld [tilespmem:$0x1FC70]  }
0x276: {  	v24 =	vmovc v39;
	v36 =	vor.u32 s25, v43;
	v43 =	vmovc v17;
	v17 =	vmov v41;
	s28 =	simm.s32 $0x20;
	[tilespmem:v63+s17+$0x0] =	vst.idx.msk $0xffff, v1;
	v1 =	vld [tilespmem:$0x1FC90];
	v63 =	vmov v46  }
.LBB2_4:
0x277: {  	_ =	sdelay $0x2  }
0x278: {  	[tilespmem:v37+s17+$0x0] =	vst.idx.msk $0xffff, v32  }
0x279: {  	s26 =	sadd.s32 $0x400, s26;
	v32 =	vld.idx.msk [tilespmem:v34+s5+$0x0], $0xffff  }
0x27a: {  	v34 =	vld.idx.msk [tilespmem:v35+s5+$0x0], $0xffff;
	v35 =	vor.u32 s26, v4  }
0x27b: {  	v37 =	vor.u32 s26, v5  }
0x27c: {  	v36 =	vld.idx.msk [tilespmem:v36+s5+$0x0], $0xffff;
	v38 =	vor.u32 s26, v6  }
0x27d: {  	v33 =	vld.idx.msk [tilespmem:v33+s5+$0x0], $0xffff;
	v39 =	vor.u32 s26, v7  }
0x27e: {  	v46 =	vmov v40;
	v40 =	vor.u32 s25, v40  }
0x27f: {  	[tilespmem:v35+s17+$0x0] =	vst.idx.msk $0xffff, v32;
	v32 =	vor.u32 s25, v42  }
0x280: {  	[tilespmem:v37+s17+$0x0] =	vst.idx.msk $0xffff, v34;
	v34 =	vor.u32 s25, v16  }
0x281: {  	v41 =	vor.u32 s25, v43;
	[tilespmem:v38+s17+$0x0] =	vst.idx.msk $0xffff, v36  }
0x282: {  	[tilespmem:v39+s17+$0x0] =	vst.idx.msk $0xffff, v33  }
0x283: {  	v36 =	vor.u32 s26, v12;
	v33 =	vld.idx.msk [tilespmem:v40+s5+$0x0], $0xffff  }
0x284: {  	v37 =	vor.u32 s26, v13;
	v32 =	vld.idx.msk [tilespmem:v32+s5+$0x0], $0xffff  }
0x285: {  	v38 =	vor.u32 s26, v14;
	v34 =	vld.idx.msk [tilespmem:v34+s5+$0x0], $0xffff  }
0x286: {  	v39 =	vor.u32 s26, v15;
	v35 =	vld.idx.msk [tilespmem:v41+s5+$0x0], $0xffff  }
0x287: {  	v40 =	vor.u32 s25, v11  }
0x288: {  	[tilespmem:v36+s17+$0x0] =	vst.idx.msk $0xffff, v33;
	v36 =	vor.u32 s25, v1  }
0x289: {  	[tilespmem:v37+s17+$0x0] =	vst.idx.msk $0xffff, v32  }
0x28a: {  	v32 =	vor.u32 s25, v52;
	[tilespmem:v38+s17+$0x0] =	vst.idx.msk $0xffff, v34  }
0x28b: {  	v41 =	vor.u32 s25, v47;
	[tilespmem:v39+s17+$0x0] =	vst.idx.msk $0xffff, v35  }
0x28c: {  	v35 =	vld.idx.msk [tilespmem:v40+s5+$0x0], $0xffff  }
0x28d: {  	v33 =	vld.idx.msk [tilespmem:v36+s5+$0x0], $0xffff;
	v36 =	vor.u32 s26, v20  }
0x28e: {  	v37 =	vor.u32 s26, v21  }
0x28f: {  	v38 =	vor.u32 s26, v22;
	v32 =	vld.idx.msk [tilespmem:v32+s5+$0x0], $0xffff  }
0x290: {  	v39 =	vor.u32 s26, v23;
	v34 =	vld.idx.msk [tilespmem:v41+s5+$0x0], $0xffff  }
0x291: {  	v40 =	vor.u32 s25, v48  }
0x292: {  	[tilespmem:v36+s17+$0x0] =	vst.idx.msk $0xffff, v35;
	v36 =	vor.u32 s25, v59  }
0x293: {  	[tilespmem:v37+s17+$0x0] =	vst.idx.msk $0xffff, v33  }
0x294: {  	v33 =	vor.u32 s25, v56;
	[tilespmem:v38+s17+$0x0] =	vst.idx.msk $0xffff, v32  }
0x295: {  	v41 =	vor.u32 s25, v57;
	[tilespmem:v39+s17+$0x0] =	vst.idx.msk $0xffff, v34  }
0x296: {  	v34 =	vld.idx.msk [tilespmem:v40+s5+$0x0], $0xffff  }
0x297: {  	v35 =	vld.idx.msk [tilespmem:v36+s5+$0x0], $0xffff;
	v36 =	vor.u32 s26, v28  }
0x298: {  	v37 =	vor.u32 s26, v29  }
0x299: {  	v38 =	vor.u32 s26, v30;
	v33 =	vld.idx.msk [tilespmem:v33+s5+$0x0], $0xffff  }
0x29a: {  	v39 =	vor.u32 s26, v31;
	v32 =	vld.idx.msk [tilespmem:v41+s5+$0x0], $0xffff  }
0x29b: {  	v40 =	vor.u32 s25, v19  }
0x29c: {  	[tilespmem:v36+s17+$0x0] =	vst.idx.msk $0xffff, v34;
	v36 =	vor.u32 s25, v54  }
0x29d: {  	[tilespmem:v37+s17+$0x0] =	vst.idx.msk $0xffff, v35  }
0x29e: {  	v35 =	vor.u32 s25, v10;
	[tilespmem:v38+s17+$0x0] =	vst.idx.msk $0xffff, v33  }
0x29f: {  	v41 =	vor.u32 s25, v51;
	[tilespmem:v39+s17+$0x0] =	vst.idx.msk $0xffff, v32  }
0x2a0: {  	s30 =	sadd.s32 $0x10, s26;
	v32 =	vld.idx.msk [tilespmem:v40+s5+$0x0], $0xffff  }
0x2a1: {  	v34 =	vld.idx.msk [tilespmem:v36+s5+$0x0], $0xffff;
	v36 =	vor.u32 s30, v4  }
0x2a2: {  	v37 =	vor.u32 s30, v5  }
0x2a3: {  	v38 =	vor.u32 s30, v6;
	v35 =	vld.idx.msk [tilespmem:v35+s5+$0x0], $0xffff  }
0x2a4: {  	v39 =	vor.u32 s30, v7;
	v33 =	vld.idx.msk [tilespmem:v41+s5+$0x0], $0xffff  }
0x2a5: {  	v40 =	vor.u32 s25, v62  }
0x2a6: {  	[tilespmem:v36+s17+$0x0] =	vst.idx.msk $0xffff, v32;
	v36 =	vor.u32 s25, v44  }
0x2a7: {  	[tilespmem:v37+s17+$0x0] =	vst.idx.msk $0xffff, v34  }
0x2a8: {  	v34 =	vor.u32 s25, v50;
	[tilespmem:v38+s17+$0x0] =	vst.idx.msk $0xffff, v35  }
0x2a9: {  	v41 =	vor.u32 s25, v8;
	[tilespmem:v39+s17+$0x0] =	vst.idx.msk $0xffff, v33  }
0x2aa: {  	v33 =	vld.idx.msk [tilespmem:v40+s5+$0x0], $0xffff  }
0x2ab: {  	v32 =	vld.idx.msk [tilespmem:v36+s5+$0x0], $0xffff;
	v36 =	vor.u32 s30, v12  }
0x2ac: {  	v37 =	vor.u32 s30, v13  }
0x2ad: {  	v38 =	vor.u32 s30, v14;
	v34 =	vld.idx.msk [tilespmem:v34+s5+$0x0], $0xffff  }
0x2ae: {  	v39 =	vor.u32 s30, v15;
	v35 =	vld.idx.msk [tilespmem:v41+s5+$0x0], $0xffff  }
0x2af: {  	v40 =	vor.u32 s25, v0;
	v41 =	vld [tilespmem:$0x1FEA0]  }
0x2b0: {  	[tilespmem:v36+s17+$0x0] =	vst.idx.msk $0xffff, v33;
	v36 =	vor.u32 s25, v2  }
0x2b1: {  	[tilespmem:v37+s17+$0x0] =	vst.idx.msk $0xffff, v32  }
0x2b2: {  	[tilespmem:v38+s17+$0x0] =	vst.idx.msk $0xffff, v34  }
0x2b3: {  	v32 =	vor.u32 s25, v3;
	[tilespmem:v39+s17+$0x0] =	vst.idx.msk $0xffff, v35  }
0x2b4: {  	v34 =	vor.u32 s25, v41;
	v35 =	vld.idx.msk [tilespmem:v40+s5+$0x0], $0xffff  }
0x2b5: {  	v33 =	vld.idx.msk [tilespmem:v36+s5+$0x0], $0xffff;
	v36 =	vor.u32 s30, v20;
	_ =	sdelay $0x1  }
0x2b6: {  	v40 =	vld [tilespmem:$0x1FEB0]  }
0x2b7: {  	v32 =	vld.idx.msk [tilespmem:v32+s5+$0x0], $0xffff  }
0x2b8: {  	v34 =	vld.idx.msk [tilespmem:v34+s5+$0x0], $0xffff  }
0x2b9: {  	v37 =	vor.u32 s30, v21;
	[tilespmem:v36+s17+$0x0] =	vst.idx.msk $0xffff, v35;
	v36 =	vld [tilespmem:$0x1FEC0]  }
0x2ba: {  	v38 =	vor.u32 s30, v22  }
0x2bb: {  	v39 =	vor.u32 s30, v23  }
0x2bc: {  	v40 =	vor.u32 s25, v40;
	_ =	sdelay $0x1  }
0x2bd: {  	[tilespmem:v37+s17+$0x0] =	vst.idx.msk $0xffff, v33;
	v35 =	vor.u32 s25, v36  }
0x2be: {  	v41 =	vor.u32 s25, v9;
	[tilespmem:v38+s17+$0x0] =	vst.idx.msk $0xffff, v32  }
0x2bf: {  	v33 =	vor.u32 s25, v61;
	[tilespmem:v39+s17+$0x0] =	vst.idx.msk $0xffff, v34  }
0x2c0: {  	v34 =	vld.idx.msk [tilespmem:v40+s5+$0x0], $0xffff;
	v36 =	vor.u32 s30, v28;
	_ =	sdelay $0x1  }
0x2c1: {  	v37 =	vor.u32 s30, v29;
	v35 =	vld.idx.msk [tilespmem:v35+s5+$0x0], $0xffff  }
0x2c2: {  	v32 =	vld.idx.msk [tilespmem:v41+s5+$0x0], $0xffff  }
0x2c3: {  	v33 =	vld.idx.msk [tilespmem:v33+s5+$0x0], $0xffff  }
0x2c4: {  	[tilespmem:v36+s17+$0x0] =	vst.idx.msk $0xffff, v34;
	v36 =	vld [tilespmem:$0x1FEF0]  }
0x2c5: {  	v38 =	vor.u32 s30, v30;
	v41 =	vld [tilespmem:$0x1FD60]  }
0x2c6: {  	v39 =	vor.u32 s30, v31;
	[tilespmem:v37+s17+$0x0] =	vst.idx.msk $0xffff, v35;
	v37 =	vld [tilespmem:$0x1FF00]  }
0x2c7: {  	v40 =	vor.u32 s25, v49;
	_ =	sdelay $0x1  }
0x2c8: {  	v34 =	vor.u32 s25, v36  }
0x2c9: {  	[tilespmem:v38+s17+$0x0] =	vst.idx.msk $0xffff, v33;
	v33 =	vor.u32 s25, v41  }
0x2ca: {  	s31 =	sadd.s32 $0x20, s26;
	[tilespmem:v39+s17+$0x0] =	vst.idx.msk $0xffff, v32;
	v35 =	vor.u32 s25, v37  }
0x2cb: {  	v36 =	vor.u32 s31, v4;
	v32 =	vld.idx.msk [tilespmem:v40+s5+$0x0], $0xffff  }
0x2cc: {  	v40 =	vld [tilespmem:$0x1FD70]  }
0x2cd: {  	v34 =	vld.idx.msk [tilespmem:v34+s5+$0x0], $0xffff  }
0x2ce: {  	v37 =	vor.u32 s31, v5;
	v33 =	vld.idx.msk [tilespmem:v33+s5+$0x0], $0xffff  }
0x2cf: {  	v35 =	vld.idx.msk [tilespmem:v35+s5+$0x0], $0xffff  }
0x2d0: {  	[tilespmem:v36+s17+$0x0] =	vst.idx.msk $0xffff, v32;
	v36 =	vld [tilespmem:$0x1FD80];
	_ =	sdelay $0x1  }
0x2d1: {  	v38 =	vor.u32 s31, v6;
	v41 =	vld [tilespmem:$0x1FDA0]  }
0x2d2: {  	v39 =	vor.u32 s31, v7;
	[tilespmem:v37+s17+$0x0] =	vst.idx.msk $0xffff, v34;
	v37 =	vld [tilespmem:$0x1FD90]  }
0x2d3: {  	v40 =	vor.u32 s25, v40  }
0x2d4: {  	v32 =	vor.u32 s25, v36;
	_ =	sdelay $0x1  }
0x2d5: {  	[tilespmem:v38+s17+$0x0] =	vst.idx.msk $0xffff, v35;
	v35 =	vor.u32 s25, v41  }
0x2d6: {  	v41 =	vld [tilespmem:$0x1FDE0];
	v34 =	vor.u32 s25, v37;
	[tilespmem:v39+s17+$0x0] =	vst.idx.msk $0xffff, v33  }
0x2d7: {  	v36 =	vor.u32 s31, v12;
	v33 =	vld.idx.msk [tilespmem:v40+s5+$0x0], $0xffff  }
0x2d8: {  	v37 =	vor.u32 s31, v13;
	v32 =	vld.idx.msk [tilespmem:v32+s5+$0x0], $0xffff  }
0x2d9: {  	v40 =	vld [tilespmem:$0x1FDB0]  }
0x2da: {  	v35 =	vld.idx.msk [tilespmem:v35+s5+$0x0], $0xffff  }
0x2db: {  	v38 =	vor.u32 s31, v14;
	v34 =	vld.idx.msk [tilespmem:v34+s5+$0x0], $0xffff  }
0x2dc: {  	[tilespmem:v36+s17+$0x0] =	vst.idx.msk $0xffff, v33;
	v36 =	vld [tilespmem:$0x1FDC0]  }
0x2dd: {  	v39 =	vor.u32 s31, v15;
	[tilespmem:v37+s17+$0x0] =	vst.idx.msk $0xffff, v32;
	v37 =	vld [tilespmem:$0x1FDD0]  }
0x2de: {  	v40 =	vor.u32 s25, v40;
	_ =	sdelay $0x1  }
0x2df: {  	[tilespmem:v38+s17+$0x0] =	vst.idx.msk $0xffff, v34;
	v34 =	vor.u32 s25, v41  }
0x2e0: {  	v33 =	vor.u32 s25, v36  }
0x2e1: {  	[tilespmem:v39+s17+$0x0] =	vst.idx.msk $0xffff, v35;
	v32 =	vor.u32 s25, v37  }
0x2e2: {  	v36 =	vor.u32 s31, v20;
	v35 =	vld.idx.msk [tilespmem:v40+s5+$0x0], $0xffff  }
0x2e3: {  	v40 =	vld [tilespmem:$0x1FDF0]  }
0x2e4: {  	v34 =	vld.idx.msk [tilespmem:v34+s5+$0x0], $0xffff  }
0x2e5: {  	v33 =	vld.idx.msk [tilespmem:v33+s5+$0x0], $0xffff  }
0x2e6: {  	v37 =	vor.u32 s31, v21;
	v32 =	vld.idx.msk [tilespmem:v32+s5+$0x0], $0xffff  }
0x2e7: {  	v38 =	vor.u32 s31, v22;
	[tilespmem:v36+s17+$0x0] =	vst.idx.msk $0xffff, v35;
	v36 =	vld [tilespmem:$0x1FE00]  }
0x2e8: {  	v39 =	vor.u32 s31, v23  }
0x2e9: {  	v40 =	vor.u32 s25, v40;
	_ =	sdelay $0x1  }
0x2ea: {  	[tilespmem:v37+s17+$0x0] =	vst.idx.msk $0xffff, v33  }
0x2eb: {  	v35 =	vor.u32 s25, v36;
	[tilespmem:v38+s17+$0x0] =	vst.idx.msk $0xffff, v32  }
0x2ec: {  	v33 =	vor.u32 s25, v60;
	[tilespmem:v39+s17+$0x0] =	vst.idx.msk $0xffff, v34  }
0x2ed: {  	v41 =	vor.u32 s25, v58;
	v34 =	vld.idx.msk [tilespmem:v40+s5+$0x0], $0xffff  }
0x2ee: {  	v40 =	vld [tilespmem:$0x1FC30]  }
0x2ef: {  	v36 =	vor.u32 s31, v28  }
0x2f0: {  	v37 =	vor.u32 s31, v29;
	v35 =	vld.idx.msk [tilespmem:v35+s5+$0x0], $0xffff  }
0x2f1: {  	v38 =	vor.u32 s31, v30;
	v33 =	vld.idx.msk [tilespmem:v33+s5+$0x0], $0xffff  }
0x2f2: {  	v39 =	vor.u32 s31, v31;
	v32 =	vld.idx.msk [tilespmem:v41+s5+$0x0], $0xffff  }
0x2f3: {  	v40 =	vor.u32 s25, v40  }
0x2f4: {  	[tilespmem:v36+s17+$0x0] =	vst.idx.msk $0xffff, v34;
	v36 =	vor.u32 s25, v18  }
0x2f5: {  	[tilespmem:v37+s17+$0x0] =	vst.idx.msk $0xffff, v35  }
0x2f6: {  	v41 =	vor.u32 s25, v24;
	[tilespmem:v38+s17+$0x0] =	vst.idx.msk $0xffff, v33  }
0x2f7: {  	[tilespmem:v39+s17+$0x0] =	vst.idx.msk $0xffff, v32  }
0x2f8: {  	s31 =	sadd.s32 $0x30, s26;
	v35 =	vor.u32 s25, v17;
	v32 =	vld.idx.msk [tilespmem:v40+s5+$0x0], $0xffff  }
0x2f9: {  	v34 =	vld.idx.msk [tilespmem:v36+s5+$0x0], $0xffff;
	v36 =	vor.u32 s31, v4  }
0x2fa: {  	v37 =	vor.u32 s31, v5  }
0x2fb: {  	v33 =	vld.idx.msk [tilespmem:v41+s5+$0x0], $0xffff  }
0x2fc: {  	v40 =	vld [tilespmem:$0x1FE30]  }
0x2fd: {  	v35 =	vld.idx.msk [tilespmem:v35+s5+$0x0], $0xffff  }
0x2fe: {  	[tilespmem:v36+s17+$0x0] =	vst.idx.msk $0xffff, v32;
	v36 =	vld [tilespmem:$0x1FE40]  }
0x2ff: {  	[tilespmem:v37+s17+$0x0] =	vst.idx.msk $0xffff, v34;
	v37 =	vld [tilespmem:$0x1FF20]  }
0x300: {  	v38 =	vor.u32 s31, v6;
	v41 =	vld [tilespmem:$0x1FE50]  }
0x301: {  	v39 =	vor.u32 s31, v7  }
0x302: {  	v40 =	vor.u32 s25, v40  }
0x303: {  	v32 =	vor.u32 s25, v36  }
0x304: {  	v34 =	vor.u32 s25, v37  }
0x305: {  	[tilespmem:v38+s17+$0x0] =	vst.idx.msk $0xffff, v35;
	v35 =	vor.u32 s25, v41  }
0x306: {  	[tilespmem:v39+s17+$0x0] =	vst.idx.msk $0xffff, v33  }
0x307: {  	v33 =	vld.idx.msk [tilespmem:v40+s5+$0x0], $0xffff;
	v36 =	vor.u32 s31, v12  }
0x308: {  	v37 =	vor.u32 s31, v13;
	v32 =	vld.idx.msk [tilespmem:v32+s5+$0x0], $0xffff  }
0x309: {  	v38 =	vor.u32 s31, v14;
	v34 =	vld.idx.msk [tilespmem:v34+s5+$0x0], $0xffff  }
0x30a: {  	v39 =	vor.u32 s31, v15;
	v35 =	vld.idx.msk [tilespmem:v35+s5+$0x0], $0xffff  }
0x30b: {  	v40 =	vor.u32 s25, v26  }
0x30c: {  	[tilespmem:v36+s17+$0x0] =	vst.idx.msk $0xffff, v33;
	v36 =	vor.u32 s25, v45  }
0x30d: {  	[tilespmem:v37+s17+$0x0] =	vst.idx.msk $0xffff, v32  }
0x30e: {  	v32 =	vor.u32 s25, v27;
	[tilespmem:v38+s17+$0x0] =	vst.idx.msk $0xffff, v34  }
0x30f: {  	[tilespmem:v39+s17+$0x0] =	vst.idx.msk $0xffff, v35  }
0x310: {  	v35 =	vld.idx.msk [tilespmem:v40+s5+$0x0], $0xffff  }
0x311: {  	v41 =	vor.u32 s25, v25;
	v33 =	vld.idx.msk [tilespmem:v36+s5+$0x0], $0xffff;
	v36 =	vor.u32 s31, v20  }
0x312: {  	v37 =	vor.u32 s31, v21  }
0x313: {  	v38 =	vor.u32 s31, v22;
	v32 =	vld.idx.msk [tilespmem:v32+s5+$0x0], $0xffff;
	_ =	sdelay $0x2  }
0x314: {  	v34 =	vld.idx.msk [tilespmem:v41+s5+$0x0], $0xffff;
	[tilespmem:v36+s17+$0x0] =	vst.idx.msk $0xffff, v35  }
0x315: {  	[tilespmem:v37+s17+$0x0] =	vst.idx.msk $0xffff, v33  }
0x316: {  	v39 =	vor.u32 s31, v23;
	[tilespmem:v38+s17+$0x0] =	vst.idx.msk $0xffff, v32;
	v38 =	vld [tilespmem:$0x1FE90]  }
0x317: {  	v40 =	vor.u32 s25, v63;
	_ =	sdelay $0x1  }
0x318: {  	v33 =	vor.u32 s25, v55  }
0x319: {  	v41 =	vor.u32 s25, v53  }
0x31a: {  	v35 =	vld [tilespmem:$0x1FF70];
	[tilespmem:v39+s17+$0x0] =	vst.idx.msk $0xffff, v34;
	v32 =	vor.u32 s25, v38  }
0x31b: {  	v39 =	vor.u32 s31, v28;
	v36 =	vld.idx.msk [tilespmem:v40+s5+$0x0], $0xffff  }
0x31c: {  	v34 =	vld [tilespmem:$0x1FF80]  }
0x31d: {  	v40 =	vld.idx.msk [tilespmem:v33+s5+$0x0], $0xffff  }
0x31e: {  	v38 =	vld.idx.msk [tilespmem:v41+s5+$0x0], $0xffff  }
0x31f: {  	v32 =	vld.idx.msk [tilespmem:v32+s5+$0x0], $0xffff  }
0x320: {  	v33 =	vor.u32 s31, v29;
	[tilespmem:v39+s17+$0x0] =	vst.idx.msk $0xffff, v36;
	v36 =	vld [tilespmem:$0x1FC40]  }
0x321: {  	p1 =	sne.s32 s28, $0x70;
	v41 =	vor.u32 s31, v30;
	v39 =	vld [tilespmem:$0x1FC50]  }
.Ltmp5:
0x322: {  	_ = 	snop;
	(pc) =	sbr.rel @p1 .LBB2_4-.Ltmp5, $4  }
0x323: {  	s29 =	smov.u32 s28  }
0x324: {  	s25 =	smov.u32 s29  }
0x325: {  	v37 =	vor.u32 s31, v31;
	v34 =	vor.u32 s25, v34;
	[tilespmem:v33+s17+$0x0] =	vst.idx.msk $0xffff, v38  }
0x326: {  	s28 =	sadd.s32 $0x10, s28;
	v35 =	vor.u32 s25, v35;
	[tilespmem:v41+s17+$0x0] =	vst.idx.msk $0xffff, v40;
	v40 =	vmovc v46;
	v36 =	vor.u32 s25, v36;
	v33 =	vor.u32 s25, v39  }
0x327: {  	_ =	sdelay $0x3  }
0x328: {  	[tilespmem:v37+s17+$0x0] =	vst.idx.msk $0xffff, v32;
	s26 =	sadd.s32 $0x400, s26  }
0x329: {  	v32 =	vld.idx.msk [tilespmem:v34+s5+$0x0], $0xffff;
	v34 =	vor.u32 s26, v4  }
0x32a: {  	v35 =	vld.idx.msk [tilespmem:v35+s5+$0x0], $0xffff;
	v37 =	vor.u32 s26, v5  }
0x32b: {  	v36 =	vld.idx.msk [tilespmem:v36+s5+$0x0], $0xffff;
	v38 =	vor.u32 s26, v6  }
0x32c: {  	v33 =	vld.idx.msk [tilespmem:v33+s5+$0x0], $0xffff;
	v39 =	vor.u32 s26, v7  }
0x32d: {  	v40 =	vor.u32 s25, v46  }
0x32e: {  	v41 =	vor.u32 s25, v42;
	[tilespmem:v34+s17+$0x0] =	vst.idx.msk $0xffff, v32  }
0x32f: {  	v42 =	vor.u32 s25, v16;
	[tilespmem:v37+s17+$0x0] =	vst.idx.msk $0xffff, v35  }
0x330: {  	v43 =	vor.u32 s25, v43;
	[tilespmem:v38+s17+$0x0] =	vst.idx.msk $0xffff, v36  }
0x331: {  	[tilespmem:v39+s17+$0x0] =	vst.idx.msk $0xffff, v33  }
0x332: {  	v36 =	vor.u32 s26, v12;
	v33 =	vld.idx.msk [tilespmem:v40+s5+$0x0], $0xffff  }
0x333: {  	v37 =	vor.u32 s26, v13;
	v32 =	vld.idx.msk [tilespmem:v41+s5+$0x0], $0xffff  }
0x334: {  	v38 =	vor.u32 s26, v14;
	v34 =	vld.idx.msk [tilespmem:v42+s5+$0x0], $0xffff  }
0x335: {  	v39 =	vor.u32 s26, v15;
	v35 =	vld.idx.msk [tilespmem:v43+s5+$0x0], $0xffff  }
0x336: {  	v40 =	vor.u32 s25, v11  }
0x337: {  	v41 =	vor.u32 s25, v1;
	[tilespmem:v36+s17+$0x0] =	vst.idx.msk $0xffff, v33  }
0x338: {  	v42 =	vor.u32 s25, v52;
	[tilespmem:v37+s17+$0x0] =	vst.idx.msk $0xffff, v32  }
0x339: {  	v43 =	vor.u32 s25, v47;
	[tilespmem:v38+s17+$0x0] =	vst.idx.msk $0xffff, v34  }
0x33a: {  	[tilespmem:v39+s17+$0x0] =	vst.idx.msk $0xffff, v35  }
0x33b: {  	v36 =	vor.u32 s26, v20;
	v35 =	vld.idx.msk [tilespmem:v40+s5+$0x0], $0xffff  }
0x33c: {  	v37 =	vor.u32 s26, v21;
	v33 =	vld.idx.msk [tilespmem:v41+s5+$0x0], $0xffff  }
0x33d: {  	v38 =	vor.u32 s26, v22;
	v32 =	vld.idx.msk [tilespmem:v42+s5+$0x0], $0xffff  }
0x33e: {  	v47 =	vor.u32 s26, v23;
	v34 =	vld.idx.msk [tilespmem:v43+s5+$0x0], $0xffff  }
0x33f: {  	v52 =	vor.u32 s25, v48  }
0x340: {  	v59 =	vor.u32 s25, v59;
	[tilespmem:v36+s17+$0x0] =	vst.idx.msk $0xffff, v35  }
0x341: {  	v41 =	vor.u32 s25, v56;
	[tilespmem:v37+s17+$0x0] =	vst.idx.msk $0xffff, v33  }
0x342: {  	v43 =	vor.u32 s25, v57;
	[tilespmem:v38+s17+$0x0] =	vst.idx.msk $0xffff, v32  }
0x343: {  	[tilespmem:v47+s17+$0x0] =	vst.idx.msk $0xffff, v34  }
0x344: {  	v36 =	vor.u32 s26, v28;
	v34 =	vld.idx.msk [tilespmem:v52+s5+$0x0], $0xffff  }
0x345: {  	v47 =	vor.u32 s26, v29;
	v35 =	vld.idx.msk [tilespmem:v59+s5+$0x0], $0xffff  }
0x346: {  	v42 =	vmov v48;
	v48 =	vor.u32 s26, v30;
	v33 =	vld.idx.msk [tilespmem:v41+s5+$0x0], $0xffff  }
0x347: {  	v32 =	vld.idx.msk [tilespmem:v43+s5+$0x0], $0xffff;
	v52 =	vor.u32 s26, v31  }
0x348: {  	v57 =	vor.u32 s25, v19  }
0x349: {  	v43 =	vor.u32 s25, v54;
	[tilespmem:v36+s17+$0x0] =	vst.idx.msk $0xffff, v34  }
0x34a: {  	[tilespmem:v47+s17+$0x0] =	vst.idx.msk $0xffff, v35;
	v47 =	vor.u32 s25, v10  }
0x34b: {  	[tilespmem:v48+s17+$0x0] =	vst.idx.msk $0xffff, v33;
	v48 =	vor.u32 s25, v51  }
0x34c: {  	s28 =	sadd.s32 $0x10, s26;
	[tilespmem:v52+s17+$0x0] =	vst.idx.msk $0xffff, v32  }
0x34d: {  	v51 =	vor.u32 s28, v4;
	v32 =	vld.idx.msk [tilespmem:v57+s5+$0x0], $0xffff  }
0x34e: {  	v52 =	vor.u32 s28, v5;
	v34 =	vld.idx.msk [tilespmem:v43+s5+$0x0], $0xffff  }
0x34f: {  	v54 =	vor.u32 s28, v6;
	v35 =	vld.idx.msk [tilespmem:v47+s5+$0x0], $0xffff  }
0x350: {  	v57 =	vor.u32 s28, v7;
	v33 =	vld.idx.msk [tilespmem:v48+s5+$0x0], $0xffff  }
0x351: {  	v62 =	vor.u32 s25, v62  }
0x352: {  	[tilespmem:v51+s17+$0x0] =	vst.idx.msk $0xffff, v32  }
0x353: {  	[tilespmem:v52+s17+$0x0] =	vst.idx.msk $0xffff, v34  }
0x354: {  	v47 =	vor.u32 s25, v44;
	[tilespmem:v54+s17+$0x0] =	vst.idx.msk $0xffff, v35  }
0x355: {  	v48 =	vor.u32 s25, v50;
	[tilespmem:v57+s17+$0x0] =	vst.idx.msk $0xffff, v33  }
0x356: {  	v50 =	vor.u32 s25, v8;
	v33 =	vld.idx.msk [tilespmem:v62+s5+$0x0], $0xffff  }
0x357: {  	v62 =	vor.u32 s25, v0;
	v0 =	vld [tilespmem:$0x1FEA0];
	_ =	sdelay $0x1  }
0x358: {  	v51 =	vor.u32 s28, v12;
	v32 =	vld.idx.msk [tilespmem:v47+s5+$0x0], $0xffff  }
0x359: {  	v52 =	vor.u32 s28, v13;
	v34 =	vld.idx.msk [tilespmem:v48+s5+$0x0], $0xffff  }
0x35a: {  	v54 =	vor.u32 s28, v14;
	v35 =	vld.idx.msk [tilespmem:v50+s5+$0x0], $0xffff  }
0x35b: {  	v57 =	vor.u32 s28, v15;
	v44 =	vor.u32 s25, v0;
	v0 =	vld [tilespmem:$0x1FEB0];
	_ =	sdelay $0x1  }
0x35c: {  	v41 =	vor.u32 s25, v2;
	[tilespmem:v51+s17+$0x0] =	vst.idx.msk $0xffff, v33  }
0x35d: {  	v43 =	vor.u32 s25, v3;
	[tilespmem:v52+s17+$0x0] =	vst.idx.msk $0xffff, v32  }
0x35e: {  	[tilespmem:v54+s17+$0x0] =	vst.idx.msk $0xffff, v34  }
0x35f: {  	[tilespmem:v57+s17+$0x0] =	vst.idx.msk $0xffff, v35;
	v52 =	vor.u32 s25, v0;
	v0 =	vld [tilespmem:$0x1FEC0]  }
0x360: {  	v35 =	vld.idx.msk [tilespmem:v62+s5+$0x0], $0xffff  }
0x361: {  	v47 =	vor.u32 s28, v20;
	v33 =	vld.idx.msk [tilespmem:v41+s5+$0x0], $0xffff  }
0x362: {  	v48 =	vor.u32 s28, v21;
	v32 =	vld.idx.msk [tilespmem:v43+s5+$0x0], $0xffff  }
0x363: {  	v50 =	vor.u32 s28, v22;
	v34 =	vld.idx.msk [tilespmem:v44+s5+$0x0], $0xffff  }
0x364: {  	v51 =	vor.u32 s28, v23;
	v54 =	vor.u32 s25, v0;
	v0 =	vld [tilespmem:$0x1FEF0];
	_ =	sdelay $0x1  }
0x365: {  	[tilespmem:v47+s17+$0x0] =	vst.idx.msk $0xffff, v35  }
0x366: {  	[tilespmem:v48+s17+$0x0] =	vst.idx.msk $0xffff, v33  }
0x367: {  	[tilespmem:v50+s17+$0x0] =	vst.idx.msk $0xffff, v32  }
0x368: {  	[tilespmem:v51+s17+$0x0] =	vst.idx.msk $0xffff, v34;
	v51 =	vor.u32 s25, v0;
	v0 =	vld [tilespmem:$0x1FF00];
	_ =	sdelay $0x2  }
0x369: {  	v57 =	vor.u32 s25, v61  }
0x36a: {  	v34 =	vld.idx.msk [tilespmem:v52+s5+$0x0], $0xffff  }
0x36b: {  	v52 =	vor.u32 s25, v0;
	v0 =	vld [tilespmem:$0x1FD60];
	_ =	sdelay $0x2  }
0x36c: {  	v61 =	vor.u32 s25, v9;
	v62 =	vor.u32 s28, v28;
	v33 =	vld.idx.msk [tilespmem:v57+s5+$0x0], $0xffff  }
0x36d: {  	v44 =	vor.u32 s28, v29;
	v35 =	vld.idx.msk [tilespmem:v54+s5+$0x0], $0xffff  }
0x36e: {  	v47 =	vor.u32 s28, v30;
	v54 =	vor.u32 s25, v0;
	v0 =	vld [tilespmem:$0x1FD70];
	_ =	sdelay $0x2  }
0x36f: {  	v32 =	vld.idx.msk [tilespmem:v61+s5+$0x0], $0xffff;
	[tilespmem:v62+s17+$0x0] =	vst.idx.msk $0xffff, v34  }
0x370: {  	[tilespmem:v44+s17+$0x0] =	vst.idx.msk $0xffff, v35  }
0x371: {  	v48 =	vor.u32 s28, v31;
	[tilespmem:v47+s17+$0x0] =	vst.idx.msk $0xffff, v33;
	v47 =	vor.u32 s25, v0;
	v0 =	vld [tilespmem:$0x1FD80];
	_ =	sdelay $0x1  }
0x372: {  	v50 =	vor.u32 s25, v49;
	_ =	sdelay $0x2  }
0x373: {  	[tilespmem:v48+s17+$0x0] =	vst.idx.msk $0xffff, v32;
	v48 =	vor.u32 s25, v0;
	v0 =	vld [tilespmem:$0x1FD90];
	_ =	sdelay $0x1  }
0x374: {  	s30 =	sadd.s32 $0x20, s26;
	v32 =	vld.idx.msk [tilespmem:v50+s5+$0x0], $0xffff  }
0x375: {  	v57 =	vor.u32 s30, v4;
	v34 =	vld.idx.msk [tilespmem:v51+s5+$0x0], $0xffff  }
0x376: {  	v61 =	vor.u32 s30, v5;
	v35 =	vld.idx.msk [tilespmem:v52+s5+$0x0], $0xffff  }
0x377: {  	v62 =	vor.u32 s30, v6;
	v50 =	vor.u32 s25, v0;
	v0 =	vld [tilespmem:$0x1FDB0];
	_ =	sdelay $0x2  }
0x378: {  	v33 =	vld.idx.msk [tilespmem:v54+s5+$0x0], $0xffff;
	[tilespmem:v57+s17+$0x0] =	vst.idx.msk $0xffff, v32  }
0x379: {  	[tilespmem:v61+s17+$0x0] =	vst.idx.msk $0xffff, v34  }
0x37a: {  	[tilespmem:v62+s17+$0x0] =	vst.idx.msk $0xffff, v35;
	v62 =	vor.u32 s25, v0;
	v0 =	vld [tilespmem:$0x1FDC0];
	_ =	sdelay $0x2  }
0x37b: {  	v59 =	vmov v19;
	v19 =	vld [tilespmem:$0x1FDA0];
	v44 =	vor.u32 s30, v7;
	_ =	sdelay $0x1  }
0x37c: {  	v41 =	vor.u32 s25, v0;
	v0 =	vld [tilespmem:$0x1FDD0];
	_ =	sdelay $0x2  }
0x37d: {  	v51 =	vor.u32 s25, v19;
	[tilespmem:v44+s17+$0x0] =	vst.idx.msk $0xffff, v33  }
0x37e: {  	v33 =	vld.idx.msk [tilespmem:v47+s5+$0x0], $0xffff  }
0x37f: {  	v52 =	vor.u32 s30, v12;
	v43 =	vor.u32 s25, v0;
	v0 =	vld [tilespmem:$0x1FDE0]  }
0x380: {  	v54 =	vor.u32 s30, v13;
	v32 =	vld.idx.msk [tilespmem:v48+s5+$0x0], $0xffff  }
0x381: {  	v57 =	vor.u32 s30, v14;
	v34 =	vld.idx.msk [tilespmem:v50+s5+$0x0], $0xffff  }
0x382: {  	v61 =	vor.u32 s30, v15;
	v35 =	vld.idx.msk [tilespmem:v51+s5+$0x0], $0xffff;
	_ =	sdelay $0x1  }
0x383: {  	[tilespmem:v52+s17+$0x0] =	vst.idx.msk $0xffff, v33;
	v44 =	vor.u32 s25, v0;
	v0 =	vld [tilespmem:$0x1FDF0]  }
0x384: {  	[tilespmem:v54+s17+$0x0] =	vst.idx.msk $0xffff, v32  }
0x385: {  	[tilespmem:v57+s17+$0x0] =	vst.idx.msk $0xffff, v34  }
0x386: {  	[tilespmem:v61+s17+$0x0] =	vst.idx.msk $0xffff, v35  }
0x387: {  	v35 =	vld.idx.msk [tilespmem:v62+s5+$0x0], $0xffff  }
0x388: {  	v47 =	vor.u32 s30, v20;
	v52 =	vor.u32 s25, v0;
	v0 =	vld [tilespmem:$0x1FE00]  }
0x389: {  	v48 =	vor.u32 s30, v21;
	v33 =	vld.idx.msk [tilespmem:v41+s5+$0x0], $0xffff  }
0x38a: {  	v50 =	vor.u32 s30, v22;
	v32 =	vld.idx.msk [tilespmem:v43+s5+$0x0], $0xffff  }
0x38b: {  	v51 =	vor.u32 s30, v23;
	v34 =	vld.idx.msk [tilespmem:v44+s5+$0x0], $0xffff;
	_ =	sdelay $0x1  }
0x38c: {  	[tilespmem:v47+s17+$0x0] =	vst.idx.msk $0xffff, v35;
	v54 =	vor.u32 s25, v0  }
0x38d: {  	[tilespmem:v48+s17+$0x0] =	vst.idx.msk $0xffff, v33;
	v0 =	vld [tilespmem:$0x1FC30]  }
0x38e: {  	v57 =	vor.u32 s25, v60;
	[tilespmem:v50+s17+$0x0] =	vst.idx.msk $0xffff, v32  }
0x38f: {  	v60 =	vor.u32 s25, v58;
	[tilespmem:v51+s17+$0x0] =	vst.idx.msk $0xffff, v34  }
0x390: {  	v34 =	vld.idx.msk [tilespmem:v52+s5+$0x0], $0xffff  }
0x391: {  	v61 =	vor.u32 s30, v28;
	v35 =	vld.idx.msk [tilespmem:v54+s5+$0x0], $0xffff  }
0x392: {  	v62 =	vor.u32 s30, v29;
	v50 =	vor.u32 s25, v0;
	v0 =	vld [tilespmem:$0x1FE30]  }
0x393: {  	v43 =	vor.u32 s30, v30;
	v33 =	vld.idx.msk [tilespmem:v57+s5+$0x0], $0xffff  }
0x394: {  	v48 =	vor.u32 s30, v31;
	v32 =	vld.idx.msk [tilespmem:v60+s5+$0x0], $0xffff;
	_ =	sdelay $0x1  }
0x395: {  	v51 =	vor.u32 s25, v18;
	[tilespmem:v61+s17+$0x0] =	vst.idx.msk $0xffff, v34  }
0x396: {  	[tilespmem:v62+s17+$0x0] =	vst.idx.msk $0xffff, v35;
	v62 =	vor.u32 s25, v0;
	v0 =	vld [tilespmem:$0x1FE40]  }
0x397: {  	v52 =	vor.u32 s25, v17;
	[tilespmem:v43+s17+$0x0] =	vst.idx.msk $0xffff, v33  }
0x398: {  	v9 =	vld [tilespmem:$0x1FE50];
	v54 =	vor.u32 s25, v24;
	[tilespmem:v48+s17+$0x0] =	vst.idx.msk $0xffff, v32  }
0x399: {  	v40 =	vmov v46;
	s26 =	sadd.s32 $0x30, s26;
	v46 =	vld.idx.msk [tilespmem:v50+s5+$0x0], $0xffff  }
0x39a: {  	v57 =	vor.u32 s26, v4;
	v34 =	vld.idx.msk [tilespmem:v51+s5+$0x0], $0xffff  }
0x39b: {  	v41 =	vmov v58;
	v58 =	vor.u32 s26, v5;
	v43 =	vor.u32 s25, v0;
	v0 =	vld [tilespmem:$0x1FF20]  }
0x39c: {  	v60 =	vor.u32 s26, v6;
	v35 =	vld.idx.msk [tilespmem:v52+s5+$0x0], $0xffff  }
0x39d: {  	v61 =	vor.u32 s26, v7;
	v33 =	vld.idx.msk [tilespmem:v54+s5+$0x0], $0xffff;
	_ =	sdelay $0x1  }
0x39e: {  	[tilespmem:v57+s17+$0x0] =	vst.idx.msk $0xffff, v46  }
0x39f: {  	[tilespmem:v58+s17+$0x0] =	vst.idx.msk $0xffff, v34;
	v48 =	vor.u32 s25, v0  }
0x3a0: {  	v50 =	vor.u32 s25, v9;
	[tilespmem:v60+s17+$0x0] =	vst.idx.msk $0xffff, v35  }
0x3a1: {  	[tilespmem:v61+s17+$0x0] =	vst.idx.msk $0xffff, v33  }
0x3a2: {  	v51 =	vor.u32 s26, v12;
	v33 =	vld.idx.msk [tilespmem:v62+s5+$0x0], $0xffff  }
0x3a3: {  	v52 =	vor.u32 s26, v13;
	v46 =	vld.idx.msk [tilespmem:v43+s5+$0x0], $0xffff  }
0x3a4: {  	v54 =	vor.u32 s26, v14;
	v32 =	vld.idx.msk [tilespmem:v48+s5+$0x0], $0xffff  }
0x3a5: {  	v60 =	vor.u32 s26, v15;
	v34 =	vld.idx.msk [tilespmem:v50+s5+$0x0], $0xffff  }
0x3a6: {  	v61 =	vor.u32 s25, v26  }
0x3a7: {  	v62 =	vor.u32 s25, v45;
	[tilespmem:v51+s17+$0x0] =	vst.idx.msk $0xffff, v33  }
0x3a8: {  	v43 =	vmov v27;
	v27 =	vor.u32 s25, v27;
	[tilespmem:v52+s17+$0x0] =	vst.idx.msk $0xffff, v46  }
0x3a9: {  	v45 =	vor.u32 s25, v25;
	[tilespmem:v54+s17+$0x0] =	vst.idx.msk $0xffff, v32  }
0x3aa: {  	v11 =	vld [tilespmem:$0x1FE90];
	[tilespmem:v60+s17+$0x0] =	vst.idx.msk $0xffff, v34  }
0x3ab: {  	v46 =	vor.u32 s26, v20;
	v34 =	vld.idx.msk [tilespmem:v61+s5+$0x0], $0xffff  }
0x3ac: {  	v47 =	vor.u32 s26, v21;
	v33 =	vld.idx.msk [tilespmem:v62+s5+$0x0], $0xffff  }
0x3ad: {  	v48 =	vor.u32 s26, v22;
	v27 =	vld.idx.msk [tilespmem:v27+s5+$0x0], $0xffff  }
0x3ae: {  	v50 =	vor.u32 s26, v23;
	v32 =	vld.idx.msk [tilespmem:v45+s5+$0x0], $0xffff  }
0x3af: {  	v51 =	vor.u32 s25, v63  }
0x3b0: {  	v52 =	vor.u32 s25, v53;
	[tilespmem:v46+s17+$0x0] =	vst.idx.msk $0xffff, v34  }
0x3b1: {  	v54 =	vor.u32 s25, v55;
	[tilespmem:v47+s17+$0x0] =	vst.idx.msk $0xffff, v33  }
0x3b2: {  	[tilespmem:v48+s17+$0x0] =	vst.idx.msk $0xffff, v27;
	v27 =	vor.u32 s25, v11  }
0x3b3: {  	[tilespmem:v50+s17+$0x0] =	vst.idx.msk $0xffff, v32  }
0x3b4: {  	v57 =	vor.u32 s26, v28;
	v32 =	vld.idx.msk [tilespmem:v51+s5+$0x0], $0xffff  }
0x3b5: {  	v60 =	vor.u32 s26, v29;
	v34 =	vld.idx.msk [tilespmem:v52+s5+$0x0], $0xffff  }
0x3b6: {  	v61 =	vor.u32 s26, v30;
	v33 =	vld.idx.msk [tilespmem:v54+s5+$0x0], $0xffff  }
0x3b7: {  	v62 =	vor.u32 s26, v31;
	v27 =	vld.idx.msk [tilespmem:v27+s5+$0x0], $0xffff;
	_ =	sdelay $0x1  }
0x3b8: {  	[tilespmem:v57+s17+$0x0] =	vst.idx.msk $0xffff, v32  }
0x3b9: {  	[tilespmem:v60+s17+$0x0] =	vst.idx.msk $0xffff, v34  }
0x3ba: {  	s31 =	sshll.u32 s24, $0xA;
	v16 =	vmov v10;
	v39 =	vld [tilespmem:$0x1FF70];
	v9 =	vmov v63;
	[tilespmem:v61+s17+$0x0] =	vst.idx.msk $0xffff, v33  }
0x3bb: {  	v19 =	vld [tilespmem:$0x1FF80];
	v26 =	vmovc v42;
	v25 =	vmovc v41;
	v41 =	vmov v55;
	v24 =	vmov v43;
	v45 =	vmov v17;
	s25 =	sadd.s32 s2, s31;
	[tilespmem:v62+s17+$0x0] =	vst.idx.msk $0xffff, v27  }
0x3bc: {  	v46 =	vmovc v56;
	v56 =	vmovc v53;
	v47 =	vmov v18;
	v18 =	vmov v0;
	v48 =	vld [tilespmem:$0x1FFA0];
	v54 =	vmov v59;
	[hbm4b:s25+s5] =	stream.linear.scatter [tilespmem:s17], [sflag:$0x3], $0x2000, $0x38  }
.LBB2_6:
0x3bd: {  	s25 =	sor.u32 $0x20, s24  }
0x3be: {  	p1 =	sgt.u32 s25, $0x1E83  }
.Ltmp6:
0x3bf: {  	_ = 	snop;
	(pc) =	sbr.rel @p1 .LBB2_10-.Ltmp6, $1  }
0x3c0: {  	_ =	sdelay $0x3  }
0x3c1: {  	p1 =	sgt.u32 s24, $0x1E43  }
0x3c2: {  	s23 =	sadd.s32 @!p1 s9, s23  }
0x3c3: {  	s24 =	simm.s32 @!p1 $0x400;
	s23 =	sshll.u32 @!p1 s23, $0x7  }
0x3c4: {  	s26 =	simm.s32 @!p1 $0x7A1400;
	s28 =	simm.s32 @!p1 $0x0;
	s23 =	sadd.s32 @!p1 s0, s23  }
0x3c5: {  	[tilespmem:s28], [sflag:$0x1] =	stream.strided.gather @!p1 [hbm4b:s23+s24], $0x2000, s26, s24, $0x38;
	[tilespmem:$0x8000] =	vst v63  }
0x3c6: {  	_ =	swait.ge [sflag:s18], $0x2000  }
0x3c7: {  	p1 =	seq.s32 s22, $0x0;
	[sflag:s18] =	ssyncset.done $0x0  }
0x3c8: {  	s23 =	simm.s32 @!p1 $0x4;
	[sflag:s18] =	ssyncadd.s32 $0xFFFFE000  }
0x3c9: {  	_ =	swait.ge @!p1 [sflag:s23], $0x2000  }
0x3ca: {  	v50 =	vld [tilespmem:$0x1FC40]  }
0x3cb: {  	v0 =	vld [tilespmem:$0x1FC50]  }
0x3cc: {  	s24 =	simm.s32 $0x0  }
0x3cd: {  	v27 =	vor.u32 s24, v19  }
0x3ce: {  	v32 =	vor.u32 s24, v39  }
0x3cf: {  	v3 =	vld [tilespmem:$0x1FC60];
	v33 =	vor.u32 s24, v50  }
0x3d0: {  	[sflag:s23] =	ssyncset.done @!p1 $0x0;
	v51 =	vld [tilespmem:$0x1FC70];
	v34 =	vor.u32 s24, v0  }
0x3d1: {  	v45 =	vld [tilespmem:$0x1FC80];
	[sflag:s23] =	ssyncadd.s32 @!p1 $0xFFFFE000  }
0x3d2: {  	v35 =	vor.u32 s24, v4;
	v27 =	vld.idx.msk [tilespmem:v27+s19+$0x0], $0xffff  }
0x3d3: {  	v36 =	vor.u32 s24, v5;
	v32 =	vld.idx.msk [tilespmem:v32+s19+$0x0], $0xffff  }
0x3d4: {  	v37 =	vor.u32 s24, v6;
	v33 =	vld.idx.msk [tilespmem:v33+s19+$0x0], $0xffff  }
0x3d5: {  	v38 =	vor.u32 s24, v7;
	v34 =	vld.idx.msk [tilespmem:v34+s19+$0x0], $0xffff  }
0x3d6: {  	v43 =	vor.u32 s24, v40  }
0x3d7: {  	[tilespmem:v35+s20+$0x0] =	vst.idx.msk $0xffff, v27;
	v27 =	vor.u32 s24, v3  }
0x3d8: {  	v53 =	vor.u32 s24, v51;
	[tilespmem:v36+s20+$0x0] =	vst.idx.msk $0xffff, v32  }
0x3d9: {  	v55 =	vor.u32 s24, v45;
	[tilespmem:v37+s20+$0x0] =	vst.idx.msk $0xffff, v33  }
0x3da: {  	v3 =	vld [tilespmem:$0x1FC90];
	[tilespmem:v38+s20+$0x0] =	vst.idx.msk $0xffff, v34  }
0x3db: {  	v57 =	vor.u32 s24, v12;
	v34 =	vld.idx.msk [tilespmem:v43+s19+$0x0], $0xffff  }
0x3dc: {  	v27 =	vld.idx.msk [tilespmem:v27+s19+$0x0], $0xffff  }
0x3dd: {  	v32 =	vld.idx.msk [tilespmem:v53+s19+$0x0], $0xffff  }
0x3de: {  	v61 =	vor.u32 s24, v13;
	v33 =	vld.idx.msk [tilespmem:v55+s19+$0x0], $0xffff  }
0x3df: {  	v62 =	vor.u32 s24, v14;
	v53 =	vor.u32 s24, v3;
	v3 =	vld [tilespmem:$0x1FCB0]  }
0x3e0: {  	v63 =	vor.u32 s24, v15;
	[tilespmem:v57+s20+$0x0] =	vst.idx.msk $0xffff, v34;
	v57 =	vld [tilespmem:$0x1FCA0]  }
0x3e1: {  	v44 =	vmov v9;
	v9 =	vmov v48;
	v48 =	vor.u32 s24, v48;
	_ =	sdelay $0x1  }
0x3e2: {  	[tilespmem:v61+s20+$0x0] =	vst.idx.msk $0xffff, v27  }
0x3e3: {  	v55 =	vor.u32 s24, v3;
	[tilespmem:v62+s20+$0x0] =	vst.idx.msk $0xffff, v32  }
0x3e4: {  	[tilespmem:v63+s20+$0x0] =	vst.idx.msk $0xffff, v33;
	v27 =	vor.u32 s24, v57  }
0x3e5: {  	v61 =	vor.u32 s24, v20;
	v33 =	vld.idx.msk [tilespmem:v48+s19+$0x0], $0xffff  }
0x3e6: {  	v8 =	vld [tilespmem:$0x1FCC0]  }
0x3e7: {  	v34 =	vld.idx.msk [tilespmem:v53+s19+$0x0], $0xffff  }
0x3e8: {  	v32 =	vld.idx.msk [tilespmem:v55+s19+$0x0], $0xffff  }
0x3e9: {  	v62 =	vor.u32 s24, v21;
	v27 =	vld.idx.msk [tilespmem:v27+s19+$0x0], $0xffff  }
0x3ea: {  	v63 =	vor.u32 s24, v22;
	[tilespmem:v61+s20+$0x0] =	vst.idx.msk $0xffff, v33;
	v61 =	vld [tilespmem:$0x1FCD0]  }
0x3eb: {  	v42 =	vor.u32 s24, v23  }
0x3ec: {  	v43 =	vor.u32 s24, v26  }
0x3ed: {  	v48 =	vor.u32 s24, v8  }
0x3ee: {  	v53 =	vor.u32 s24, v46;
	[tilespmem:v62+s20+$0x0] =	vst.idx.msk $0xffff, v34  }
0x3ef: {  	[tilespmem:v63+s20+$0x0] =	vst.idx.msk $0xffff, v27;
	v27 =	vor.u32 s24, v61  }
0x3f0: {  	v58 =	vld [tilespmem:$0x1FCE0];
	[tilespmem:v42+s20+$0x0] =	vst.idx.msk $0xffff, v32  }
0x3f1: {  	v42 =	vor.u32 s24, v28;
	v32 =	vld.idx.msk [tilespmem:v43+s19+$0x0], $0xffff  }
0x3f2: {  	v33 =	vld.idx.msk [tilespmem:v48+s19+$0x0], $0xffff;
	v43 =	vor.u32 s24, v29  }
0x3f3: {  	v55 =	vmov v46;
	v46 =	vor.u32 s24, v30;
	v34 =	vld.idx.msk [tilespmem:v53+s19+$0x0], $0xffff  }
0x3f4: {  	v48 =	vor.u32 s24, v31;
	v27 =	vld.idx.msk [tilespmem:v27+s19+$0x0], $0xffff  }
0x3f5: {  	v60 =	vld [tilespmem:$0x1FCF0];
	v53 =	vor.u32 s24, v54  }
0x3f6: {  	v62 =	vor.u32 s24, v58;
	[tilespmem:v42+s20+$0x0] =	vst.idx.msk $0xffff, v32  }
0x3f7: {  	[tilespmem:v43+s20+$0x0] =	vst.idx.msk $0xffff, v33  }
0x3f8: {  	[tilespmem:v46+s20+$0x0] =	vst.idx.msk $0xffff, v34  }
0x3f9: {  	v63 =	vor.u32 s24, v16;
	v16 =	vld [tilespmem:$0x1FD00];
	[tilespmem:v48+s20+$0x0] =	vst.idx.msk $0xffff, v27  }
0x3fa: {  	v42 =	vor.u32 s24, v60;
	v27 =	vld.idx.msk [tilespmem:v53+s19+$0x0], $0xffff  }
0x3fb: {  	s23 =	simm.s32 $0x10;
	v32 =	vld.idx.msk [tilespmem:v62+s19+$0x0], $0xffff  }
0x3fc: {  	v43 =	vor.u32 s23, v4;
	v62 =	vld [tilespmem:$0x1FD10]  }
0x3fd: {  	v59 =	vmov v49;
	v49 =	vld [tilespmem:$0x1FD20];
	v46 =	vor.u32 s23, v5  }
0x3fe: {  	v48 =	vor.u32 s23, v6;
	v33 =	vld.idx.msk [tilespmem:v63+s19+$0x0], $0xffff  }
0x3ff: {  	v53 =	vor.u32 s23, v7;
	v34 =	vld.idx.msk [tilespmem:v42+s19+$0x0], $0xffff  }
0x400: {  	v42 =	vor.u32 s24, v16  }
0x401: {  	[tilespmem:v43+s20+$0x0] =	vst.idx.msk $0xffff, v27;
	v27 =	vor.u32 s24, v62  }
0x402: {  	v63 =	vld [tilespmem:$0x1FD30];
	v43 =	vor.u32 s24, v49;
	[tilespmem:v46+s20+$0x0] =	vst.idx.msk $0xffff, v32  }
0x403: {  	[tilespmem:v48+s20+$0x0] =	vst.idx.msk $0xffff, v33  }
0x404: {  	[tilespmem:v53+s20+$0x0] =	vst.idx.msk $0xffff, v34  }
0x405: {  	v34 =	vld.idx.msk [tilespmem:v42+s19+$0x0], $0xffff  }
0x406: {  	v27 =	vld.idx.msk [tilespmem:v27+s19+$0x0], $0xffff  }
0x407: {  	v46 =	vor.u32 s24, v63;
	v48 =	vor.u32 s23, v12;
	v32 =	vld.idx.msk [tilespmem:v43+s19+$0x0], $0xffff  }
0x408: {  	v49 =	vor.u32 s23, v13;
	v43 =	vld [tilespmem:$0x1FD40]  }
0x409: {  	v0 =	vld [tilespmem:$0x1FEA0];
	v53 =	vor.u32 s23, v14;
	_ =	sdelay $0x2  }
0x40a: {  	v42 =	vor.u32 s23, v15;
	v33 =	vld.idx.msk [tilespmem:v46+s19+$0x0], $0xffff;
	[tilespmem:v48+s20+$0x0] =	vst.idx.msk $0xffff, v34  }
0x40b: {  	v52 =	vmov v39;
	v39 =	vor.u32 s24, v43;
	[tilespmem:v49+s20+$0x0] =	vst.idx.msk $0xffff, v27  }
0x40c: {  	v16 =	vmov v47;
	v47 =	vor.u32 s24, v0;
	[tilespmem:v53+s20+$0x0] =	vst.idx.msk $0xffff, v32;
	v53 =	vmov v0;
	v0 =	vld [tilespmem:$0x1FEB0];
	_ =	sdelay $0x2  }
0x40d: {  	v1 =	vld [tilespmem:$0x1FD50];
	[tilespmem:v42+s20+$0x0] =	vst.idx.msk $0xffff, v33  }
0x40e: {  	v46 =	vor.u32 s24, v2;
	v33 =	vld.idx.msk [tilespmem:v39+s19+$0x0], $0xffff  }
0x40f: {  	v39 =	vor.u32 s24, v0;
	v0 =	vld [tilespmem:$0x1FEC0];
	_ =	sdelay $0x2  }
0x410: {  	v27 =	vor.u32 s24, v1  }
0x411: {  	v34 =	vld.idx.msk [tilespmem:v46+s19+$0x0], $0xffff  }
0x412: {  	v48 =	vor.u32 s23, v20;
	v46 =	vmov v0;
	v42 =	vor.u32 s24, v0;
	v0 =	vld [tilespmem:$0x1FED0];
	_ =	sdelay $0x1  }
0x413: {  	v49 =	vor.u32 s23, v21  }
0x414: {  	v37 =	vor.u32 s23, v22;
	v27 =	vld.idx.msk [tilespmem:v27+s19+$0x0], $0xffff  }
0x415: {  	v38 =	vor.u32 s23, v23;
	v32 =	vld.idx.msk [tilespmem:v47+s19+$0x0], $0xffff  }
0x416: {  	[tilespmem:v48+s20+$0x0] =	vst.idx.msk $0xffff, v33;
	v48 =	vmov v0;
	v43 =	vor.u32 s24, v0;
	v0 =	vld [tilespmem:$0x1FEE0];
	_ =	sdelay $0x1  }
0x417: {  	[tilespmem:v49+s20+$0x0] =	vst.idx.msk $0xffff, v34  }
0x418: {  	[tilespmem:v37+s20+$0x0] =	vst.idx.msk $0xffff, v27  }
0x419: {  	[tilespmem:v38+s20+$0x0] =	vst.idx.msk $0xffff, v32  }
0x41a: {  	v32 =	vld.idx.msk [tilespmem:v39+s19+$0x0], $0xffff;
	v27 =	vor.u32 s24, v0  }
0x41b: {  	v47 =	vmovc v9;
	v9 =	vmov v54;
	v54 =	vor.u32 s23, v28;
	v49 =	vmov v0;
	v0 =	vld [tilespmem:$0x1FEF0];
	_ =	sdelay $0x1  }
0x41c: {  	v33 =	vld.idx.msk [tilespmem:v42+s19+$0x0], $0xffff  }
0x41d: {  	v34 =	vld.idx.msk [tilespmem:v43+s19+$0x0], $0xffff  }
0x41e: {  	v27 =	vld.idx.msk [tilespmem:v27+s19+$0x0], $0xffff  }
0x41f: {  	v42 =	vor.u32 s23, v29;
	[tilespmem:v54+s20+$0x0] =	vst.idx.msk $0xffff, v32;
	v32 =	vor.u32 s24, v0;
	v0 =	vld [tilespmem:$0x1FF00];
	_ =	sdelay $0x4  }
0x420: {  	v43 =	vor.u32 s23, v30;
	[tilespmem:v42+s20+$0x0] =	vst.idx.msk $0xffff, v33;
	v42 =	vor.u32 s24, v0;
	v0 =	vld [tilespmem:$0x1FD60]  }
0x421: {  	v38 =	vor.u32 s23, v31  }
0x422: {  	v39 =	vor.u32 s24, v59;
	_ =	sdelay $0x1  }
0x423: {  	v2 =	vld [tilespmem:$0x1FD90]  }
0x424: {  	v1 =	vld [tilespmem:$0x1FD80];
	[tilespmem:v43+s20+$0x0] =	vst.idx.msk $0xffff, v34;
	v43 =	vor.u32 s24, v0  }
0x425: {  	s30 =	simm.s32 $0x20;
	[tilespmem:v38+s20+$0x0] =	vst.idx.msk $0xffff, v27;
	v0 =	vld [tilespmem:$0x1FD70]  }
0x426: {  	v35 =	vor.u32 s30, v4;
	v27 =	vld.idx.msk [tilespmem:v39+s19+$0x0], $0xffff  }
0x427: {  	v36 =	vor.u32 s30, v5;
	v32 =	vld.idx.msk [tilespmem:v32+s19+$0x0], $0xffff  }
0x428: {  	v33 =	vld.idx.msk [tilespmem:v42+s19+$0x0], $0xffff;
	v42 =	vor.u32 s30, v6  }
0x429: {  	v38 =	vor.u32 s30, v7;
	v34 =	vld.idx.msk [tilespmem:v43+s19+$0x0], $0xffff  }
0x42a: {  	v3 =	vld [tilespmem:$0x1FDA0];
	v43 =	vor.u32 s24, v0  }
0x42b: {  	[tilespmem:v35+s20+$0x0] =	vst.idx.msk $0xffff, v27;
	v27 =	vor.u32 s24, v1  }
0x42c: {  	[tilespmem:v36+s20+$0x0] =	vst.idx.msk $0xffff, v32  }
0x42d: {  	[tilespmem:v42+s20+$0x0] =	vst.idx.msk $0xffff, v33  }
0x42e: {  	v0 =	vld [tilespmem:$0x1FDD0];
	v32 =	vor.u32 s24, v2;
	[tilespmem:v38+s20+$0x0] =	vst.idx.msk $0xffff, v34  }
0x42f: {  	v42 =	vor.u32 s24, v3;
	v34 =	vld.idx.msk [tilespmem:v43+s19+$0x0], $0xffff;
	v43 =	vor.u32 s30, v12  }
0x430: {  	v36 =	vor.u32 s30, v13;
	v27 =	vld.idx.msk [tilespmem:v27+s19+$0x0], $0xffff  }
0x431: {  	v1 =	vld [tilespmem:$0x1FDB0]  }
0x432: {  	v2 =	vld [tilespmem:$0x1FDC0]  }
0x433: {  	v32 =	vld.idx.msk [tilespmem:v32+s19+$0x0], $0xffff  }
0x434: {  	v33 =	vld.idx.msk [tilespmem:v42+s19+$0x0], $0xffff;
	[tilespmem:v43+s20+$0x0] =	vst.idx.msk $0xffff, v34  }
0x435: {  	v37 =	vor.u32 s30, v14;
	[tilespmem:v36+s20+$0x0] =	vst.idx.msk $0xffff, v27;
	v27 =	vor.u32 s24, v0;
	v0 =	vld [tilespmem:$0x1FDE0]  }
0x436: {  	v38 =	vor.u32 s30, v15  }
0x437: {  	v39 =	vor.u32 s24, v1  }
0x438: {  	v17 =	vld [tilespmem:$0x1FE10];
	v34 =	vor.u32 s24, v2  }
0x439: {  	v10 =	vld [tilespmem:$0x1FE00]  }
0x43a: {  	v25 =	vld [tilespmem:$0x1FFE0];
	[tilespmem:v37+s20+$0x0] =	vst.idx.msk $0xffff, v32;
	v32 =	vor.u32 s24, v0  }
0x43b: {  	[tilespmem:v38+s20+$0x0] =	vst.idx.msk $0xffff, v33;
	v0 =	vld [tilespmem:$0x1FDF0]  }
0x43c: {  	v35 =	vor.u32 s30, v20;
	v33 =	vld.idx.msk [tilespmem:v39+s19+$0x0], $0xffff  }
0x43d: {  	v36 =	vor.u32 s30, v21;
	v34 =	vld.idx.msk [tilespmem:v34+s19+$0x0], $0xffff  }
0x43e: {  	v37 =	vor.u32 s30, v22;
	v27 =	vld.idx.msk [tilespmem:v27+s19+$0x0], $0xffff  }
0x43f: {  	v38 =	vor.u32 s30, v23;
	v32 =	vld.idx.msk [tilespmem:v32+s19+$0x0], $0xffff  }
0x440: {  	v39 =	vor.u32 s24, v0  }
0x441: {  	[tilespmem:v35+s20+$0x0] =	vst.idx.msk $0xffff, v33  }
0x442: {  	v33 =	vor.u32 s24, v10;
	[tilespmem:v36+s20+$0x0] =	vst.idx.msk $0xffff, v34  }
0x443: {  	v34 =	vor.u32 s24, v17;
	[tilespmem:v37+s20+$0x0] =	vst.idx.msk $0xffff, v27  }
0x444: {  	v27 =	vor.u32 s24, v25;
	[tilespmem:v38+s20+$0x0] =	vst.idx.msk $0xffff, v32  }
0x445: {  	v35 =	vor.u32 s30, v28;
	v32 =	vld.idx.msk [tilespmem:v39+s19+$0x0], $0xffff;
	_ =	sdelay $0x1  }
0x446: {  	v33 =	vld.idx.msk [tilespmem:v33+s19+$0x0], $0xffff  }
0x447: {  	v34 =	vld.idx.msk [tilespmem:v34+s19+$0x0], $0xffff  }
0x448: {  	v38 =	vld.idx.msk [tilespmem:v27+s19+$0x0], $0xffff  }
0x449: {  	v0 =	vor.u32 $0x1800, v19;
	v36 =	vor.u32 s30, v29;
	v27 =	vmovc v16;
	[tilespmem:v35+s20+$0x0] =	vst.idx.msk $0xffff, v32;
	v32 =	vor.u32 s24, v16;
	v16 =	vld [tilespmem:$0x1FFD0]  }
0x44a: {  	v2 =	vmovc v40;
	v11 =	vmov v0;
	v40 =	vor.u32 s24, v0;
	v0 =	vld [tilespmem:$0x1FE20];
	v37 =	vor.u32 s30, v30  }
0x44b: {  	v39 =	vor.u32 s30, v31;
	_ =	sdelay $0x2  }
0x44c: {  	v8 =	vmov v56;
	v56 =	vmov v9;
	v9 =	vld [tilespmem:$0x1FE30];
	[tilespmem:v36+s20+$0x0] =	vst.idx.msk $0xffff, v33;
	v33 =	vor.u32 s24, v16  }
0x44d: {  	v54 =	vmovc v61;
	v61 =	vmov v26;
	v26 =	vmov v10;
	v10 =	vld [tilespmem:$0x1FE50];
	[tilespmem:v37+s20+$0x0] =	vst.idx.msk $0xffff, v34;
	v34 =	vor.u32 s24, v0  }
0x44e: {  	s31 =	simm.s32 $0x30;
	v42 =	vmov v24;
	v24 =	vmov v17;
	v17 =	vld [tilespmem:$0x1FE40];
	[tilespmem:v39+s20+$0x0] =	vst.idx.msk $0xffff, v38  }
0x44f: {  	v36 =	vor.u32 s31, v4;
	v35 =	vld.idx.msk [tilespmem:v40+s19+$0x0], $0xffff  }
0x450: {  	v37 =	vor.u32 s31, v5;
	v32 =	vld.idx.msk [tilespmem:v32+s19+$0x0], $0xffff  }
0x451: {  	v38 =	vor.u32 s31, v6;
	v33 =	vld.idx.msk [tilespmem:v33+s19+$0x0], $0xffff  }
0x452: {  	v39 =	vor.u32 s31, v7;
	v34 =	vld.idx.msk [tilespmem:v34+s19+$0x0], $0xffff  }
0x453: {  	v40 =	vor.u32 s24, v9  }
0x454: {  	[tilespmem:v36+s20+$0x0] =	vst.idx.msk $0xffff, v35;
	v35 =	vor.u32 s24, v17  }
0x455: {  	v3 =	vmov v41;
	v41 =	vld [tilespmem:$0x1FE70];
	[tilespmem:v37+s20+$0x0] =	vst.idx.msk $0xffff, v32;
	v32 =	vor.u32 s24, v18  }
0x456: {  	v1 =	vld [tilespmem:$0x1FE60];
	[tilespmem:v38+s20+$0x0] =	vst.idx.msk $0xffff, v33;
	v33 =	vor.u32 s24, v10  }
0x457: {  	v43 =	vld [tilespmem:$0x1FE80];
	[tilespmem:v39+s20+$0x0] =	vst.idx.msk $0xffff, v34  }
0x458: {  	v36 =	vor.u32 s31, v12;
	v34 =	vld.idx.msk [tilespmem:v40+s19+$0x0], $0xffff  }
0x459: {  	v37 =	vor.u32 s31, v13;
	v35 =	vld.idx.msk [tilespmem:v35+s19+$0x0], $0xffff  }
0x45a: {  	v38 =	vor.u32 s31, v14;
	v32 =	vld.idx.msk [tilespmem:v32+s19+$0x0], $0xffff  }
0x45b: {  	v39 =	vor.u32 s31, v15;
	v33 =	vld.idx.msk [tilespmem:v33+s19+$0x0], $0xffff  }
0x45c: {  	v40 =	vor.u32 s24, v1  }
0x45d: {  	v41 =	vor.u32 s24, v41;
	[tilespmem:v36+s20+$0x0] =	vst.idx.msk $0xffff, v34  }
0x45e: {  	v42 =	vor.u32 s24, v42;
	[tilespmem:v37+s20+$0x0] =	vst.idx.msk $0xffff, v35  }
0x45f: {  	v43 =	vor.u32 s24, v43;
	[tilespmem:v38+s20+$0x0] =	vst.idx.msk $0xffff, v32  }
0x460: {  	[tilespmem:v39+s20+$0x0] =	vst.idx.msk $0xffff, v33  }
0x461: {  	v33 =	vld.idx.msk [tilespmem:v40+s19+$0x0], $0xffff  }
0x462: {  	v36 =	vor.u32 s31, v20;
	v34 =	vld.idx.msk [tilespmem:v41+s19+$0x0], $0xffff  }
0x463: {  	v37 =	vor.u32 s31, v21;
	v35 =	vld.idx.msk [tilespmem:v42+s19+$0x0], $0xffff  }
0x464: {  	v38 =	vor.u32 s31, v22;
	v32 =	vld.idx.msk [tilespmem:v43+s19+$0x0], $0xffff  }
0x465: {  	v39 =	vor.u32 s31, v23;
	v41 =	vld [tilespmem:$0x1FE90]  }
0x466: {  	v40 =	vor.u32 s24, v44  }
0x467: {  	v1 =	vld [tilespmem:$0x1FC50];
	v44 =	vor.u32 s24, v8;
	[tilespmem:v36+s20+$0x0] =	vst.idx.msk $0xffff, v33  }
0x468: {  	v8 =	vmov v18;
	v18 =	vld [tilespmem:$0x1FD40];
	[tilespmem:v37+s20+$0x0] =	vst.idx.msk $0xffff, v34;
	v34 =	vor.u32 s24, v3  }
0x469: {  	v43 =	vld [tilespmem:$0x1FC90];
	[tilespmem:v38+s20+$0x0] =	vst.idx.msk $0xffff, v35  }
0x46a: {  	v3 =	vmov v17;
	v17 =	vmov v27;
	v27 =	vld [tilespmem:$0x1FFF0];
	v35 =	vor.u32 s24, v41;
	[tilespmem:v39+s20+$0x0] =	vst.idx.msk $0xffff, v32  }
0x46b: {  	v36 =	vld.idx.msk [tilespmem:v40+s19+$0x0], $0xffff  }
0x46c: {  	v37 =	vor.u32 s31, v28;
	v33 =	vld.idx.msk [tilespmem:v44+s19+$0x0], $0xffff  }
0x46d: {  	v44 =	vor.u32 s31, v29;
	v39 =	vld.idx.msk [tilespmem:v34+s19+$0x0], $0xffff  }
0x46e: {  	v42 =	vmovc v19;
	v40 =	vor.u32 s31, v30;
	v34 =	vor.u32 s23, v19;
	v19 =	vmovc v24;
	v24 =	vmov v26;
	v26 =	vld [tilespmem:$0x1FD00]  }
0x46f: {  	v32 =	vld.idx.msk [tilespmem:v35+s19+$0x0], $0xffff  }
0x470: {  	v35 =	vor.u32 s23, v52;
	v52 =	vmov v54;
	v54 =	vld [tilespmem:$0x1FCB0]  }
0x471: {  	[tilespmem:v37+s20+$0x0] =	vst.idx.msk $0xffff, v36;
	v36 =	vor.u32 s23, v50;
	v50 =	vld [tilespmem:$0x1FD20]  }
0x472: {  	v37 =	vor.u32 s31, v31;
	[tilespmem:v44+s20+$0x0] =	vst.idx.msk $0xffff, v33;
	v33 =	vor.u32 s23, v1;
	v1 =	vld [tilespmem:$0x1FC60]  }
0x473: {  	s26 =	simm.s32 $0x20;
	v44 =	vld [tilespmem:$0x1FCC0];
	[tilespmem:v40+s20+$0x0] =	vst.idx.msk $0xffff, v39  }
.LBB2_8:
0x474: {  	_ =	sdelay $0x2  }
0x475: {  	[tilespmem:v37+s20+$0x0] =	vst.idx.msk $0xffff, v32  }
0x476: {  	s24 =	sadd.s32 $0x400, s24;
	v32 =	vld.idx.msk [tilespmem:v34+s19+$0x0], $0xffff  }
0x477: {  	v34 =	vld.idx.msk [tilespmem:v35+s19+$0x0], $0xffff;
	v35 =	vor.u32 s24, v4  }
0x478: {  	v37 =	vor.u32 s24, v5  }
0x479: {  	v36 =	vld.idx.msk [tilespmem:v36+s19+$0x0], $0xffff;
	v38 =	vor.u32 s24, v6  }
0x47a: {  	v33 =	vld.idx.msk [tilespmem:v33+s19+$0x0], $0xffff;
	v39 =	vor.u32 s24, v7  }
0x47b: {  	v40 =	vor.u32 s23, v2  }
0x47c: {  	[tilespmem:v35+s20+$0x0] =	vst.idx.msk $0xffff, v32;
	v32 =	vor.u32 s23, v1  }
0x47d: {  	[tilespmem:v37+s20+$0x0] =	vst.idx.msk $0xffff, v34;
	v34 =	vor.u32 s23, v51  }
0x47e: {  	v35 =	vor.u32 s23, v45;
	[tilespmem:v38+s20+$0x0] =	vst.idx.msk $0xffff, v36  }
0x47f: {  	[tilespmem:v39+s20+$0x0] =	vst.idx.msk $0xffff, v33  }
0x480: {  	v36 =	vor.u32 s24, v12;
	v33 =	vld.idx.msk [tilespmem:v40+s19+$0x0], $0xffff  }
0x481: {  	v37 =	vor.u32 s24, v13;
	v32 =	vld.idx.msk [tilespmem:v32+s19+$0x0], $0xffff  }
0x482: {  	v38 =	vor.u32 s24, v14;
	v34 =	vld.idx.msk [tilespmem:v34+s19+$0x0], $0xffff  }
0x483: {  	v39 =	vor.u32 s24, v15;
	v35 =	vld.idx.msk [tilespmem:v35+s19+$0x0], $0xffff  }
0x484: {  	v40 =	vor.u32 s23, v47  }
0x485: {  	[tilespmem:v36+s20+$0x0] =	vst.idx.msk $0xffff, v33;
	v36 =	vor.u32 s23, v43  }
0x486: {  	[tilespmem:v37+s20+$0x0] =	vst.idx.msk $0xffff, v32  }
0x487: {  	v32 =	vor.u32 s23, v57;
	[tilespmem:v38+s20+$0x0] =	vst.idx.msk $0xffff, v34  }
0x488: {  	v34 =	vor.u32 s23, v54;
	[tilespmem:v39+s20+$0x0] =	vst.idx.msk $0xffff, v35  }
0x489: {  	v35 =	vld.idx.msk [tilespmem:v40+s19+$0x0], $0xffff  }
0x48a: {  	v33 =	vld.idx.msk [tilespmem:v36+s19+$0x0], $0xffff;
	v36 =	vor.u32 s24, v20  }
0x48b: {  	v37 =	vor.u32 s24, v21  }
0x48c: {  	v38 =	vor.u32 s24, v22;
	v32 =	vld.idx.msk [tilespmem:v32+s19+$0x0], $0xffff  }
0x48d: {  	v39 =	vor.u32 s24, v23;
	v34 =	vld.idx.msk [tilespmem:v34+s19+$0x0], $0xffff  }
0x48e: {  	v40 =	vor.u32 s23, v61  }
0x48f: {  	[tilespmem:v36+s20+$0x0] =	vst.idx.msk $0xffff, v35;
	v36 =	vor.u32 s23, v44  }
0x490: {  	[tilespmem:v37+s20+$0x0] =	vst.idx.msk $0xffff, v33  }
0x491: {  	v33 =	vor.u32 s23, v55;
	[tilespmem:v38+s20+$0x0] =	vst.idx.msk $0xffff, v32  }
0x492: {  	v32 =	vor.u32 s23, v52;
	[tilespmem:v39+s20+$0x0] =	vst.idx.msk $0xffff, v34  }
0x493: {  	v34 =	vld.idx.msk [tilespmem:v40+s19+$0x0], $0xffff  }
0x494: {  	v35 =	vld.idx.msk [tilespmem:v36+s19+$0x0], $0xffff;
	v36 =	vor.u32 s24, v28  }
0x495: {  	v37 =	vor.u32 s24, v29  }
0x496: {  	v38 =	vor.u32 s24, v30;
	v33 =	vld.idx.msk [tilespmem:v33+s19+$0x0], $0xffff  }
0x497: {  	v39 =	vor.u32 s24, v31;
	v32 =	vld.idx.msk [tilespmem:v32+s19+$0x0], $0xffff  }
0x498: {  	v40 =	vor.u32 s23, v56  }
0x499: {  	[tilespmem:v36+s20+$0x0] =	vst.idx.msk $0xffff, v34;
	v36 =	vor.u32 s23, v58  }
0x49a: {  	[tilespmem:v37+s20+$0x0] =	vst.idx.msk $0xffff, v35  }
0x49b: {  	v35 =	vor.u32 s23, v27;
	[tilespmem:v38+s20+$0x0] =	vst.idx.msk $0xffff, v33  }
0x49c: {  	v33 =	vor.u32 s23, v60;
	[tilespmem:v39+s20+$0x0] =	vst.idx.msk $0xffff, v32  }
0x49d: {  	s29 =	sadd.s32 $0x10, s24;
	v32 =	vld.idx.msk [tilespmem:v40+s19+$0x0], $0xffff  }
0x49e: {  	v34 =	vld.idx.msk [tilespmem:v36+s19+$0x0], $0xffff;
	v36 =	vor.u32 s29, v4  }
0x49f: {  	v37 =	vor.u32 s29, v5  }
0x4a0: {  	v38 =	vor.u32 s29, v6;
	v35 =	vld.idx.msk [tilespmem:v35+s19+$0x0], $0xffff  }
0x4a1: {  	v39 =	vor.u32 s29, v7;
	v33 =	vld.idx.msk [tilespmem:v33+s19+$0x0], $0xffff  }
0x4a2: {  	v40 =	vor.u32 s23, v26  }
0x4a3: {  	[tilespmem:v36+s20+$0x0] =	vst.idx.msk $0xffff, v32;
	v36 =	vor.u32 s23, v62  }
0x4a4: {  	[tilespmem:v37+s20+$0x0] =	vst.idx.msk $0xffff, v34  }
0x4a5: {  	[tilespmem:v38+s20+$0x0] =	vst.idx.msk $0xffff, v35  }
0x4a6: {  	v34 =	vor.u32 s23, v50;
	[tilespmem:v39+s20+$0x0] =	vst.idx.msk $0xffff, v33  }
0x4a7: {  	v35 =	vor.u32 s23, v63;
	v33 =	vld.idx.msk [tilespmem:v40+s19+$0x0], $0xffff  }
0x4a8: {  	v32 =	vld.idx.msk [tilespmem:v36+s19+$0x0], $0xffff;
	v36 =	vor.u32 s29, v12  }
0x4a9: {  	v37 =	vor.u32 s29, v13;
	_ =	sdelay $0x1  }
0x4aa: {  	v34 =	vld.idx.msk [tilespmem:v34+s19+$0x0], $0xffff  }
0x4ab: {  	v35 =	vld.idx.msk [tilespmem:v35+s19+$0x0], $0xffff  }
0x4ac: {  	v38 =	vor.u32 s29, v14;
	[tilespmem:v36+s20+$0x0] =	vst.idx.msk $0xffff, v33;
	v36 =	vld [tilespmem:$0x1FF10]  }
0x4ad: {  	v39 =	vor.u32 s29, v15;
	[tilespmem:v37+s20+$0x0] =	vst.idx.msk $0xffff, v32;
	v37 =	vld [tilespmem:$0x1FD50]  }
0x4ae: {  	v40 =	vor.u32 s23, v18;
	_ =	sdelay $0x2  }
0x4af: {  	[tilespmem:v38+s20+$0x0] =	vst.idx.msk $0xffff, v34;
	v33 =	vor.u32 s23, v36  }
0x4b0: {  	[tilespmem:v39+s20+$0x0] =	vst.idx.msk $0xffff, v35;
	v32 =	vor.u32 s23, v37  }
0x4b1: {  	v34 =	vor.u32 s23, v53;
	v35 =	vld.idx.msk [tilespmem:v40+s19+$0x0], $0xffff  }
0x4b2: {  	v40 =	vld [tilespmem:$0x1FEB0]  }
0x4b3: {  	v36 =	vor.u32 s29, v20  }
0x4b4: {  	v37 =	vor.u32 s29, v21;
	v33 =	vld.idx.msk [tilespmem:v33+s19+$0x0], $0xffff  }
0x4b5: {  	v38 =	vor.u32 s29, v22;
	v32 =	vld.idx.msk [tilespmem:v32+s19+$0x0], $0xffff  }
0x4b6: {  	v39 =	vor.u32 s29, v23;
	v34 =	vld.idx.msk [tilespmem:v34+s19+$0x0], $0xffff  }
0x4b7: {  	v40 =	vor.u32 s23, v40  }
0x4b8: {  	[tilespmem:v36+s20+$0x0] =	vst.idx.msk $0xffff, v35;
	v36 =	vor.u32 s23, v46  }
0x4b9: {  	[tilespmem:v37+s20+$0x0] =	vst.idx.msk $0xffff, v33  }
0x4ba: {  	[tilespmem:v38+s20+$0x0] =	vst.idx.msk $0xffff, v32  }
0x4bb: {  	v33 =	vor.u32 s23, v48;
	[tilespmem:v39+s20+$0x0] =	vst.idx.msk $0xffff, v34  }
0x4bc: {  	v32 =	vor.u32 s23, v49;
	v34 =	vld.idx.msk [tilespmem:v40+s19+$0x0], $0xffff  }
0x4bd: {  	v35 =	vld.idx.msk [tilespmem:v36+s19+$0x0], $0xffff;
	v36 =	vor.u32 s29, v28;
	_ =	sdelay $0x1  }
0x4be: {  	v37 =	vor.u32 s29, v29  }
0x4bf: {  	v38 =	vor.u32 s29, v30;
	v33 =	vld.idx.msk [tilespmem:v33+s19+$0x0], $0xffff  }
0x4c0: {  	v32 =	vld.idx.msk [tilespmem:v32+s19+$0x0], $0xffff  }
0x4c1: {  	[tilespmem:v36+s20+$0x0] =	vst.idx.msk $0xffff, v34;
	v36 =	vld [tilespmem:$0x1FEF0];
	_ =	sdelay $0x1  }
0x4c2: {  	[tilespmem:v37+s20+$0x0] =	vst.idx.msk $0xffff, v35;
	v37 =	vld [tilespmem:$0x1FF00]  }
0x4c3: {  	v39 =	vor.u32 s29, v31;
	[tilespmem:v38+s20+$0x0] =	vst.idx.msk $0xffff, v33;
	v38 =	vld [tilespmem:$0x1FD60]  }
0x4c4: {  	v40 =	vor.u32 s23, v59  }
0x4c5: {  	v34 =	vor.u32 s23, v36;
	_ =	sdelay $0x1  }
0x4c6: {  	v35 =	vor.u32 s23, v37  }
0x4c7: {  	s30 =	sadd.s32 $0x20, s24;
	[tilespmem:v39+s20+$0x0] =	vst.idx.msk $0xffff, v32;
	v33 =	vor.u32 s23, v38  }
0x4c8: {  	v32 =	vld.idx.msk [tilespmem:v40+s19+$0x0], $0xffff;
	v36 =	vor.u32 s30, v4  }
0x4c9: {  	v37 =	vor.u32 s30, v5;
	v34 =	vld.idx.msk [tilespmem:v34+s19+$0x0], $0xffff  }
0x4ca: {  	v40 =	vld [tilespmem:$0x1FD70]  }
0x4cb: {  	v38 =	vor.u32 s30, v6;
	v35 =	vld.idx.msk [tilespmem:v35+s19+$0x0], $0xffff  }
0x4cc: {  	v33 =	vld.idx.msk [tilespmem:v33+s19+$0x0], $0xffff  }
0x4cd: {  	[tilespmem:v36+s20+$0x0] =	vst.idx.msk $0xffff, v32;
	v36 =	vld [tilespmem:$0x1FD80]  }
0x4ce: {  	[tilespmem:v37+s20+$0x0] =	vst.idx.msk $0xffff, v34;
	v37 =	vld [tilespmem:$0x1FD90]  }
0x4cf: {  	v39 =	vor.u32 s30, v7  }
0x4d0: {  	v40 =	vor.u32 s23, v40;
	[tilespmem:v38+s20+$0x0] =	vst.idx.msk $0xffff, v35;
	v38 =	vld [tilespmem:$0x1FDA0];
	_ =	sdelay $0x1  }
0x4d1: {  	v32 =	vor.u32 s23, v36  }
0x4d2: {  	v34 =	vor.u32 s23, v37  }
0x4d3: {  	[tilespmem:v39+s20+$0x0] =	vst.idx.msk $0xffff, v33  }
0x4d4: {  	v33 =	vld.idx.msk [tilespmem:v40+s19+$0x0], $0xffff;
	v35 =	vor.u32 s23, v38  }
0x4d5: {  	v36 =	vor.u32 s30, v12;
	v40 =	vld [tilespmem:$0x1FDB0]  }
0x4d6: {  	v37 =	vor.u32 s30, v13;
	v32 =	vld.idx.msk [tilespmem:v32+s19+$0x0], $0xffff  }
0x4d7: {  	v38 =	vor.u32 s30, v14;
	v34 =	vld.idx.msk [tilespmem:v34+s19+$0x0], $0xffff;
	_ =	sdelay $0x1  }
0x4d8: {  	v35 =	vld.idx.msk [tilespmem:v35+s19+$0x0], $0xffff  }
0x4d9: {  	[tilespmem:v36+s20+$0x0] =	vst.idx.msk $0xffff, v33;
	v36 =	vld [tilespmem:$0x1FDC0]  }
0x4da: {  	v39 =	vor.u32 s30, v15;
	[tilespmem:v37+s20+$0x0] =	vst.idx.msk $0xffff, v32;
	v37 =	vld [tilespmem:$0x1FDD0]  }
0x4db: {  	v40 =	vor.u32 s23, v40;
	[tilespmem:v38+s20+$0x0] =	vst.idx.msk $0xffff, v34;
	v38 =	vld [tilespmem:$0x1FDE0];
	_ =	sdelay $0x2  }
0x4dc: {  	v33 =	vor.u32 s23, v36  }
0x4dd: {  	[tilespmem:v39+s20+$0x0] =	vst.idx.msk $0xffff, v35;
	v32 =	vor.u32 s23, v37  }
0x4de: {  	v35 =	vld.idx.msk [tilespmem:v40+s19+$0x0], $0xffff;
	v34 =	vor.u32 s23, v38  }
0x4df: {  	v40 =	vld [tilespmem:$0x1FDF0]  }
0x4e0: {  	v36 =	vor.u32 s30, v20  }
0x4e1: {  	v37 =	vor.u32 s30, v21;
	v33 =	vld.idx.msk [tilespmem:v33+s19+$0x0], $0xffff  }
0x4e2: {  	v38 =	vor.u32 s30, v22;
	v32 =	vld.idx.msk [tilespmem:v32+s19+$0x0], $0xffff  }
0x4e3: {  	v39 =	vor.u32 s30, v23;
	v34 =	vld.idx.msk [tilespmem:v34+s19+$0x0], $0xffff  }
0x4e4: {  	v40 =	vor.u32 s23, v40  }
0x4e5: {  	[tilespmem:v36+s20+$0x0] =	vst.idx.msk $0xffff, v35;
	v36 =	vor.u32 s23, v24  }
0x4e6: {  	[tilespmem:v37+s20+$0x0] =	vst.idx.msk $0xffff, v33  }
0x4e7: {  	v33 =	vor.u32 s23, v19;
	[tilespmem:v38+s20+$0x0] =	vst.idx.msk $0xffff, v32  }
0x4e8: {  	v32 =	vor.u32 s23, v25;
	[tilespmem:v39+s20+$0x0] =	vst.idx.msk $0xffff, v34  }
0x4e9: {  	v34 =	vld.idx.msk [tilespmem:v40+s19+$0x0], $0xffff  }
0x4ea: {  	v35 =	vld.idx.msk [tilespmem:v36+s19+$0x0], $0xffff;
	v36 =	vor.u32 s30, v28  }
0x4eb: {  	v37 =	vor.u32 s30, v29  }
0x4ec: {  	v38 =	vor.u32 s30, v30;
	v33 =	vld.idx.msk [tilespmem:v33+s19+$0x0], $0xffff  }
0x4ed: {  	v39 =	vor.u32 s30, v31;
	v32 =	vld.idx.msk [tilespmem:v32+s19+$0x0], $0xffff  }
0x4ee: {  	v40 =	vor.u32 s23, v11  }
0x4ef: {  	[tilespmem:v36+s20+$0x0] =	vst.idx.msk $0xffff, v34;
	v36 =	vor.u32 s23, v17  }
0x4f0: {  	[tilespmem:v37+s20+$0x0] =	vst.idx.msk $0xffff, v35  }
0x4f1: {  	v35 =	vor.u32 s23, v16;
	[tilespmem:v38+s20+$0x0] =	vst.idx.msk $0xffff, v33  }
0x4f2: {  	v33 =	vor.u32 s23, v0;
	[tilespmem:v39+s20+$0x0] =	vst.idx.msk $0xffff, v32  }
0x4f3: {  	s31 =	sadd.s32 $0x30, s24;
	v32 =	vld.idx.msk [tilespmem:v40+s19+$0x0], $0xffff  }
0x4f4: {  	v34 =	vld.idx.msk [tilespmem:v36+s19+$0x0], $0xffff;
	v36 =	vor.u32 s31, v4  }
0x4f5: {  	v37 =	vor.u32 s31, v5  }
0x4f6: {  	v38 =	vor.u32 s31, v6;
	v35 =	vld.idx.msk [tilespmem:v35+s19+$0x0], $0xffff  }
0x4f7: {  	v39 =	vor.u32 s31, v7;
	v33 =	vld.idx.msk [tilespmem:v33+s19+$0x0], $0xffff  }
0x4f8: {  	v40 =	vor.u32 s23, v9  }
0x4f9: {  	[tilespmem:v36+s20+$0x0] =	vst.idx.msk $0xffff, v32;
	v36 =	vor.u32 s23, v3  }
0x4fa: {  	[tilespmem:v37+s20+$0x0] =	vst.idx.msk $0xffff, v34  }
0x4fb: {  	v34 =	vor.u32 s23, v8;
	[tilespmem:v38+s20+$0x0] =	vst.idx.msk $0xffff, v35  }
0x4fc: {  	[tilespmem:v39+s20+$0x0] =	vst.idx.msk $0xffff, v33  }
0x4fd: {  	v35 =	vor.u32 s23, v10;
	v33 =	vld.idx.msk [tilespmem:v40+s19+$0x0], $0xffff  }
0x4fe: {  	v32 =	vld.idx.msk [tilespmem:v36+s19+$0x0], $0xffff;
	v36 =	vor.u32 s31, v12  }
0x4ff: {  	v37 =	vor.u32 s31, v13  }
0x500: {  	v38 =	vor.u32 s31, v14;
	v34 =	vld.idx.msk [tilespmem:v34+s19+$0x0], $0xffff  }
0x501: {  	v40 =	vld [tilespmem:$0x1FE60]  }
0x502: {  	v35 =	vld.idx.msk [tilespmem:v35+s19+$0x0], $0xffff  }
0x503: {  	[tilespmem:v36+s20+$0x0] =	vst.idx.msk $0xffff, v33;
	v36 =	vld [tilespmem:$0x1FE70]  }
0x504: {  	[tilespmem:v37+s20+$0x0] =	vst.idx.msk $0xffff, v32;
	v37 =	vld [tilespmem:$0x1FF30]  }
0x505: {  	v39 =	vor.u32 s31, v15;
	[tilespmem:v38+s20+$0x0] =	vst.idx.msk $0xffff, v34;
	v38 =	vld [tilespmem:$0x1FE80]  }
0x506: {  	v40 =	vor.u32 s23, v40;
	_ =	sdelay $0x1  }
0x507: {  	v33 =	vor.u32 s23, v36  }
0x508: {  	v32 =	vor.u32 s23, v37  }
0x509: {  	[tilespmem:v39+s20+$0x0] =	vst.idx.msk $0xffff, v35;
	v34 =	vor.u32 s23, v38  }
0x50a: {  	v35 =	vld.idx.msk [tilespmem:v40+s19+$0x0], $0xffff;
	v36 =	vor.u32 s31, v20  }
0x50b: {  	v40 =	vld [tilespmem:$0x1FF50]  }
0x50c: {  	v37 =	vor.u32 s31, v21;
	v33 =	vld.idx.msk [tilespmem:v33+s19+$0x0], $0xffff  }
0x50d: {  	v32 =	vld.idx.msk [tilespmem:v32+s19+$0x0], $0xffff  }
0x50e: {  	v38 =	vor.u32 s31, v22;
	v34 =	vld.idx.msk [tilespmem:v34+s19+$0x0], $0xffff  }
0x50f: {  	[tilespmem:v36+s20+$0x0] =	vst.idx.msk $0xffff, v35;
	v36 =	vld [tilespmem:$0x1FF60];
	_ =	sdelay $0x1  }
0x510: {  	v39 =	vor.u32 s31, v23;
	[tilespmem:v37+s20+$0x0] =	vst.idx.msk $0xffff, v33;
	v37 =	vld [tilespmem:$0x1FF40]  }
0x511: {  	v40 =	vor.u32 s23, v40  }
0x512: {  	[tilespmem:v38+s20+$0x0] =	vst.idx.msk $0xffff, v32;
	v32 =	vor.u32 s23, v41  }
0x513: {  	v35 =	vor.u32 s23, v36;
	_ =	sdelay $0x1  }
0x514: {  	[tilespmem:v39+s20+$0x0] =	vst.idx.msk $0xffff, v34;
	v33 =	vor.u32 s23, v37  }
0x515: {  	v39 =	vor.u32 s31, v28;
	v36 =	vld.idx.msk [tilespmem:v40+s19+$0x0], $0xffff  }
0x516: {  	v32 =	vld.idx.msk [tilespmem:v32+s19+$0x0], $0xffff  }
0x517: {  	v38 =	vld.idx.msk [tilespmem:v35+s19+$0x0], $0xffff  }
0x518: {  	v35 =	vld [tilespmem:$0x1FF70]  }
0x519: {  	v40 =	vld.idx.msk [tilespmem:v33+s19+$0x0], $0xffff  }
0x51a: {  	v33 =	vor.u32 s31, v29;
	[tilespmem:v39+s20+$0x0] =	vst.idx.msk $0xffff, v36;
	v36 =	vld [tilespmem:$0x1FC40]  }
0x51b: {  	p1 =	sne.s32 s26, $0x70;
	v41 =	vor.u32 s31, v30;
	v39 =	vld [tilespmem:$0x1FC50]  }
.Ltmp7:
0x51c: {  	_ = 	snop;
	(pc) =	sbr.rel @p1 .LBB2_8-.Ltmp7, $4  }
0x51d: {  	s28 =	smov.u32 s26  }
0x51e: {  	s23 =	smov.u32 s28  }
0x51f: {  	v37 =	vor.u32 s31, v31;
	v34 =	vor.u32 s23, v42;
	[tilespmem:v33+s20+$0x0] =	vst.idx.msk $0xffff, v38  }
0x520: {  	s26 =	sadd.s32 $0x10, s26;
	v35 =	vor.u32 s23, v35;
	v36 =	vor.u32 s23, v36;
	v33 =	vor.u32 s23, v39;
	[tilespmem:v41+s20+$0x0] =	vst.idx.msk $0xffff, v40;
	v41 =	vld [tilespmem:$0x1FE90]  }
0x521: {  	_ =	sdelay $0x3  }
0x522: {  	[tilespmem:v37+s20+$0x0] =	vst.idx.msk $0xffff, v32;
	s24 =	sadd.s32 $0x400, s24  }
0x523: {  	v32 =	vld.idx.msk [tilespmem:v34+s19+$0x0], $0xffff;
	v34 =	vor.u32 s24, v4  }
0x524: {  	v35 =	vld.idx.msk [tilespmem:v35+s19+$0x0], $0xffff;
	v37 =	vor.u32 s24, v5  }
0x525: {  	v36 =	vld.idx.msk [tilespmem:v36+s19+$0x0], $0xffff;
	v38 =	vor.u32 s24, v6  }
0x526: {  	v33 =	vld.idx.msk [tilespmem:v33+s19+$0x0], $0xffff;
	v39 =	vor.u32 s24, v7  }
0x527: {  	v40 =	vor.u32 s23, v2  }
0x528: {  	[tilespmem:v34+s20+$0x0] =	vst.idx.msk $0xffff, v32;
	v32 =	vor.u32 s23, v1  }
0x529: {  	v34 =	vor.u32 s23, v51;
	[tilespmem:v37+s20+$0x0] =	vst.idx.msk $0xffff, v35  }
0x52a: {  	v45 =	vor.u32 s23, v45;
	[tilespmem:v38+s20+$0x0] =	vst.idx.msk $0xffff, v36  }
0x52b: {  	[tilespmem:v39+s20+$0x0] =	vst.idx.msk $0xffff, v33  }
0x52c: {  	v36 =	vor.u32 s24, v12;
	v33 =	vld.idx.msk [tilespmem:v40+s19+$0x0], $0xffff  }
0x52d: {  	v51 =	vor.u32 s24, v13;
	v32 =	vld.idx.msk [tilespmem:v32+s19+$0x0], $0xffff  }
0x52e: {  	v38 =	vor.u32 s24, v14;
	v34 =	vld.idx.msk [tilespmem:v34+s19+$0x0], $0xffff  }
0x52f: {  	v39 =	vor.u32 s24, v15;
	v35 =	vld.idx.msk [tilespmem:v45+s19+$0x0], $0xffff  }
0x530: {  	v45 =	vor.u32 s23, v47  }
0x531: {  	v47 =	vor.u32 s23, v43;
	[tilespmem:v36+s20+$0x0] =	vst.idx.msk $0xffff, v33  }
0x532: {  	[tilespmem:v51+s20+$0x0] =	vst.idx.msk $0xffff, v32;
	v51 =	vor.u32 s23, v57  }
0x533: {  	v54 =	vor.u32 s23, v54;
	[tilespmem:v38+s20+$0x0] =	vst.idx.msk $0xffff, v34  }
0x534: {  	[tilespmem:v39+s20+$0x0] =	vst.idx.msk $0xffff, v35  }
0x535: {  	v57 =	vor.u32 s24, v20;
	v35 =	vld.idx.msk [tilespmem:v45+s19+$0x0], $0xffff  }
0x536: {  	v33 =	vld.idx.msk [tilespmem:v47+s19+$0x0], $0xffff;
	v45 =	vor.u32 s24, v21  }
0x537: {  	v47 =	vor.u32 s24, v22;
	v32 =	vld.idx.msk [tilespmem:v51+s19+$0x0], $0xffff  }
0x538: {  	v34 =	vld.idx.msk [tilespmem:v54+s19+$0x0], $0xffff;
	v51 =	vor.u32 s24, v23  }
0x539: {  	v54 =	vor.u32 s23, v61  }
0x53a: {  	[tilespmem:v57+s20+$0x0] =	vst.idx.msk $0xffff, v35;
	v57 =	vor.u32 s23, v44  }
0x53b: {  	v61 =	vor.u32 s23, v55;
	[tilespmem:v45+s20+$0x0] =	vst.idx.msk $0xffff, v33  }
0x53c: {  	v43 =	vor.u32 s23, v52;
	[tilespmem:v47+s20+$0x0] =	vst.idx.msk $0xffff, v32  }
0x53d: {  	[tilespmem:v51+s20+$0x0] =	vst.idx.msk $0xffff, v34  }
0x53e: {  	v44 =	vor.u32 s24, v28;
	v34 =	vld.idx.msk [tilespmem:v54+s19+$0x0], $0xffff  }
0x53f: {  	v45 =	vor.u32 s24, v29;
	v35 =	vld.idx.msk [tilespmem:v57+s19+$0x0], $0xffff  }
0x540: {  	v47 =	vor.u32 s24, v30;
	v33 =	vld.idx.msk [tilespmem:v61+s19+$0x0], $0xffff  }
0x541: {  	v51 =	vor.u32 s24, v31;
	v32 =	vld.idx.msk [tilespmem:v43+s19+$0x0], $0xffff  }
0x542: {  	v61 =	vor.u32 s23, v56  }
0x543: {  	[tilespmem:v44+s20+$0x0] =	vst.idx.msk $0xffff, v34;
	v44 =	vor.u32 s23, v58  }
0x544: {  	[tilespmem:v45+s20+$0x0] =	vst.idx.msk $0xffff, v35;
	v45 =	vor.u32 s23, v27  }
0x545: {  	[tilespmem:v47+s20+$0x0] =	vst.idx.msk $0xffff, v33;
	v47 =	vor.u32 s23, v60  }
0x546: {  	s26 =	sadd.s32 $0x10, s24;
	[tilespmem:v51+s20+$0x0] =	vst.idx.msk $0xffff, v32  }
0x547: {  	v51 =	vor.u32 s26, v4;
	v32 =	vld.idx.msk [tilespmem:v61+s19+$0x0], $0xffff  }
0x548: {  	v52 =	vor.u32 s26, v5;
	v34 =	vld.idx.msk [tilespmem:v44+s19+$0x0], $0xffff  }
0x549: {  	v54 =	vor.u32 s26, v6;
	v35 =	vld.idx.msk [tilespmem:v45+s19+$0x0], $0xffff  }
0x54a: {  	v57 =	vor.u32 s26, v7;
	v33 =	vld.idx.msk [tilespmem:v47+s19+$0x0], $0xffff  }
0x54b: {  	v58 =	vor.u32 s23, v26  }
0x54c: {  	v60 =	vor.u32 s23, v62;
	[tilespmem:v51+s20+$0x0] =	vst.idx.msk $0xffff, v32  }
0x54d: {  	v61 =	vor.u32 s23, v50;
	[tilespmem:v52+s20+$0x0] =	vst.idx.msk $0xffff, v34  }
0x54e: {  	v2 =	vld [tilespmem:$0x1FD50];
	v62 =	vor.u32 s23, v63;
	[tilespmem:v54+s20+$0x0] =	vst.idx.msk $0xffff, v35  }
0x54f: {  	v50 =	vor.u32 s23, v18;
	v18 =	vld [tilespmem:$0x1FF10];
	[tilespmem:v57+s20+$0x0] =	vst.idx.msk $0xffff, v33  }
0x550: {  	v63 =	vor.u32 s26, v12;
	v33 =	vld.idx.msk [tilespmem:v58+s19+$0x0], $0xffff  }
0x551: {  	v44 =	vor.u32 s26, v13;
	v32 =	vld.idx.msk [tilespmem:v60+s19+$0x0], $0xffff  }
0x552: {  	v45 =	vor.u32 s26, v14;
	v34 =	vld.idx.msk [tilespmem:v61+s19+$0x0], $0xffff  }
0x553: {  	v47 =	vor.u32 s26, v15;
	v35 =	vld.idx.msk [tilespmem:v62+s19+$0x0], $0xffff;
	_ =	sdelay $0x1  }
0x554: {  	v51 =	vor.u32 s23, v18;
	[tilespmem:v63+s20+$0x0] =	vst.idx.msk $0xffff, v33  }
0x555: {  	v52 =	vor.u32 s23, v2;
	[tilespmem:v44+s20+$0x0] =	vst.idx.msk $0xffff, v32  }
0x556: {  	v2 =	vld [tilespmem:$0x1FEF0];
	[tilespmem:v45+s20+$0x0] =	vst.idx.msk $0xffff, v34  }
0x557: {  	v53 =	vor.u32 s23, v53;
	v1 =	vld [tilespmem:$0x1FEB0];
	[tilespmem:v47+s20+$0x0] =	vst.idx.msk $0xffff, v35  }
0x558: {  	v35 =	vld.idx.msk [tilespmem:v50+s19+$0x0], $0xffff  }
0x559: {  	v54 =	vor.u32 s26, v20;
	v33 =	vld.idx.msk [tilespmem:v51+s19+$0x0], $0xffff  }
0x55a: {  	v57 =	vor.u32 s26, v21;
	v32 =	vld.idx.msk [tilespmem:v52+s19+$0x0], $0xffff  }
0x55b: {  	v58 =	vor.u32 s26, v22;
	v50 =	vor.u32 s23, v2;
	v2 =	vld [tilespmem:$0x1FF00]  }
0x55c: {  	v60 =	vor.u32 s26, v23;
	v34 =	vld.idx.msk [tilespmem:v53+s19+$0x0], $0xffff  }
0x55d: {  	v61 =	vor.u32 s23, v1  }
0x55e: {  	v62 =	vor.u32 s23, v46;
	[tilespmem:v54+s20+$0x0] =	vst.idx.msk $0xffff, v35  }
0x55f: {  	v63 =	vor.u32 s23, v48;
	[tilespmem:v57+s20+$0x0] =	vst.idx.msk $0xffff, v33  }
0x560: {  	v51 =	vor.u32 s23, v2;
	v2 =	vld [tilespmem:$0x1FD60];
	[tilespmem:v58+s20+$0x0] =	vst.idx.msk $0xffff, v32  }
0x561: {  	v43 =	vor.u32 s23, v49;
	v1 =	vld [tilespmem:$0x1FD90];
	[tilespmem:v60+s20+$0x0] =	vst.idx.msk $0xffff, v34  }
0x562: {  	v34 =	vld.idx.msk [tilespmem:v61+s19+$0x0], $0xffff  }
0x563: {  	v44 =	vor.u32 s26, v28;
	v35 =	vld.idx.msk [tilespmem:v62+s19+$0x0], $0xffff  }
0x564: {  	v45 =	vor.u32 s26, v29;
	v33 =	vld.idx.msk [tilespmem:v63+s19+$0x0], $0xffff  }
0x565: {  	v46 =	vor.u32 s26, v30;
	v52 =	vor.u32 s23, v2;
	v2 =	vld [tilespmem:$0x1FD70]  }
0x566: {  	v47 =	vor.u32 s26, v31;
	v32 =	vld.idx.msk [tilespmem:v43+s19+$0x0], $0xffff  }
0x567: {  	v48 =	vor.u32 s23, v59  }
0x568: {  	[tilespmem:v44+s20+$0x0] =	vst.idx.msk $0xffff, v34  }
0x569: {  	[tilespmem:v45+s20+$0x0] =	vst.idx.msk $0xffff, v35  }
0x56a: {  	v49 =	vmov v59;
	v59 =	vor.u32 s23, v2;
	v2 =	vld [tilespmem:$0x1FD80];
	[tilespmem:v46+s20+$0x0] =	vst.idx.msk $0xffff, v33  }
0x56b: {  	v61 =	vor.u32 s23, v1;
	v1 =	vld [tilespmem:$0x1FDC0];
	[tilespmem:v47+s20+$0x0] =	vst.idx.msk $0xffff, v32  }
0x56c: {  	s30 =	sadd.s32 $0x20, s24;
	v32 =	vld.idx.msk [tilespmem:v48+s19+$0x0], $0xffff  }
0x56d: {  	v53 =	vor.u32 s30, v4;
	v34 =	vld.idx.msk [tilespmem:v50+s19+$0x0], $0xffff  }
0x56e: {  	v54 =	vor.u32 s30, v5;
	v35 =	vld.idx.msk [tilespmem:v51+s19+$0x0], $0xffff  }
0x56f: {  	v57 =	vor.u32 s30, v6;
	v60 =	vor.u32 s23, v2;
	v2 =	vld [tilespmem:$0x1FDA0]  }
0x570: {  	v58 =	vor.u32 s30, v7;
	v33 =	vld.idx.msk [tilespmem:v52+s19+$0x0], $0xffff;
	_ =	sdelay $0x1  }
0x571: {  	[tilespmem:v53+s20+$0x0] =	vst.idx.msk $0xffff, v32  }
0x572: {  	[tilespmem:v54+s20+$0x0] =	vst.idx.msk $0xffff, v34  }
0x573: {  	[tilespmem:v57+s20+$0x0] =	vst.idx.msk $0xffff, v35;
	v62 =	vor.u32 s23, v2;
	v2 =	vld [tilespmem:$0x1FDB0]  }
0x574: {  	v48 =	vor.u32 s23, v1;
	v1 =	vld [tilespmem:$0x1FDD0];
	[tilespmem:v58+s20+$0x0] =	vst.idx.msk $0xffff, v33  }
0x575: {  	v33 =	vld.idx.msk [tilespmem:v59+s19+$0x0], $0xffff  }
0x576: {  	v63 =	vor.u32 s30, v12;
	v32 =	vld.idx.msk [tilespmem:v60+s19+$0x0], $0xffff  }
0x577: {  	v44 =	vor.u32 s30, v13;
	v34 =	vld.idx.msk [tilespmem:v61+s19+$0x0], $0xffff  }
0x578: {  	v45 =	vor.u32 s30, v14;
	v47 =	vor.u32 s23, v2;
	v2 =	vld [tilespmem:$0x1FDE0]  }
0x579: {  	v46 =	vor.u32 s30, v15;
	v35 =	vld.idx.msk [tilespmem:v62+s19+$0x0], $0xffff;
	_ =	sdelay $0x1  }
0x57a: {  	[tilespmem:v63+s20+$0x0] =	vst.idx.msk $0xffff, v33  }
0x57b: {  	v50 =	vor.u32 s23, v1;
	[tilespmem:v44+s20+$0x0] =	vst.idx.msk $0xffff, v32  }
0x57c: {  	[tilespmem:v45+s20+$0x0] =	vst.idx.msk $0xffff, v34;
	v51 =	vor.u32 s23, v2  }
0x57d: {  	[tilespmem:v46+s20+$0x0] =	vst.idx.msk $0xffff, v35;
	v2 =	vld [tilespmem:$0x1FDF0]  }
0x57e: {  	v52 =	vor.u32 s30, v20;
	v35 =	vld.idx.msk [tilespmem:v47+s19+$0x0], $0xffff  }
0x57f: {  	v53 =	vor.u32 s30, v21;
	v33 =	vld.idx.msk [tilespmem:v48+s19+$0x0], $0xffff  }
0x580: {  	v54 =	vor.u32 s30, v22;
	v32 =	vld.idx.msk [tilespmem:v50+s19+$0x0], $0xffff  }
0x581: {  	v57 =	vor.u32 s30, v23;
	v34 =	vld.idx.msk [tilespmem:v51+s19+$0x0], $0xffff  }
0x582: {  	v58 =	vor.u32 s23, v2  }
0x583: {  	v59 =	vor.u32 s23, v24;
	[tilespmem:v52+s20+$0x0] =	vst.idx.msk $0xffff, v35  }
0x584: {  	v60 =	vor.u32 s23, v19;
	[tilespmem:v53+s20+$0x0] =	vst.idx.msk $0xffff, v33  }
0x585: {  	v61 =	vor.u32 s23, v25;
	[tilespmem:v54+s20+$0x0] =	vst.idx.msk $0xffff, v32  }
0x586: {  	v1 =	vld [tilespmem:$0x1FE60];
	[tilespmem:v57+s20+$0x0] =	vst.idx.msk $0xffff, v34  }
0x587: {  	v62 =	vor.u32 s30, v28;
	v34 =	vld.idx.msk [tilespmem:v58+s19+$0x0], $0xffff  }
0x588: {  	v63 =	vor.u32 s30, v29;
	v35 =	vld.idx.msk [tilespmem:v59+s19+$0x0], $0xffff  }
0x589: {  	v43 =	vor.u32 s30, v30;
	v33 =	vld.idx.msk [tilespmem:v60+s19+$0x0], $0xffff  }
0x58a: {  	v44 =	vor.u32 s30, v31;
	v32 =	vld.idx.msk [tilespmem:v61+s19+$0x0], $0xffff  }
0x58b: {  	v2 =	vor.u32 s23, v11  }
0x58c: {  	v45 =	vor.u32 s23, v17;
	[tilespmem:v62+s20+$0x0] =	vst.idx.msk $0xffff, v34  }
0x58d: {  	v46 =	vor.u32 s23, v16;
	[tilespmem:v63+s20+$0x0] =	vst.idx.msk $0xffff, v35  }
0x58e: {  	v47 =	vor.u32 s23, v0;
	[tilespmem:v43+s20+$0x0] =	vst.idx.msk $0xffff, v33  }
0x58f: {  	s24 =	sadd.s32 $0x30, s24;
	v63 =	vor.u32 s23, v1;
	v1 =	vld [tilespmem:$0x1FE70];
	[tilespmem:v44+s20+$0x0] =	vst.idx.msk $0xffff, v32  }
0x590: {  	v48 =	vor.u32 s24, v4;
	v2 =	vld.idx.msk [tilespmem:v2+s19+$0x0], $0xffff  }
0x591: {  	v50 =	vor.u32 s24, v5;
	v34 =	vld.idx.msk [tilespmem:v45+s19+$0x0], $0xffff  }
0x592: {  	v52 =	vor.u32 s24, v6;
	v35 =	vld.idx.msk [tilespmem:v46+s19+$0x0], $0xffff  }
0x593: {  	v53 =	vor.u32 s24, v7;
	v33 =	vld.idx.msk [tilespmem:v47+s19+$0x0], $0xffff  }
0x594: {  	v54 =	vor.u32 s23, v9  }
0x595: {  	[tilespmem:v48+s20+$0x0] =	vst.idx.msk $0xffff, v2;
	v2 =	vor.u32 s23, v3  }
0x596: {  	v57 =	vor.u32 s23, v8;
	[tilespmem:v50+s20+$0x0] =	vst.idx.msk $0xffff, v34  }
0x597: {  	v24 =	vld [tilespmem:$0x1FF30];
	v58 =	vor.u32 s23, v10;
	[tilespmem:v52+s20+$0x0] =	vst.idx.msk $0xffff, v35  }
0x598: {  	v43 =	vor.u32 s23, v1;
	v1 =	vld [tilespmem:$0x1FE80];
	[tilespmem:v53+s20+$0x0] =	vst.idx.msk $0xffff, v33  }
0x599: {  	v59 =	vor.u32 s24, v12;
	v33 =	vld.idx.msk [tilespmem:v54+s19+$0x0], $0xffff  }
0x59a: {  	v60 =	vor.u32 s24, v13;
	v2 =	vld.idx.msk [tilespmem:v2+s19+$0x0], $0xffff  }
0x59b: {  	v61 =	vor.u32 s24, v14;
	v32 =	vld.idx.msk [tilespmem:v57+s19+$0x0], $0xffff  }
0x59c: {  	v62 =	vor.u32 s24, v15;
	v34 =	vld.idx.msk [tilespmem:v58+s19+$0x0], $0xffff;
	_ =	sdelay $0x1  }
0x59d: {  	[tilespmem:v59+s20+$0x0] =	vst.idx.msk $0xffff, v33  }
0x59e: {  	v55 =	vmov v56;
	v56 =	vmov v27;
	v27 =	vor.u32 s23, v24;
	v9 =	vld [tilespmem:$0x1FF50];
	[tilespmem:v60+s20+$0x0] =	vst.idx.msk $0xffff, v2  }
0x59f: {  	v44 =	vor.u32 s23, v1;
	v53 =	vld [tilespmem:$0x1FF40];
	[tilespmem:v61+s20+$0x0] =	vst.idx.msk $0xffff, v32  }
0x5a0: {  	v54 =	vld [tilespmem:$0x1FF60];
	[tilespmem:v62+s20+$0x0] =	vst.idx.msk $0xffff, v34  }
0x5a1: {  	v45 =	vor.u32 s24, v20;
	v34 =	vld.idx.msk [tilespmem:v63+s19+$0x0], $0xffff  }
0x5a2: {  	v46 =	vor.u32 s24, v21;
	v33 =	vld.idx.msk [tilespmem:v43+s19+$0x0], $0xffff  }
0x5a3: {  	v47 =	vor.u32 s24, v22;
	v27 =	vld.idx.msk [tilespmem:v27+s19+$0x0], $0xffff  }
0x5a4: {  	v48 =	vor.u32 s24, v23;
	v32 =	vld.idx.msk [tilespmem:v44+s19+$0x0], $0xffff  }
0x5a5: {  	v50 =	vor.u32 s23, v9  }
0x5a6: {  	v52 =	vor.u32 s23, v54;
	[tilespmem:v45+s20+$0x0] =	vst.idx.msk $0xffff, v34  }
0x5a7: {  	v57 =	vor.u32 s23, v53;
	[tilespmem:v46+s20+$0x0] =	vst.idx.msk $0xffff, v33  }
0x5a8: {  	[tilespmem:v47+s20+$0x0] =	vst.idx.msk $0xffff, v27;
	v27 =	vor.u32 s23, v41  }
0x5a9: {  	[tilespmem:v48+s20+$0x0] =	vst.idx.msk $0xffff, v32  }
0x5aa: {  	v59 =	vor.u32 s24, v28;
	v32 =	vld.idx.msk [tilespmem:v50+s19+$0x0], $0xffff  }
0x5ab: {  	v61 =	vor.u32 s24, v29;
	v34 =	vld.idx.msk [tilespmem:v52+s19+$0x0], $0xffff  }
0x5ac: {  	v62 =	vor.u32 s24, v30;
	v33 =	vld.idx.msk [tilespmem:v57+s19+$0x0], $0xffff  }
0x5ad: {  	v63 =	vor.u32 s24, v31;
	v27 =	vld.idx.msk [tilespmem:v27+s19+$0x0], $0xffff;
	_ =	sdelay $0x1  }
.Ltmp8:
0x5ae: {  	v40 =	vld [tilespmem:$0x1FF90];
	[tilespmem:v59+s20+$0x0] =	vst.idx.msk $0xffff, v32;
	(pc) =	sbr.rel .LBB2_10-.Ltmp8, $4  }
0x5af: {  	v39 =	vld [tilespmem:$0x1FF70];
	[tilespmem:v61+s20+$0x0] =	vst.idx.msk $0xffff, v34  }
0x5b0: {  	s31 =	sshll.u32 s25, $0xA;
	v26 =	vld [tilespmem:$0x1FFB0];
	[tilespmem:v62+s20+$0x0] =	vst.idx.msk $0xffff, v33  }
0x5b1: {  	v19 =	vmovc v42;
	v51 =	vmovc v16;
	v16 =	vmov v56;
	v56 =	vmov v54;
	v54 =	vmov v55;
	v46 =	vld [tilespmem:$0x1FFC0];
	s23 =	sadd.s32 s2, s31;
	[tilespmem:v63+s20+$0x0] =	vst.idx.msk $0xffff, v27  }
0x5b2: {  	v2 =	vmovc v18;
	v18 =	vmovc v8;
	v45 =	vmov v51;
	v47 =	vmov v17;
	v41 =	vmov v53;
	v48 =	vld [tilespmem:$0x1FFA0];
	[hbm4b:s23+s5] =	stream.linear.scatter [tilespmem:s20], [sflag:$0x4], $0x2000, $0x38  }
.LBB2_12:
0x5b3: {  	_ =	sfence.sel $0x180000  }
0x5b4: {  	[bflag:$0x0] =	sbarrier.arrive $0xFFFF  }
0x5b5: {  	p0 =	sne.s32 s3, $0x0;
	_ =	strace $0x90000047  }
0x5b6: {  	s0 =	sadd.s32 @!p0 $0x100000, s4;
	[bflag:$0x2] =	sbarrier.arrive $0xFFFF  }
0x5b7: {  	[sflag:s0] =	ssyncadd.tile.s32 @!p0 $0x1;
	_ =	shalt  }
.Lfunc_end2:
_tile_overlayer_lowered:
.L_overlay_start_2:
0x5b8: {  	(tag) =	ssettag $0x2  }
0x5b9: {  	s0 =	rddreg [dreg:$0x0];
	s2 =	stileid.u32  }
0x5ba: {  	s1 =	rddreg [dreg:$0x1];
	p0 =	sne.s32 s2, $0x0  }
0x5bb: {  	s3 =	rddreg [dreg:$0x2];
	[bflag:$0x3] =	sbarrier.arrive $0xFFFF;
	s2 =	simm.s32 @!p0 $0x1C05  }
0x5bc: {  	[timem:s3], [sflag:s2] =	dma.local @!p0 [hbm:s0], s1  }
0x5bd: {  	s0 =	simm.s32 @!p0 $0x5  }
0x5be: {  	_ =	swait.ge @!p0 [sflag:s0], s1  }
0x5bf: {  	s1 =	ssub.s32 @!p0 $0x0, s1;
	[sflag:s0] =	ssyncset.done @!p0 $0x0  }
0x5c0: {  	[sflag:s0] =	ssyncadd.s32 @!p0 s1  }
0x5c1: {  	[bflag:$0x3] =	sbarrier.arrive $0xFFFF  }
0x5c2: {  	_ =	shalt  }

</sc_bundles>
